<compile_context>
chip_gen: v7x
topology: tpu7x:2x2x1
jax: 0.10.2.dev20260603
libtpu: 0.0.44.dev20260713+nightly
codegen_flags: <defaults>
</compile_context>

<pallas_src>
import functools

import jax
import jax.numpy as jnp
from jax import lax
from jax.experimental import pallas as pl
from jax.experimental.pallas import tpu as pltpu
from jax.experimental.pallas import tpu_sc as plsc

N = 10000
E = 320000

NC = 2
NS = 16
CHUNK = 128
KI = 32
NBLK = 5
NCH = KI * NBLK
EP = NCH * CHUNK
EPAD = NS * EP
TRASH = N
RPT = 640
R = NS * RPT
NOUT = R


def _make_seg_sum(dh):
  mesh = plsc.VectorSubcoreMesh(core_axis_name="c", subcore_axis_name="s",
                                num_cores=NC, num_subcores=NS)

  @functools.partial(
      pl.kernel,
      out_type=jax.ShapeDtypeStruct((NC, NOUT, dh), jnp.float32),
      mesh=mesh,
      scratch_types=[
          pltpu.VMEM((KI, CHUNK), jnp.int32),
          pltpu.VMEM((KI, CHUNK), jnp.int32),
          pltpu.VMEM((CHUNK, dh), jnp.float32),
          pltpu.VMEM((CHUNK, dh), jnp.float32),
          pltpu.VMEM_SHARED((R, dh), jnp.float32),
          pltpu.SemaphoreType.DMA,
          pltpu.SemaphoreType.DMA,
      ],
  )
  def seg_sum(y_hbm, srcs_hbm, dsts_hbm, zeros_hbm, out_hbm,
              src_v, dst_v, rows0, rows1, acc_sh, sem0, sem1):
    c = lax.axis_index("c")
    s = lax.axis_index("s")
    pltpu.sync_copy(zeros_hbm, acc_sh.at[pl.ds(s * RPT, RPT)])
    plsc.subcore_barrier()
    table = y_hbm.at[c]

    def blk(bi, carry):
      pltpu.sync_copy(srcs_hbm.at[s].at[pl.ds(bi * KI, KI)], src_v)
      pltpu.sync_copy(dsts_hbm.at[s].at[pl.ds(bi * KI, KI)], dst_v)
      pltpu.async_copy(table.at[src_v.at[0]], rows0, sem0)

      def pair(k, carry2):
        j0 = 2 * k
        pltpu.make_async_copy(table.at[src_v.at[0]], rows0, sem0).wait()
        pltpu.async_copy(table.at[src_v.at[j0 + 1]], rows1, sem1)
        pltpu.sync_copy(rows0, acc_sh.at[dst_v.at[j0]], add=True)
        pltpu.make_async_copy(table.at[src_v.at[0]], rows1, sem1).wait()

        @pl.when(j0 + 2 < KI)
        def _():
          pltpu.async_copy(table.at[src_v.at[j0 + 2]], rows0, sem0)

        pltpu.sync_copy(rows1, acc_sh.at[dst_v.at[j0 + 1]], add=True)
        return carry2

      return lax.fori_loop(0, KI // 2, pair, carry)

    lax.fori_loop(0, NBLK, blk, 0)
    plsc.subcore_barrier()
    pltpu.sync_copy(acc_sh.at[pl.ds(s * RPT, RPT)],
                    out_hbm.at[c].at[pl.ds(s * RPT, RPT)])

  return seg_sum


_seg_sum_128 = _make_seg_sum(128)

KI2 = 40
NBLK2 = 2
NCH2 = KI2 * NBLK2

_fin_mesh = plsc.VectorSubcoreMesh(core_axis_name="c", subcore_axis_name="s",
                                   num_cores=NC, num_subcores=NS)


@functools.partial(
    pl.kernel,
    out_type=jax.ShapeDtypeStruct((NC, NOUT, 128), jnp.float32),
    mesh=_fin_mesh,
    scratch_types=[
        pltpu.VMEM((KI2, CHUNK), jnp.int32),
        pltpu.VMEM((KI2, CHUNK), jnp.int32),
        pltpu.VMEM((CHUNK, 128), jnp.float32),
        pltpu.VMEM((CHUNK, 128), jnp.float32),
        pltpu.VMEM_SHARED((R, 128), jnp.float32),
        pltpu.SemaphoreType.DMA,
        pltpu.SemaphoreType.DMA,
    ],
)
def _seg_sum_final(y_hbm, srcs_hbm, dsts_hbm, zeros_hbm, out_hbm,
                   src_v, dst_v, rows0, rows1, acc_sh, sem0, sem1):
  c = lax.axis_index("c")
  s = lax.axis_index("s")
  pltpu.sync_copy(zeros_hbm, acc_sh.at[pl.ds(s * RPT, RPT)])
  plsc.subcore_barrier()
  table = y_hbm.at[0]

  def blk(bi, carry):
    pltpu.sync_copy(srcs_hbm.at[c].at[s].at[pl.ds(bi * KI2, KI2)], src_v)
    pltpu.sync_copy(dsts_hbm.at[c].at[s].at[pl.ds(bi * KI2, KI2)], dst_v)
    pltpu.async_copy(table.at[src_v.at[0]], rows0, sem0)

    def pair(k, carry2):
      j0 = 2 * k
      pltpu.make_async_copy(table.at[src_v.at[0]], rows0, sem0).wait()
      pltpu.async_copy(table.at[src_v.at[j0 + 1]], rows1, sem1)
      pltpu.sync_copy(rows0, acc_sh.at[dst_v.at[j0]], add=True)
      pltpu.make_async_copy(table.at[src_v.at[0]], rows1, sem1).wait()

      @pl.when(j0 + 2 < KI2)
      def _():
        pltpu.async_copy(table.at[src_v.at[j0 + 2]], rows0, sem0)

      pltpu.sync_copy(rows1, acc_sh.at[dst_v.at[j0 + 1]], add=True)
      return carry2

    return lax.fori_loop(0, KI2 // 2, pair, carry)

  lax.fori_loop(0, NBLK2, blk, 0)
  plsc.subcore_barrier()
  pltpu.sync_copy(acc_sh.at[pl.ds(s * RPT, RPT)],
                  out_hbm.at[c].at[pl.ds(s * RPT, RPT)])

_deg_mesh = plsc.VectorSubcoreMesh(core_axis_name="c", subcore_axis_name="s",
                                   num_cores=NC, num_subcores=NS)


@functools.partial(
    pl.kernel,
    out_type=jax.ShapeDtypeStruct((NC, NOUT, 128), jnp.float32),
    mesh=_deg_mesh,
    scratch_types=[
        pltpu.VMEM((KI2, CHUNK), jnp.int32),
        pltpu.VMEM((CHUNK, 128), jnp.float32),
        pltpu.VMEM_SHARED((R, 128), jnp.float32),
        pltpu.SemaphoreType.DMA,
    ],
)
def _deg_kernel(dsts_hbm, ones_hbm, zeros_hbm, out_hbm,
                dst_v, rows_v, acc_sh, deg_sem):
  c = lax.axis_index("c")
  s = lax.axis_index("s")
  pltpu.sync_copy(ones_hbm, rows_v)
  pltpu.sync_copy(zeros_hbm, acc_sh.at[pl.ds(s * RPT, RPT)])
  plsc.subcore_barrier()

  def blk(bi, carry):
    pltpu.sync_copy(dsts_hbm.at[c].at[s].at[pl.ds(bi * KI2, KI2)], dst_v)

    def fire(j, carry2):
      pltpu.async_copy(rows_v, acc_sh.at[dst_v.at[j]], deg_sem, add=True)
      return carry2

    lax.fori_loop(0, KI2, fire, carry)

    def drain(j, carry2):
      pltpu.make_async_copy(rows_v, acc_sh.at[dst_v.at[0]], deg_sem).wait()
      return carry2

    return lax.fori_loop(0, KI2, drain, carry)

  lax.fori_loop(0, NBLK2, blk, 0)
  plsc.subcore_barrier()
  pltpu.sync_copy(acc_sh.at[pl.ds(s * RPT, RPT)],
                  out_hbm.at[lax.axis_index("c")].at[pl.ds(s * RPT, RPT)])


B = 1000
_GRID = N // B


def _pre0_body(deg_ref, x_ref, w_ref, dinv_ref, y_ref):
  dinv = lax.rsqrt(deg_ref[0, :, 0:1] + deg_ref[1, :, 0:1] + 1.0)
  xw = jnp.dot(x_ref[...], w_ref[...], preferred_element_type=jnp.float32)
  y = xw * dinv
  dh = y.shape[-1] // 2
  dinv_ref[...] = dinv
  y_ref[0] = y[:, :dh]
  y_ref[1] = y[:, dh:]


def _post_pre_body(a_ref, y_ref, dinv_ref, res_ref, b_ref, g_ref, be_ref,
                   w_ref, h_ref, yn_ref):
  agg = jnp.concatenate([a_ref[0], a_ref[1]], axis=-1)
  y = jnp.concatenate([y_ref[0], y_ref[1]], axis=-1)
  dinv = dinv_ref[...]
  conv = dinv * (agg + y) + b_ref[...]
  mu = jnp.mean(conv, axis=-1, keepdims=True)
  var = jnp.mean((conv - mu) ** 2, axis=-1, keepdims=True)
  xn = (conv - mu) * lax.rsqrt(var + 1e-5) * g_ref[...] + be_ref[...]
  o = jnp.where(xn > 0, xn, jnp.exp(jnp.minimum(xn, 0.0)) - 1.0)
  h = o + res_ref[...]
  h_ref[...] = h
  xw = jnp.dot(h, w_ref[...], preferred_element_type=jnp.float32)
  yn = xw * dinv
  dh = yn.shape[-1] // 2
  yn_ref[0] = yn[:, :dh]
  yn_ref[1] = yn[:, dh:]


def _post_pre3_body(a_ref, y_ref, dinv_ref, res_ref, b_ref, g_ref, be_ref,
                    w_ref, h_ref, yn_ref):
  agg = jnp.concatenate([a_ref[0], a_ref[1]], axis=-1)
  y = jnp.concatenate([y_ref[0], y_ref[1]], axis=-1)
  dinv = dinv_ref[...]
  conv = dinv * (agg + y) + b_ref[...]
  mu = jnp.mean(conv, axis=-1, keepdims=True)
  var = jnp.mean((conv - mu) ** 2, axis=-1, keepdims=True)
  xn = (conv - mu) * lax.rsqrt(var + 1e-5) * g_ref[...] + be_ref[...]
  o = jnp.where(xn > 0, xn, jnp.exp(jnp.minimum(xn, 0.0)) - 1.0)
  h = o + res_ref[...]
  h_ref[...] = h
  xw = jnp.dot(h, w_ref[...], preferred_element_type=jnp.float32)
  yn_ref[0] = xw * dinv


def _final_body(a_ref, y_ref, dinv_ref, b_ref, o_ref):
  o_ref[...] = dinv_ref[...] * (a_ref[0] + a_ref[1] + y_ref[0]) + b_ref[...]


def _row_spec(d):
  return pl.BlockSpec((B, d), lambda i: (i, 0))


def _pair_spec(dh):
  return pl.BlockSpec((2, B, dh), lambda i: (0, i, 0))


def _full_spec(shape):
  return pl.BlockSpec(shape, lambda i: tuple(0 for _ in shape))


def _pre0_call(degcol, x, w):
  dout = w.shape[1]
  return pl.pallas_call(
      _pre0_body,
      grid=(_GRID,),
      in_specs=[pl.BlockSpec((2, B, 128), lambda i: (0, i, 0)),
                _row_spec(x.shape[1]), _full_spec(w.shape)],
      out_specs=[_row_spec(1), _pair_spec(dout // 2)],
      out_shape=[
          jax.ShapeDtypeStruct((N, 1), jnp.float32),
          jax.ShapeDtypeStruct((2, N, dout // 2), jnp.float32),
      ],
  )(degcol, x, w)


def _post_pre_call(agg, y, dinv, res, b, g, be, w, final):
  dh = agg.shape[-1]
  d = 2 * dh
  dout = w.shape[1]
  body = _post_pre3_body if final else _post_pre_body
  ydh = dout if final else dout // 2
  ny = 1 if final else 2
  return pl.pallas_call(
      body,
      grid=(_GRID,),
      in_specs=[_pair_spec(dh), _pair_spec(dh), _row_spec(1), _row_spec(d),
                _full_spec((1, d)), _full_spec((1, d)), _full_spec((1, d)),
                _full_spec(w.shape)],
      out_specs=[_row_spec(d), pl.BlockSpec((ny, B, ydh), lambda i: (0, i, 0))],
      out_shape=[
          jax.ShapeDtypeStruct((N, d), jnp.float32),
          jax.ShapeDtypeStruct((ny, N, ydh), jnp.float32),
      ],
  )(agg, y, dinv, res, b.reshape(1, d), g.reshape(1, d), be.reshape(1, d), w)


def _final_call(agg, y, dinv, b):
  d = agg.shape[-1]
  return pl.pallas_call(
      _final_body,
      grid=(_GRID,),
      in_specs=[_pair_spec(d), pl.BlockSpec((1, B, d), lambda i: (0, i, 0)),
                _row_spec(1), _full_spec((1, d))],
      out_specs=_row_spec(d),
      out_shape=jax.ShapeDtypeStruct((N, d), jnp.float32),
  )(agg, y, dinv, b.reshape(1, d))


def kernel(x, edge_index, W0, b0, W1, b1, W2, b2, W3, b3,
           g0, be0, g1, be1, g2, be2):
  src = edge_index[0].astype(jnp.int32)
  dst = edge_index[1].astype(jnp.int32)
  pad = EPAD - E
  src_p = jnp.pad(src, (0, pad))
  dst_p = jnp.pad(dst, (0, pad), constant_values=TRASH)
  srcs = src_p.reshape(NS, NCH, CHUNK)
  dsts = dst_p.reshape(NS, NCH, CHUNK)
  srcs2 = src_p.reshape(NC, NS, NCH2, CHUNK)
  dsts2 = dst_p.reshape(NC, NS, NCH2, CHUNK)
  zeros128 = jnp.zeros((RPT, 128), jnp.float32)
  ones128 = jnp.ones((CHUNK, 128), jnp.float32)

  deg_out = _deg_kernel(dsts2, ones128, zeros128)

  dinv, y = _pre0_call(deg_out, x, W0)
  agg = _seg_sum_128(y, srcs, dsts, zeros128)
  h, y = _post_pre_call(agg, y, dinv, jnp.zeros((N, 256), jnp.float32),
                        b0, g0, be0, W1, final=False)
  agg = _seg_sum_128(y, srcs, dsts, zeros128)
  h, y = _post_pre_call(agg, y, dinv, h, b1, g1, be1, W2, final=False)
  agg = _seg_sum_128(y, srcs, dsts, zeros128)
  h, y = _post_pre_call(agg, y, dinv, h, b2, g2, be2, W3, final=True)
  agg = _seg_sum_final(y, srcs2, dsts2, zeros128)
  return _final_call(agg, y, dinv, b3)

# --- scband reference (transcript-rebuilt; emitter-appended) ---
"""Pipeline reference for scband-gnn-76175539962264 (READ-ONLY COPY).

The authoritative reference and input builder live on the scoring server;
editing this copy changes nothing except your own understanding.
"""

import jax, jax.numpy as jnp
import numpy as np

N = 10000
E = 320000
D_IN = 128
D_H = 256
D_OUT = 128


def setup_inputs(seed: int = 0) -> dict:
    key = jax.random.key(seed)
    ks = jax.random.split(key, 16)
    x = jax.random.normal(ks[0], (N, D_IN), dtype=jnp.float32)
    edge_index = jax.random.randint(ks[1], (2, E), 0, N, dtype=jnp.int32).astype(jnp.int64)
    def glorot(k, fan_in, fan_out):
        return jax.random.normal(k, (fan_in, fan_out), dtype=jnp.float32) * (1.0 / np.sqrt(fan_in))
    W0 = glorot(ks[2], D_IN, D_H)
    b0 = jnp.zeros((D_H,), dtype=jnp.float32)
    W1 = glorot(ks[3], D_H, D_H)
    b1 = jnp.zeros((D_H,), dtype=jnp.float32)
    W2 = glorot(ks[4], D_H, D_H)
    b2 = jnp.zeros((D_H,), dtype=jnp.float32)
    W3 = glorot(ks[5], D_H, D_OUT)
    b3 = jnp.zeros((D_OUT,), dtype=jnp.float32)
    g0 = jnp.ones((D_H,), dtype=jnp.float32)
    be0 = jnp.zeros((D_H,), dtype=jnp.float32)
    g1 = jnp.ones((D_H,), dtype=jnp.float32)
    be1 = jnp.zeros((D_H,), dtype=jnp.float32)
    g2 = jnp.ones((D_H,), dtype=jnp.float32)
    be2 = jnp.zeros((D_H,), dtype=jnp.float32)
    return {"x": x, "edge_index": edge_index,
            "W0": W0, "b0": b0, "W1": W1, "b1": b1,
            "W2": W2, "b2": b2, "W3": W3, "b3": b3,
            "g0": g0, "be0": be0, "g1": g1, "be1": be1,
            "g2": g2, "be2": be2}


def _gcn_conv(x, edge_index, W, b):
    # GCNConv with added self-loops and symmetric normalization (PyG semantics)
    src = edge_index[0]
    dst = edge_index[1]
    sl = jnp.arange(N, dtype=edge_index.dtype)
    src = jnp.concatenate([src, sl])
    dst = jnp.concatenate([dst, sl])
    deg = jnp.zeros((N,), dtype=x.dtype).at[dst].add(1.0)
    dinv = jnp.where(deg > 0, 1.0 / jnp.sqrt(deg), 0.0)
    norm = dinv[src] * dinv[dst]
    xw = x @ W
    msg = jnp.take(xw, src, axis=0) * norm[:, None]
    out = jnp.zeros((N, W.shape[1]), dtype=x.dtype).at[dst].add(msg)
    return out + b


def _layer_norm(x, g, b, eps=1e-5):
    mu = jnp.mean(x, axis=-1, keepdims=True)
    var = jnp.mean((x - mu) ** 2, axis=-1, keepdims=True)
    return (x - mu) / jnp.sqrt(var + eps) * g + b


def reference(x, edge_index, W0, b0, W1, b1, W2, b2, W3, b3, g0, be0, g1, be1, g2, be2):
    layers = [(W0, b0, g0, be0), (W1, b1, g1, be1), (W2, b2, g2, be2)]
    residual = None
    h = x
    for (W, b, g, bb) in layers:
        out = _gcn_conv(h, edge_index, W, b)
        out = _layer_norm(out, g, bb)
        out = jax.nn.elu(out)
        # dropout is identity in eval mode
        if residual is not None:
            out = out + residual
        residual = out
        h = out
    return _gcn_conv(h, edge_index, W3, b3)

if __name__ == "__main__":
    import jax
    _d = setup_inputs()
    print(jax.jit(kernel)(*tuple(_d.values())))

</pallas_src>

<mosaic_0001>
#map = affine_map<(d0, d1) -> (0, 0, 0)>
#map1 = affine_map<(d0, d1) -> (0, 0)>
module attributes {stable_mosaic.version = 14 : i64} {
  func.func @seg_sum(%arg0: i32, %arg1: i32, %arg2: memref<2x10000x128xf32, #tpu.memory_space<hbm>>, %arg3: memref<16x160x128xi32, #tpu.memory_space<hbm>>, %arg4: memref<16x160x128xi32, #tpu.memory_space<hbm>>, %arg5: memref<640x128xf32, #tpu.memory_space<hbm>>, %arg6: memref<2x10240x128xf32, #tpu.memory_space<hbm>>, %arg7: memref<32x128xi32, #tpu.memory_space<vmem>>, %arg8: memref<32x128xi32, #tpu.memory_space<vmem>>, %arg9: memref<128x128xf32, #tpu.memory_space<vmem>>, %arg10: memref<128x128xf32, #tpu.memory_space<vmem>>, %arg11: memref<10240x128xf32, #tpu.memory_space<vmem_shared>>, %arg12: memref<!tpu.dma_semaphore, #tpu.memory_space<semaphore_mem>>, %arg13: memref<!tpu.dma_semaphore, #tpu.memory_space<semaphore_mem>>) attributes {dimension_semantics = [#tpu.dimension_semantics<core_parallel>, #tpu.dimension_semantics<subcore_parallel>], iteration_bounds = array<i64: 2, 16>, scalar_prefetch = 0 : i64, scratch_operands = 7 : i64, tpu.core_type = #tpu.core_type<sc_vector_subcore>, window_params = [{transform_indices = #map}, {transform_indices = #map}, {transform_indices = #map}, {transform_indices = #map1}, {transform_indices = #map}]} {
    %mul3A = arith.constant 640 : i32
    %mul3A_0 = arith.muli %arg1, %mul3A : i32
    "tpu.region"() ({
      %run_scoped3A = tpu.sem_alloc : memref<!tpu.dma_semaphore, #tpu.memory_space<semaphore_mem>>
      %dma_start3A = arith.constant 0 : i32
      %dma_start3A_11 = tpu.memref_slice %arg11[%mul3A_0, %dma_start3A] : memref<10240x128xf32, #tpu.memory_space<vmem_shared>> -> memref<640x128xf32, #tpu.memory_space<vmem_shared>>
      tpu.enqueue_dma source(%arg5 : memref<640x128xf32, #tpu.memory_space<hbm>>) target(%dma_start3A_11 : memref<640x128xf32, #tpu.memory_space<vmem_shared>>) target_semaphore(%run_scoped3A : memref<!tpu.dma_semaphore, #tpu.memory_space<semaphore_mem>>)
      %dma_wait3A = arith.constant 0 : i32
      %dma_wait3A_12 = tpu.memref_slice %arg11[%mul3A_0, %dma_wait3A] : memref<10240x128xf32, #tpu.memory_space<vmem_shared>> -> memref<640x128xf32, #tpu.memory_space<vmem_shared>>
      tpu.wait_dma2 semaphore(%run_scoped3A : memref<!tpu.dma_semaphore, #tpu.memory_space<semaphore_mem>>) src(%arg5 : memref<640x128xf32, #tpu.memory_space<hbm>>) dst(%dma_wait3A_12 : memref<640x128xf32, #tpu.memory_space<vmem_shared>>)
      tpu.yield
    }) : () -> ()
    %barrier3A = arith.constant 0 : index
    tpu.barrier barrier_id(%barrier3A)
    %scan3A = arith.constant 0 : i32
    %scan3A_1 = arith.constant 0 : i32
    %scan3A_2 = arith.constant 5 : i32
    %scan3A_3 = arith.addi %scan3A_1, %scan3A_2 : i32
    %scan3A_4 = arith.constant 1 : i32
    scf.for %scan3A_11 = %scan3A_1 to %scan3A_3 step %scan3A_4  : i32 {
      %mul3A_12 = arith.constant 32 : i32
      %mul3A_13 = arith.muli %scan3A_11, %mul3A_12 : i32
      "tpu.region"() ({
        %run_scoped3A = tpu.sem_alloc : memref<!tpu.dma_semaphore, #tpu.memory_space<semaphore_mem>>
        %dma_start3A_31 = arith.constant 0 : i32
        %dma_start3A_32 = arith.constant 0 : i32
        %dma_start3A_33 = tpu.memref_slice %arg3[%arg1, %dma_start3A_31, %dma_start3A_32] : memref<16x160x128xi32, #tpu.memory_space<hbm>> -> memref<1x160x128xi32, #tpu.memory_space<hbm>>
        %dma_start3A_34 = tpu.memref_squeeze %dma_start3A_33 : memref<1x160x128xi32, #tpu.memory_space<hbm>> -> memref<160x128xi32, #tpu.memory_space<hbm>>
        %dma_start3A_35 = arith.constant 0 : i32
        %dma_start3A_36 = tpu.memref_slice %dma_start3A_34[%mul3A_13, %dma_start3A_35] : memref<160x128xi32, #tpu.memory_space<hbm>> -> memref<32x128xi32, #tpu.memory_space<hbm>>
        %dma_start3A_37 = arith.constant 0 : i32
        %dma_start3A_38 = arith.constant 0 : i32
        %dma_start3A_39 = tpu.memref_slice %arg3[%arg1, %dma_start3A_37, %dma_start3A_38] : memref<16x160x128xi32, #tpu.memory_space<hbm>> -> memref<1x160x128xi32, #tpu.memory_space<hbm>>
        %dma_start3A_40 = tpu.memref_squeeze %dma_start3A_39 : memref<1x160x128xi32, #tpu.memory_space<hbm>> -> memref<160x128xi32, #tpu.memory_space<hbm>>
        %dma_start3A_41 = arith.constant 0 : i32
        %dma_start3A_42 = tpu.memref_slice %dma_start3A_40[%mul3A_13, %dma_start3A_41] : memref<160x128xi32, #tpu.memory_space<hbm>> -> memref<32x128xi32, #tpu.memory_space<hbm>>
        tpu.enqueue_dma source(%dma_start3A_42 : memref<32x128xi32, #tpu.memory_space<hbm>>) target(%arg7 : memref<32x128xi32, #tpu.memory_space<vmem>>) target_semaphore(%run_scoped3A : memref<!tpu.dma_semaphore, #tpu.memory_space<semaphore_mem>>)
        %dma_wait3A = arith.constant 0 : i32
        %dma_wait3A_43 = arith.constant 0 : i32
        %dma_wait3A_44 = tpu.memref_slice %arg3[%arg1, %dma_wait3A, %dma_wait3A_43] : memref<16x160x128xi32, #tpu.memory_space<hbm>> -> memref<1x160x128xi32, #tpu.memory_space<hbm>>
        %dma_wait3A_45 = tpu.memref_squeeze %dma_wait3A_44 : memref<1x160x128xi32, #tpu.memory_space<hbm>> -> memref<160x128xi32, #tpu.memory_space<hbm>>
        %dma_wait3A_46 = arith.constant 0 : i32
        %dma_wait3A_47 = tpu.memref_slice %dma_wait3A_45[%mul3A_13, %dma_wait3A_46] : memref<160x128xi32, #tpu.memory_space<hbm>> -> memref<32x128xi32, #tpu.memory_space<hbm>>
        %dma_wait3A_48 = arith.constant 0 : i32
        %dma_wait3A_49 = arith.constant 0 : i32
        %dma_wait3A_50 = tpu.memref_slice %arg3[%arg1, %dma_wait3A_48, %dma_wait3A_49] : memref<16x160x128xi32, #tpu.memory_space<hbm>> -> memref<1x160x128xi32, #tpu.memory_space<hbm>>
        %dma_wait3A_51 = tpu.memref_squeeze %dma_wait3A_50 : memref<1x160x128xi32, #tpu.memory_space<hbm>> -> memref<160x128xi32, #tpu.memory_space<hbm>>
        %dma_wait3A_52 = arith.constant 0 : i32
        %dma_wait3A_53 = tpu.memref_slice %dma_wait3A_51[%mul3A_13, %dma_wait3A_52] : memref<160x128xi32, #tpu.memory_space<hbm>> -> memref<32x128xi32, #tpu.memory_space<hbm>>
        tpu.wait_dma2 semaphore(%run_scoped3A : memref<!tpu.dma_semaphore, #tpu.memory_space<semaphore_mem>>) src(%dma_wait3A_53 : memref<32x128xi32, #tpu.memory_space<hbm>>) dst(%arg7 : memref<32x128xi32, #tpu.memory_space<vmem>>)
        tpu.yield
      }) : () -> ()
      %mul3A_14 = arith.constant 32 : i32
      %mul3A_15 = arith.muli %scan3A_11, %mul3A_14 : i32
      "tpu.region"() ({
        %run_scoped3A = tpu.sem_alloc : memref<!tpu.dma_semaphore, #tpu.memory_space<semaphore_mem>>
        %dma_start3A_31 = arith.constant 0 : i32
        %dma_start3A_32 = arith.constant 0 : i32
        %dma_start3A_33 = tpu.memref_slice %arg4[%arg1, %dma_start3A_31, %dma_start3A_32] : memref<16x160x128xi32, #tpu.memory_space<hbm>> -> memref<1x160x128xi32, #tpu.memory_space<hbm>>
        %dma_start3A_34 = tpu.memref_squeeze %dma_start3A_33 : memref<1x160x128xi32, #tpu.memory_space<hbm>> -> memref<160x128xi32, #tpu.memory_space<hbm>>
        %dma_start3A_35 = arith.constant 0 : i32
        %dma_start3A_36 = tpu.memref_slice %dma_start3A_34[%mul3A_15, %dma_start3A_35] : memref<160x128xi32, #tpu.memory_space<hbm>> -> memref<32x128xi32, #tpu.memory_space<hbm>>
        %dma_start3A_37 = arith.constant 0 : i32
        %dma_start3A_38 = arith.constant 0 : i32
        %dma_start3A_39 = tpu.memref_slice %arg4[%arg1, %dma_start3A_37, %dma_start3A_38] : memref<16x160x128xi32, #tpu.memory_space<hbm>> -> memref<1x160x128xi32, #tpu.memory_space<hbm>>
        %dma_start3A_40 = tpu.memref_squeeze %dma_start3A_39 : memref<1x160x128xi32, #tpu.memory_space<hbm>> -> memref<160x128xi32, #tpu.memory_space<hbm>>
        %dma_start3A_41 = arith.constant 0 : i32
        %dma_start3A_42 = tpu.memref_slice %dma_start3A_40[%mul3A_15, %dma_start3A_41] : memref<160x128xi32, #tpu.memory_space<hbm>> -> memref<32x128xi32, #tpu.memory_space<hbm>>
        tpu.enqueue_dma source(%dma_start3A_42 : memref<32x128xi32, #tpu.memory_space<hbm>>) target(%arg8 : memref<32x128xi32, #tpu.memory_space<vmem>>) target_semaphore(%run_scoped3A : memref<!tpu.dma_semaphore, #tpu.memory_space<semaphore_mem>>)
        %dma_wait3A = arith.constant 0 : i32
        %dma_wait3A_43 = arith.constant 0 : i32
        %dma_wait3A_44 = tpu.memref_slice %arg4[%arg1, %dma_wait3A, %dma_wait3A_43] : memref<16x160x128xi32, #tpu.memory_space<hbm>> -> memref<1x160x128xi32, #tpu.memory_space<hbm>>
        %dma_wait3A_45 = tpu.memref_squeeze %dma_wait3A_44 : memref<1x160x128xi32, #tpu.memory_space<hbm>> -> memref<160x128xi32, #tpu.memory_space<hbm>>
        %dma_wait3A_46 = arith.constant 0 : i32
        %dma_wait3A_47 = tpu.memref_slice %dma_wait3A_45[%mul3A_15, %dma_wait3A_46] : memref<160x128xi32, #tpu.memory_space<hbm>> -> memref<32x128xi32, #tpu.memory_space<hbm>>
        %dma_wait3A_48 = arith.constant 0 : i32
        %dma_wait3A_49 = arith.constant 0 : i32
        %dma_wait3A_50 = tpu.memref_slice %arg4[%arg1, %dma_wait3A_48, %dma_wait3A_49] : memref<16x160x128xi32, #tpu.memory_space<hbm>> -> memref<1x160x128xi32, #tpu.memory_space<hbm>>
        %dma_wait3A_51 = tpu.memref_squeeze %dma_wait3A_50 : memref<1x160x128xi32, #tpu.memory_space<hbm>> -> memref<160x128xi32, #tpu.memory_space<hbm>>
        %dma_wait3A_52 = arith.constant 0 : i32
        %dma_wait3A_53 = tpu.memref_slice %dma_wait3A_51[%mul3A_15, %dma_wait3A_52] : memref<160x128xi32, #tpu.memory_space<hbm>> -> memref<32x128xi32, #tpu.memory_space<hbm>>
        tpu.wait_dma2 semaphore(%run_scoped3A : memref<!tpu.dma_semaphore, #tpu.memory_space<semaphore_mem>>) src(%dma_wait3A_53 : memref<32x128xi32, #tpu.memory_space<hbm>>) dst(%arg8 : memref<32x128xi32, #tpu.memory_space<vmem>>)
        tpu.yield
      }) : () -> ()
      %dma_start3A = arith.constant 0 : i32
      %dma_start3A_16 = arith.constant 0 : i32
      %dma_start3A_17 = tpu.memref_slice %arg7[%dma_start3A, %dma_start3A_16] : memref<32x128xi32, #tpu.memory_space<vmem>> -> memref<1x128xi32, #tpu.memory_space<vmem>>
      %dma_start3A_18 = tpu.memref_squeeze %dma_start3A_17 : memref<1x128xi32, #tpu.memory_space<vmem>> -> memref<128xi32, #tpu.memory_space<vmem>>
      %dma_start3A_19 = arith.constant 0 : i32
      %dma_start3A_20 = arith.constant 0 : i32
      %dma_start3A_21 = tpu.memref_slice %arg2[%arg0, %dma_start3A_19, %dma_start3A_20] : memref<2x10000x128xf32, #tpu.memory_space<hbm>> -> memref<1x10000x128xf32, #tpu.memory_space<hbm>>
      %dma_start3A_22 = tpu.memref_squeeze %dma_start3A_21 : memref<1x10000x128xf32, #tpu.memory_space<hbm>> -> memref<10000x128xf32, #tpu.memory_space<hbm>>
      %dma_start3A_23 = arith.constant 0 : i32
      %dma_start3A_24 = arith.constant 0 : i32
      %dma_start3A_25 = tpu.memref_slice %dma_start3A_22[%dma_start3A_23, %dma_start3A_24] : memref<10000x128xf32, #tpu.memory_space<hbm>> -> memref<10000x128xf32, #tpu.memory_space<hbm>>
      tpu.enqueue_indirect_dma source(%dma_start3A_25 : memref<10000x128xf32, #tpu.memory_space<hbm>>) target(%arg9 : memref<128x128xf32, #tpu.memory_space<vmem>>) offsets(%dma_start3A_18 : memref<128xi32, #tpu.memory_space<vmem>>) semaphore(%arg12 : memref<!tpu.dma_semaphore, #tpu.memory_space<semaphore_mem>>)
      %scan3A_26 = arith.constant 0 : i32
      %scan3A_27 = arith.constant 16 : i32
      %scan3A_28 = arith.addi %scan3A_26, %scan3A_27 : i32
      %scan3A_29 = arith.constant 1 : i32
      scf.for %scan3A_31 = %scan3A_26 to %scan3A_28 step %scan3A_29  : i32 {
        %mul3A_32 = arith.constant 2 : i32
        %mul3A_33 = arith.muli %mul3A_32, %scan3A_31 : i32
        %dma_wait3A = arith.constant 0 : i32
        %dma_wait3A_34 = arith.constant 0 : i32
        %dma_wait3A_35 = tpu.memref_slice %arg7[%dma_wait3A, %dma_wait3A_34] : memref<32x128xi32, #tpu.memory_space<vmem>> -> memref<1x128xi32, #tpu.memory_space<vmem>>
        %dma_wait3A_36 = tpu.memref_squeeze %dma_wait3A_35 : memref<1x128xi32, #tpu.memory_space<vmem>> -> memref<128xi32, #tpu.memory_space<vmem>>
        %dma_wait3A_37 = arith.constant 0 : i32
        %dma_wait3A_38 = arith.constant 0 : i32
        %dma_wait3A_39 = tpu.memref_slice %arg2[%arg0, %dma_wait3A_37, %dma_wait3A_38] : memref<2x10000x128xf32, #tpu.memory_space<hbm>> -> memref<1x10000x128xf32, #tpu.memory_space<hbm>>
        %dma_wait3A_40 = tpu.memref_squeeze %dma_wait3A_39 : memref<1x10000x128xf32, #tpu.memory_space<hbm>> -> memref<10000x128xf32, #tpu.memory_space<hbm>>
        %dma_wait3A_41 = arith.constant 0 : i32
        %dma_wait3A_42 = arith.constant 0 : i32
        %dma_wait3A_43 = tpu.memref_slice %dma_wait3A_40[%dma_wait3A_41, %dma_wait3A_42] : memref<10000x128xf32, #tpu.memory_space<hbm>> -> memref<10000x128xf32, #tpu.memory_space<hbm>>
        tpu.wait_indirect_dma semaphore(%arg12 : memref<!tpu.dma_semaphore, #tpu.memory_space<semaphore_mem>>) src(%dma_wait3A_43 : memref<10000x128xf32, #tpu.memory_space<hbm>>) dst(%arg9 : memref<128x128xf32, #tpu.memory_space<vmem>>)
        %add3A = arith.constant 1 : i32
        %add3A_44 = arith.addi %mul3A_33, %add3A : i32
        %dma_start3A_45 = arith.constant 0 : i32
        %dma_start3A_46 = tpu.memref_slice %arg7[%add3A_44, %dma_start3A_45] : memref<32x128xi32, #tpu.memory_space<vmem>> -> memref<1x128xi32, #tpu.memory_space<vmem>>
        %dma_start3A_47 = tpu.memref_squeeze %dma_start3A_46 : memref<1x128xi32, #tpu.memory_space<vmem>> -> memref<128xi32, #tpu.memory_space<vmem>>
        %dma_start3A_48 = arith.constant 0 : i32
        %dma_start3A_49 = arith.constant 0 : i32
        %dma_start3A_50 = tpu.memref_slice %arg2[%arg0, %dma_start3A_48, %dma_start3A_49] : memref<2x10000x128xf32, #tpu.memory_space<hbm>> -> memref<1x10000x128xf32, #tpu.memory_space<hbm>>
        %dma_start3A_51 = tpu.memref_squeeze %dma_start3A_50 : memref<1x10000x128xf32, #tpu.memory_space<hbm>> -> memref<10000x128xf32, #tpu.memory_space<hbm>>
        %dma_start3A_52 = arith.constant 0 : i32
        %dma_start3A_53 = arith.constant 0 : i32
        %dma_start3A_54 = tpu.memref_slice %dma_start3A_51[%dma_start3A_52, %dma_start3A_53] : memref<10000x128xf32, #tpu.memory_space<hbm>> -> memref<10000x128xf32, #tpu.memory_space<hbm>>
        tpu.enqueue_indirect_dma source(%dma_start3A_54 : memref<10000x128xf32, #tpu.memory_space<hbm>>) target(%arg10 : memref<128x128xf32, #tpu.memory_space<vmem>>) offsets(%dma_start3A_47 : memref<128xi32, #tpu.memory_space<vmem>>) semaphore(%arg13 : memref<!tpu.dma_semaphore, #tpu.memory_space<semaphore_mem>>)
        "tpu.region"() ({
          %run_scoped3A = tpu.sem_alloc : memref<!tpu.dma_semaphore, #tpu.memory_space<semaphore_mem>>
          %dma_start3A_72 = arith.constant 0 : i32
          %dma_start3A_73 = tpu.memref_slice %arg8[%mul3A_33, %dma_start3A_72] : memref<32x128xi32, #tpu.memory_space<vmem>> -> memref<1x128xi32, #tpu.memory_space<vmem>>
          %dma_start3A_74 = tpu.memref_squeeze %dma_start3A_73 : memref<1x128xi32, #tpu.memory_space<vmem>> -> memref<128xi32, #tpu.memory_space<vmem>>
          %dma_start3A_75 = arith.constant 0 : i32
          %dma_start3A_76 = arith.constant 0 : i32
          %dma_start3A_77 = tpu.memref_slice %arg11[%dma_start3A_75, %dma_start3A_76] : memref<10240x128xf32, #tpu.memory_space<vmem_shared>> -> memref<10240x128xf32, #tpu.memory_space<vmem_shared>>
          tpu.enqueue_indirect_dma source(%arg9 : memref<128x128xf32, #tpu.memory_space<vmem>>) target(%dma_start3A_77 : memref<10240x128xf32, #tpu.memory_space<vmem_shared>>) offsets(%dma_start3A_74 : memref<128xi32, #tpu.memory_space<vmem>>) semaphore(%run_scoped3A : memref<!tpu.dma_semaphore, #tpu.memory_space<semaphore_mem>>) {add = true}
          %dma_wait3A_78 = arith.constant 0 : i32
          %dma_wait3A_79 = tpu.memref_slice %arg8[%mul3A_33, %dma_wait3A_78] : memref<32x128xi32, #tpu.memory_space<vmem>> -> memref<1x128xi32, #tpu.memory_space<vmem>>
          %dma_wait3A_80 = tpu.memref_squeeze %dma_wait3A_79 : memref<1x128xi32, #tpu.memory_space<vmem>> -> memref<128xi32, #tpu.memory_space<vmem>>
          %dma_wait3A_81 = arith.constant 0 : i32
          %dma_wait3A_82 = arith.constant 0 : i32
          %dma_wait3A_83 = tpu.memref_slice %arg11[%dma_wait3A_81, %dma_wait3A_82] : memref<10240x128xf32, #tpu.memory_space<vmem_shared>> -> memref<10240x128xf32, #tpu.memory_space<vmem_shared>>
          tpu.wait_indirect_dma semaphore(%run_scoped3A : memref<!tpu.dma_semaphore, #tpu.memory_space<semaphore_mem>>) src(%arg9 : memref<128x128xf32, #tpu.memory_space<vmem>>) dst(%dma_wait3A_83 : memref<10240x128xf32, #tpu.memory_space<vmem_shared>>)
          tpu.yield
        }) : () -> ()
        %dma_wait3A_55 = arith.constant 0 : i32
        %dma_wait3A_56 = arith.constant 0 : i32
        %dma_wait3A_57 = tpu.memref_slice %arg7[%dma_wait3A_55, %dma_wait3A_56] : memref<32x128xi32, #tpu.memory_space<vmem>> -> memref<1x128xi32, #tpu.memory_space<vmem>>
        %dma_wait3A_58 = tpu.memref_squeeze %dma_wait3A_57 : memref<1x128xi32, #tpu.memory_space<vmem>> -> memref<128xi32, #tpu.memory_space<vmem>>
        %dma_wait3A_59 = arith.constant 0 : i32
        %dma_wait3A_60 = arith.constant 0 : i32
        %dma_wait3A_61 = tpu.memref_slice %arg2[%arg0, %dma_wait3A_59, %dma_wait3A_60] : memref<2x10000x128xf32, #tpu.memory_space<hbm>> -> memref<1x10000x128xf32, #tpu.memory_space<hbm>>
        %dma_wait3A_62 = tpu.memref_squeeze %dma_wait3A_61 : memref<1x10000x128xf32, #tpu.memory_space<hbm>> -> memref<10000x128xf32, #tpu.memory_space<hbm>>
        %dma_wait3A_63 = arith.constant 0 : i32
        %dma_wait3A_64 = arith.constant 0 : i32
        %dma_wait3A_65 = tpu.memref_slice %dma_wait3A_62[%dma_wait3A_63, %dma_wait3A_64] : memref<10000x128xf32, #tpu.memory_space<hbm>> -> memref<10000x128xf32, #tpu.memory_space<hbm>>
        tpu.wait_indirect_dma semaphore(%arg13 : memref<!tpu.dma_semaphore, #tpu.memory_space<semaphore_mem>>) src(%dma_wait3A_65 : memref<10000x128xf32, #tpu.memory_space<hbm>>) dst(%arg10 : memref<128x128xf32, #tpu.memory_space<vmem>>)
        %add3A_66 = arith.constant 2 : i32
        %add3A_67 = arith.addi %mul3A_33, %add3A_66 : i32
        %lt3A = arith.constant 32 : i32
        %lt3A_68 = arith.cmpi slt, %add3A_67, %lt3A : i32
        %convert_element_type3A = arith.extui %lt3A_68 : i1 to i32
        %cond3A = arith.constant 0 : i32
        %cond3A_69 = arith.cmpi ne, %convert_element_type3A, %cond3A : i32
        scf.if %cond3A_69 {
          %add3A_72 = arith.constant 2 : i32
          %add3A_73 = arith.addi %mul3A_33, %add3A_72 : i32
          %dma_start3A_74 = arith.constant 0 : i32
          %dma_start3A_75 = tpu.memref_slice %arg7[%add3A_73, %dma_start3A_74] : memref<32x128xi32, #tpu.memory_space<vmem>> -> memref<1x128xi32, #tpu.memory_space<vmem>>
          %dma_start3A_76 = tpu.memref_squeeze %dma_start3A_75 : memref<1x128xi32, #tpu.memory_space<vmem>> -> memref<128xi32, #tpu.memory_space<vmem>>
          %dma_start3A_77 = arith.constant 0 : i32
          %dma_start3A_78 = arith.constant 0 : i32
          %dma_start3A_79 = tpu.memref_slice %arg2[%arg0, %dma_start3A_77, %dma_start3A_78] : memref<2x10000x128xf32, #tpu.memory_space<hbm>> -> memref<1x10000x128xf32, #tpu.memory_space<hbm>>
          %dma_start3A_80 = tpu.memref_squeeze %dma_start3A_79 : memref<1x10000x128xf32, #tpu.memory_space<hbm>> -> memref<10000x128xf32, #tpu.memory_space<hbm>>
          %dma_start3A_81 = arith.constant 0 : i32
          %dma_start3A_82 = arith.constant 0 : i32
          %dma_start3A_83 = tpu.memref_slice %dma_start3A_80[%dma_start3A_81, %dma_start3A_82] : memref<10000x128xf32, #tpu.memory_space<hbm>> -> memref<10000x128xf32, #tpu.memory_space<hbm>>
          tpu.enqueue_indirect_dma source(%dma_start3A_83 : memref<10000x128xf32, #tpu.memory_space<hbm>>) target(%arg9 : memref<128x128xf32, #tpu.memory_space<vmem>>) offsets(%dma_start3A_76 : memref<128xi32, #tpu.memory_space<vmem>>) semaphore(%arg12 : memref<!tpu.dma_semaphore, #tpu.memory_space<semaphore_mem>>)
        } else {
        }
        %add3A_70 = arith.constant 1 : i32
        %add3A_71 = arith.addi %mul3A_33, %add3A_70 : i32
        "tpu.region"() ({
          %run_scoped3A = tpu.sem_alloc : memref<!tpu.dma_semaphore, #tpu.memory_space<semaphore_mem>>
          %dma_start3A_72 = arith.constant 0 : i32
          %dma_start3A_73 = tpu.memref_slice %arg8[%add3A_71, %dma_start3A_72] : memref<32x128xi32, #tpu.memory_space<vmem>> -> memref<1x128xi32, #tpu.memory_space<vmem>>
          %dma_start3A_74 = tpu.memref_squeeze %dma_start3A_73 : memref<1x128xi32, #tpu.memory_space<vmem>> -> memref<128xi32, #tpu.memory_space<vmem>>
          %dma_start3A_75 = arith.constant 0 : i32
          %dma_start3A_76 = arith.constant 0 : i32
          %dma_start3A_77 = tpu.memref_slice %arg11[%dma_start3A_75, %dma_start3A_76] : memref<10240x128xf32, #tpu.memory_space<vmem_shared>> -> memref<10240x128xf32, #tpu.memory_space<vmem_shared>>
          tpu.enqueue_indirect_dma source(%arg10 : memref<128x128xf32, #tpu.memory_space<vmem>>) target(%dma_start3A_77 : memref<10240x128xf32, #tpu.memory_space<vmem_shared>>) offsets(%dma_start3A_74 : memref<128xi32, #tpu.memory_space<vmem>>) semaphore(%run_scoped3A : memref<!tpu.dma_semaphore, #tpu.memory_space<semaphore_mem>>) {add = true}
          %dma_wait3A_78 = arith.constant 0 : i32
          %dma_wait3A_79 = tpu.memref_slice %arg8[%add3A_71, %dma_wait3A_78] : memref<32x128xi32, #tpu.memory_space<vmem>> -> memref<1x128xi32, #tpu.memory_space<vmem>>
          %dma_wait3A_80 = tpu.memref_squeeze %dma_wait3A_79 : memref<1x128xi32, #tpu.memory_space<vmem>> -> memref<128xi32, #tpu.memory_space<vmem>>
          %dma_wait3A_81 = arith.constant 0 : i32
          %dma_wait3A_82 = arith.constant 0 : i32
          %dma_wait3A_83 = tpu.memref_slice %arg11[%dma_wait3A_81, %dma_wait3A_82] : memref<10240x128xf32, #tpu.memory_space<vmem_shared>> -> memref<10240x128xf32, #tpu.memory_space<vmem_shared>>
          tpu.wait_indirect_dma semaphore(%run_scoped3A : memref<!tpu.dma_semaphore, #tpu.memory_space<semaphore_mem>>) src(%arg10 : memref<128x128xf32, #tpu.memory_space<vmem>>) dst(%dma_wait3A_83 : memref<10240x128xf32, #tpu.memory_space<vmem_shared>>)
          tpu.yield
        }) : () -> ()
      }
      %scan3A_30 = arith.constant 16 : i32
    }
    %scan3A_5 = arith.constant 5 : i32
    %barrier3A_6 = arith.constant 0 : index
    tpu.barrier barrier_id(%barrier3A_6)
    %mul3A_7 = arith.constant 640 : i32
    %mul3A_8 = arith.muli %arg1, %mul3A_7 : i32
    %mul3A_9 = arith.constant 640 : i32
    %mul3A_10 = arith.muli %arg1, %mul3A_9 : i32
    "tpu.region"() ({
      %run_scoped3A = tpu.sem_alloc : memref<!tpu.dma_semaphore, #tpu.memory_space<semaphore_mem>>
      %dma_start3A = arith.constant 0 : i32
      %dma_start3A_11 = arith.constant 0 : i32
      %dma_start3A_12 = tpu.memref_slice %arg6[%arg0, %dma_start3A, %dma_start3A_11] : memref<2x10240x128xf32, #tpu.memory_space<hbm>> -> memref<1x10240x128xf32, #tpu.memory_space<hbm>>
      %dma_start3A_13 = tpu.memref_squeeze %dma_start3A_12 : memref<1x10240x128xf32, #tpu.memory_space<hbm>> -> memref<10240x128xf32, #tpu.memory_space<hbm>>
      %dma_start3A_14 = arith.constant 0 : i32
      %dma_start3A_15 = tpu.memref_slice %dma_start3A_13[%mul3A_10, %dma_start3A_14] : memref<10240x128xf32, #tpu.memory_space<hbm>> -> memref<640x128xf32, #tpu.memory_space<hbm>>
      %dma_start3A_16 = arith.constant 0 : i32
      %dma_start3A_17 = tpu.memref_slice %arg11[%mul3A_8, %dma_start3A_16] : memref<10240x128xf32, #tpu.memory_space<vmem_shared>> -> memref<640x128xf32, #tpu.memory_space<vmem_shared>>
      tpu.enqueue_dma source(%dma_start3A_17 : memref<640x128xf32, #tpu.memory_space<vmem_shared>>) target(%dma_start3A_15 : memref<640x128xf32, #tpu.memory_space<hbm>>) target_semaphore(%run_scoped3A : memref<!tpu.dma_semaphore, #tpu.memory_space<semaphore_mem>>)
      %dma_wait3A = arith.constant 0 : i32
      %dma_wait3A_18 = arith.constant 0 : i32
      %dma_wait3A_19 = tpu.memref_slice %arg6[%arg0, %dma_wait3A, %dma_wait3A_18] : memref<2x10240x128xf32, #tpu.memory_space<hbm>> -> memref<1x10240x128xf32, #tpu.memory_space<hbm>>
      %dma_wait3A_20 = tpu.memref_squeeze %dma_wait3A_19 : memref<1x10240x128xf32, #tpu.memory_space<hbm>> -> memref<10240x128xf32, #tpu.memory_space<hbm>>
      %dma_wait3A_21 = arith.constant 0 : i32
      %dma_wait3A_22 = tpu.memref_slice %dma_wait3A_20[%mul3A_10, %dma_wait3A_21] : memref<10240x128xf32, #tpu.memory_space<hbm>> -> memref<640x128xf32, #tpu.memory_space<hbm>>
      %dma_wait3A_23 = arith.constant 0 : i32
      %dma_wait3A_24 = tpu.memref_slice %arg11[%mul3A_8, %dma_wait3A_23] : memref<10240x128xf32, #tpu.memory_space<vmem_shared>> -> memref<640x128xf32, #tpu.memory_space<vmem_shared>>
      tpu.wait_dma2 semaphore(%run_scoped3A : memref<!tpu.dma_semaphore, #tpu.memory_space<semaphore_mem>>) src(%dma_wait3A_24 : memref<640x128xf32, #tpu.memory_space<vmem_shared>>) dst(%dma_wait3A_22 : memref<640x128xf32, #tpu.memory_space<hbm>>)
      tpu.yield
    }) : () -> ()
    return
  }
}

#map = affine_map<(d0, d1) -> (0, 0, 0, 0)>
#map1 = affine_map<(d0, d1) -> (0, 0)>
#map2 = affine_map<(d0, d1) -> (0, 0, 0)>
module attributes {stable_mosaic.version = 14 : i64} {
  func.func @_deg_kernel(%arg0: i32, %arg1: i32, %arg2: memref<2x16x80x128xi32, #tpu.memory_space<hbm>>, %arg3: memref<128x128xf32, #tpu.memory_space<hbm>>, %arg4: memref<640x128xf32, #tpu.memory_space<hbm>>, %arg5: memref<2x10240x128xf32, #tpu.memory_space<hbm>>, %arg6: memref<40x128xi32, #tpu.memory_space<vmem>>, %arg7: memref<128x128xf32, #tpu.memory_space<vmem>>, %arg8: memref<10240x128xf32, #tpu.memory_space<vmem_shared>>, %arg9: memref<!tpu.dma_semaphore, #tpu.memory_space<semaphore_mem>>) attributes {dimension_semantics = [#tpu.dimension_semantics<core_parallel>, #tpu.dimension_semantics<subcore_parallel>], iteration_bounds = array<i64: 2, 16>, scalar_prefetch = 0 : i64, scratch_operands = 4 : i64, tpu.core_type = #tpu.core_type<sc_vector_subcore>, window_params = [{transform_indices = #map}, {transform_indices = #map1}, {transform_indices = #map1}, {transform_indices = #map2}]} {
    "tpu.region"() ({
      %run_scoped3A = tpu.sem_alloc : memref<!tpu.dma_semaphore, #tpu.memory_space<semaphore_mem>>
      tpu.enqueue_dma source(%arg3 : memref<128x128xf32, #tpu.memory_space<hbm>>) target(%arg7 : memref<128x128xf32, #tpu.memory_space<vmem>>) target_semaphore(%run_scoped3A : memref<!tpu.dma_semaphore, #tpu.memory_space<semaphore_mem>>)
      tpu.wait_dma2 semaphore(%run_scoped3A : memref<!tpu.dma_semaphore, #tpu.memory_space<semaphore_mem>>) src(%arg3 : memref<128x128xf32, #tpu.memory_space<hbm>>) dst(%arg7 : memref<128x128xf32, #tpu.memory_space<vmem>>)
      tpu.yield
    }) : () -> ()
    %mul3A = arith.constant 640 : i32
    %mul3A_0 = arith.muli %arg1, %mul3A : i32
    "tpu.region"() ({
      %run_scoped3A = tpu.sem_alloc : memref<!tpu.dma_semaphore, #tpu.memory_space<semaphore_mem>>
      %dma_start3A = arith.constant 0 : i32
      %dma_start3A_11 = tpu.memref_slice %arg8[%mul3A_0, %dma_start3A] : memref<10240x128xf32, #tpu.memory_space<vmem_shared>> -> memref<640x128xf32, #tpu.memory_space<vmem_shared>>
      tpu.enqueue_dma source(%arg4 : memref<640x128xf32, #tpu.memory_space<hbm>>) target(%dma_start3A_11 : memref<640x128xf32, #tpu.memory_space<vmem_shared>>) target_semaphore(%run_scoped3A : memref<!tpu.dma_semaphore, #tpu.memory_space<semaphore_mem>>)
      %dma_wait3A = arith.constant 0 : i32
      %dma_wait3A_12 = tpu.memref_slice %arg8[%mul3A_0, %dma_wait3A] : memref<10240x128xf32, #tpu.memory_space<vmem_shared>> -> memref<640x128xf32, #tpu.memory_space<vmem_shared>>
      tpu.wait_dma2 semaphore(%run_scoped3A : memref<!tpu.dma_semaphore, #tpu.memory_space<semaphore_mem>>) src(%arg4 : memref<640x128xf32, #tpu.memory_space<hbm>>) dst(%dma_wait3A_12 : memref<640x128xf32, #tpu.memory_space<vmem_shared>>)
      tpu.yield
    }) : () -> ()
    %barrier3A = arith.constant 0 : index
    tpu.barrier barrier_id(%barrier3A)
    %scan3A = arith.constant 0 : i32
    %scan3A_1 = arith.constant 0 : i32
    %scan3A_2 = arith.constant 2 : i32
    %scan3A_3 = arith.addi %scan3A_1, %scan3A_2 : i32
    %scan3A_4 = arith.constant 1 : i32
    scf.for %scan3A_11 = %scan3A_1 to %scan3A_3 step %scan3A_4  : i32 {
      %mul3A_12 = arith.constant 40 : i32
      %mul3A_13 = arith.muli %scan3A_11, %mul3A_12 : i32
      "tpu.region"() ({
        %run_scoped3A = tpu.sem_alloc : memref<!tpu.dma_semaphore, #tpu.memory_space<semaphore_mem>>
        %dma_start3A = arith.constant 0 : i32
        %dma_start3A_24 = arith.constant 0 : i32
        %dma_start3A_25 = arith.constant 0 : i32
        %dma_start3A_26 = tpu.memref_slice %arg2[%arg0, %dma_start3A, %dma_start3A_24, %dma_start3A_25] : memref<2x16x80x128xi32, #tpu.memory_space<hbm>> -> memref<1x16x80x128xi32, #tpu.memory_space<hbm>>
        %dma_start3A_27 = tpu.memref_squeeze %dma_start3A_26 : memref<1x16x80x128xi32, #tpu.memory_space<hbm>> -> memref<16x80x128xi32, #tpu.memory_space<hbm>>
        %dma_start3A_28 = arith.constant 0 : i32
        %dma_start3A_29 = arith.constant 0 : i32
        %dma_start3A_30 = tpu.memref_slice %dma_start3A_27[%arg1, %dma_start3A_28, %dma_start3A_29] : memref<16x80x128xi32, #tpu.memory_space<hbm>> -> memref<1x80x128xi32, #tpu.memory_space<hbm>>
        %dma_start3A_31 = tpu.memref_squeeze %dma_start3A_30 : memref<1x80x128xi32, #tpu.memory_space<hbm>> -> memref<80x128xi32, #tpu.memory_space<hbm>>
        %dma_start3A_32 = arith.constant 0 : i32
        %dma_start3A_33 = tpu.memref_slice %dma_start3A_31[%mul3A_13, %dma_start3A_32] : memref<80x128xi32, #tpu.memory_space<hbm>> -> memref<40x128xi32, #tpu.memory_space<hbm>>
        %dma_start3A_34 = arith.constant 0 : i32
        %dma_start3A_35 = arith.constant 0 : i32
        %dma_start3A_36 = arith.constant 0 : i32
        %dma_start3A_37 = tpu.memref_slice %arg2[%arg0, %dma_start3A_34, %dma_start3A_35, %dma_start3A_36] : memref<2x16x80x128xi32, #tpu.memory_space<hbm>> -> memref<1x16x80x128xi32, #tpu.memory_space<hbm>>
        %dma_start3A_38 = tpu.memref_squeeze %dma_start3A_37 : memref<1x16x80x128xi32, #tpu.memory_space<hbm>> -> memref<16x80x128xi32, #tpu.memory_space<hbm>>
        %dma_start3A_39 = arith.constant 0 : i32
        %dma_start3A_40 = arith.constant 0 : i32
        %dma_start3A_41 = tpu.memref_slice %dma_start3A_38[%arg1, %dma_start3A_39, %dma_start3A_40] : memref<16x80x128xi32, #tpu.memory_space<hbm>> -> memref<1x80x128xi32, #tpu.memory_space<hbm>>
        %dma_start3A_42 = tpu.memref_squeeze %dma_start3A_41 : memref<1x80x128xi32, #tpu.memory_space<hbm>> -> memref<80x128xi32, #tpu.memory_space<hbm>>
        %dma_start3A_43 = arith.constant 0 : i32
        %dma_start3A_44 = tpu.memref_slice %dma_start3A_42[%mul3A_13, %dma_start3A_43] : memref<80x128xi32, #tpu.memory_space<hbm>> -> memref<40x128xi32, #tpu.memory_space<hbm>>
        tpu.enqueue_dma source(%dma_start3A_44 : memref<40x128xi32, #tpu.memory_space<hbm>>) target(%arg6 : memref<40x128xi32, #tpu.memory_space<vmem>>) target_semaphore(%run_scoped3A : memref<!tpu.dma_semaphore, #tpu.memory_space<semaphore_mem>>)
        %dma_wait3A = arith.constant 0 : i32
        %dma_wait3A_45 = arith.constant 0 : i32
        %dma_wait3A_46 = arith.constant 0 : i32
        %dma_wait3A_47 = tpu.memref_slice %arg2[%arg0, %dma_wait3A, %dma_wait3A_45, %dma_wait3A_46] : memref<2x16x80x128xi32, #tpu.memory_space<hbm>> -> memref<1x16x80x128xi32, #tpu.memory_space<hbm>>
        %dma_wait3A_48 = tpu.memref_squeeze %dma_wait3A_47 : memref<1x16x80x128xi32, #tpu.memory_space<hbm>> -> memref<16x80x128xi32, #tpu.memory_space<hbm>>
        %dma_wait3A_49 = arith.constant 0 : i32
        %dma_wait3A_50 = arith.constant 0 : i32
        %dma_wait3A_51 = tpu.memref_slice %dma_wait3A_48[%arg1, %dma_wait3A_49, %dma_wait3A_50] : memref<16x80x128xi32, #tpu.memory_space<hbm>> -> memref<1x80x128xi32, #tpu.memory_space<hbm>>
        %dma_wait3A_52 = tpu.memref_squeeze %dma_wait3A_51 : memref<1x80x128xi32, #tpu.memory_space<hbm>> -> memref<80x128xi32, #tpu.memory_space<hbm>>
        %dma_wait3A_53 = arith.constant 0 : i32
        %dma_wait3A_54 = tpu.memref_slice %dma_wait3A_52[%mul3A_13, %dma_wait3A_53] : memref<80x128xi32, #tpu.memory_space<hbm>> -> memref<40x128xi32, #tpu.memory_space<hbm>>
        %dma_wait3A_55 = arith.constant 0 : i32
        %dma_wait3A_56 = arith.constant 0 : i32
        %dma_wait3A_57 = arith.constant 0 : i32
        %dma_wait3A_58 = tpu.memref_slice %arg2[%arg0, %dma_wait3A_55, %dma_wait3A_56, %dma_wait3A_57] : memref<2x16x80x128xi32, #tpu.memory_space<hbm>> -> memref<1x16x80x128xi32, #tpu.memory_space<hbm>>
        %dma_wait3A_59 = tpu.memref_squeeze %dma_wait3A_58 : memref<1x16x80x128xi32, #tpu.memory_space<hbm>> -> memref<16x80x128xi32, #tpu.memory_space<hbm>>
        %dma_wait3A_60 = arith.constant 0 : i32
        %dma_wait3A_61 = arith.constant 0 : i32
        %dma_wait3A_62 = tpu.memref_slice %dma_wait3A_59[%arg1, %dma_wait3A_60, %dma_wait3A_61] : memref<16x80x128xi32, #tpu.memory_space<hbm>> -> memref<1x80x128xi32, #tpu.memory_space<hbm>>
        %dma_wait3A_63 = tpu.memref_squeeze %dma_wait3A_62 : memref<1x80x128xi32, #tpu.memory_space<hbm>> -> memref<80x128xi32, #tpu.memory_space<hbm>>
        %dma_wait3A_64 = arith.constant 0 : i32
        %dma_wait3A_65 = tpu.memref_slice %dma_wait3A_63[%mul3A_13, %dma_wait3A_64] : memref<80x128xi32, #tpu.memory_space<hbm>> -> memref<40x128xi32, #tpu.memory_space<hbm>>
        tpu.wait_dma2 semaphore(%run_scoped3A : memref<!tpu.dma_semaphore, #tpu.memory_space<semaphore_mem>>) src(%dma_wait3A_65 : memref<40x128xi32, #tpu.memory_space<hbm>>) dst(%arg6 : memref<40x128xi32, #tpu.memory_space<vmem>>)
        tpu.yield
      }) : () -> ()
      %scan3A_14 = arith.constant 0 : i32
      %scan3A_15 = arith.constant 40 : i32
      %scan3A_16 = arith.addi %scan3A_14, %scan3A_15 : i32
      %scan3A_17 = arith.constant 1 : i32
      scf.for %scan3A_24 = %scan3A_14 to %scan3A_16 step %scan3A_17  : i32 {
        %dma_start3A = arith.constant 0 : i32
        %dma_start3A_25 = tpu.memref_slice %arg6[%scan3A_24, %dma_start3A] : memref<40x128xi32, #tpu.memory_space<vmem>> -> memref<1x128xi32, #tpu.memory_space<vmem>>
        %dma_start3A_26 = tpu.memref_squeeze %dma_start3A_25 : memref<1x128xi32, #tpu.memory_space<vmem>> -> memref<128xi32, #tpu.memory_space<vmem>>
        %dma_start3A_27 = arith.constant 0 : i32
        %dma_start3A_28 = arith.constant 0 : i32
        %dma_start3A_29 = tpu.memref_slice %arg8[%dma_start3A_27, %dma_start3A_28] : memref<10240x128xf32, #tpu.memory_space<vmem_shared>> -> memref<10240x128xf32, #tpu.memory_space<vmem_shared>>
        tpu.enqueue_indirect_dma source(%arg7 : memref<128x128xf32, #tpu.memory_space<vmem>>) target(%dma_start3A_29 : memref<10240x128xf32, #tpu.memory_space<vmem_shared>>) offsets(%dma_start3A_26 : memref<128xi32, #tpu.memory_space<vmem>>) semaphore(%arg9 : memref<!tpu.dma_semaphore, #tpu.memory_space<semaphore_mem>>) {add = true}
      }
      %scan3A_18 = arith.constant 40 : i32
      %scan3A_19 = arith.constant 0 : i32
      %scan3A_20 = arith.constant 40 : i32
      %scan3A_21 = arith.addi %scan3A_19, %scan3A_20 : i32
      %scan3A_22 = arith.constant 1 : i32
      scf.for %scan3A_24 = %scan3A_19 to %scan3A_21 step %scan3A_22  : i32 {
        %dma_wait3A = arith.constant 0 : i32
        %dma_wait3A_25 = arith.constant 0 : i32
        %dma_wait3A_26 = tpu.memref_slice %arg6[%dma_wait3A, %dma_wait3A_25] : memref<40x128xi32, #tpu.memory_space<vmem>> -> memref<1x128xi32, #tpu.memory_space<vmem>>
        %dma_wait3A_27 = tpu.memref_squeeze %dma_wait3A_26 : memref<1x128xi32, #tpu.memory_space<vmem>> -> memref<128xi32, #tpu.memory_space<vmem>>
        %dma_wait3A_28 = arith.constant 0 : i32
        %dma_wait3A_29 = arith.constant 0 : i32
        %dma_wait3A_30 = tpu.memref_slice %arg8[%dma_wait3A_28, %dma_wait3A_29] : memref<10240x128xf32, #tpu.memory_space<vmem_shared>> -> memref<10240x128xf32, #tpu.memory_space<vmem_shared>>
        tpu.wait_indirect_dma semaphore(%arg9 : memref<!tpu.dma_semaphore, #tpu.memory_space<semaphore_mem>>) src(%arg7 : memref<128x128xf32, #tpu.memory_space<vmem>>) dst(%dma_wait3A_30 : memref<10240x128xf32, #tpu.memory_space<vmem_shared>>)
      }
      %scan3A_23 = arith.constant 40 : i32
    }
    %scan3A_5 = arith.constant 2 : i32
    %barrier3A_6 = arith.constant 0 : index
    tpu.barrier barrier_id(%barrier3A_6)
    %mul3A_7 = arith.constant 640 : i32
    %mul3A_8 = arith.muli %arg1, %mul3A_7 : i32
    %mul3A_9 = arith.constant 640 : i32
    %mul3A_10 = arith.muli %arg1, %mul3A_9 : i32
    "tpu.region"() ({
      %run_scoped3A = tpu.sem_alloc : memref<!tpu.dma_semaphore, #tpu.memory_space<semaphore_mem>>
      %dma_start3A = arith.constant 0 : i32
      %dma_start3A_11 = arith.constant 0 : i32
      %dma_start3A_12 = tpu.memref_slice %arg5[%arg0, %dma_start3A, %dma_start3A_11] : memref<2x10240x128xf32, #tpu.memory_space<hbm>> -> memref<1x10240x128xf32, #tpu.memory_space<hbm>>
      %dma_start3A_13 = tpu.memref_squeeze %dma_start3A_12 : memref<1x10240x128xf32, #tpu.memory_space<hbm>> -> memref<10240x128xf32, #tpu.memory_space<hbm>>
      %dma_start3A_14 = arith.constant 0 : i32
      %dma_start3A_15 = tpu.memref_slice %dma_start3A_13[%mul3A_10, %dma_start3A_14] : memref<10240x128xf32, #tpu.memory_space<hbm>> -> memref<640x128xf32, #tpu.memory_space<hbm>>
      %dma_start3A_16 = arith.constant 0 : i32
      %dma_start3A_17 = tpu.memref_slice %arg8[%mul3A_8, %dma_start3A_16] : memref<10240x128xf32, #tpu.memory_space<vmem_shared>> -> memref<640x128xf32, #tpu.memory_space<vmem_shared>>
      tpu.enqueue_dma source(%dma_start3A_17 : memref<640x128xf32, #tpu.memory_space<vmem_shared>>) target(%dma_start3A_15 : memref<640x128xf32, #tpu.memory_space<hbm>>) target_semaphore(%run_scoped3A : memref<!tpu.dma_semaphore, #tpu.memory_space<semaphore_mem>>)
      %dma_wait3A = arith.constant 0 : i32
      %dma_wait3A_18 = arith.constant 0 : i32
      %dma_wait3A_19 = tpu.memref_slice %arg5[%arg0, %dma_wait3A, %dma_wait3A_18] : memref<2x10240x128xf32, #tpu.memory_space<hbm>> -> memref<1x10240x128xf32, #tpu.memory_space<hbm>>
      %dma_wait3A_20 = tpu.memref_squeeze %dma_wait3A_19 : memref<1x10240x128xf32, #tpu.memory_space<hbm>> -> memref<10240x128xf32, #tpu.memory_space<hbm>>
      %dma_wait3A_21 = arith.constant 0 : i32
      %dma_wait3A_22 = tpu.memref_slice %dma_wait3A_20[%mul3A_10, %dma_wait3A_21] : memref<10240x128xf32, #tpu.memory_space<hbm>> -> memref<640x128xf32, #tpu.memory_space<hbm>>
      %dma_wait3A_23 = arith.constant 0 : i32
      %dma_wait3A_24 = tpu.memref_slice %arg8[%mul3A_8, %dma_wait3A_23] : memref<10240x128xf32, #tpu.memory_space<vmem_shared>> -> memref<640x128xf32, #tpu.memory_space<vmem_shared>>
      tpu.wait_dma2 semaphore(%run_scoped3A : memref<!tpu.dma_semaphore, #tpu.memory_space<semaphore_mem>>) src(%dma_wait3A_24 : memref<640x128xf32, #tpu.memory_space<vmem_shared>>) dst(%dma_wait3A_22 : memref<640x128xf32, #tpu.memory_space<hbm>>)
      tpu.yield
    }) : () -> ()
    return
  }
}

#map = affine_map<(d0, d1) -> (0, 0, 0)>
#map1 = affine_map<(d0, d1) -> (0, 0)>
module attributes {stable_mosaic.version = 14 : i64} {
  func.func @seg_sum(%arg0: i32, %arg1: i32, %arg2: memref<2x10000x128xf32, #tpu.memory_space<hbm>>, %arg3: memref<16x160x128xi32, #tpu.memory_space<hbm>>, %arg4: memref<16x160x128xi32, #tpu.memory_space<hbm>>, %arg5: memref<640x128xf32, #tpu.memory_space<hbm>>, %arg6: memref<2x10240x128xf32, #tpu.memory_space<hbm>>, %arg7: memref<32x128xi32, #tpu.memory_space<vmem>>, %arg8: memref<32x128xi32, #tpu.memory_space<vmem>>, %arg9: memref<128x128xf32, #tpu.memory_space<vmem>>, %arg10: memref<128x128xf32, #tpu.memory_space<vmem>>, %arg11: memref<10240x128xf32, #tpu.memory_space<vmem_shared>>, %arg12: memref<!tpu.dma_semaphore, #tpu.memory_space<semaphore_mem>>, %arg13: memref<!tpu.dma_semaphore, #tpu.memory_space<semaphore_mem>>) attributes {dimension_semantics = [#tpu.dimension_semantics<core_parallel>, #tpu.dimension_semantics<subcore_parallel>], iteration_bounds = array<i64: 2, 16>, scalar_prefetch = 0 : i64, scratch_operands = 7 : i64, tpu.core_type = #tpu.core_type<sc_vector_subcore>, window_params = [{transform_indices = #map}, {transform_indices = #map}, {transform_indices = #map}, {transform_indices = #map1}, {transform_indices = #map}]} {
    %mul3A = arith.constant 640 : i32
    %mul3A_0 = arith.muli %arg1, %mul3A : i32
    "tpu.region"() ({
      %run_scoped3A = tpu.sem_alloc : memref<!tpu.dma_semaphore, #tpu.memory_space<semaphore_mem>>
      %dma_start3A = arith.constant 0 : i32
      %dma_start3A_11 = tpu.memref_slice %arg11[%mul3A_0, %dma_start3A] : memref<10240x128xf32, #tpu.memory_space<vmem_shared>> -> memref<640x128xf32, #tpu.memory_space<vmem_shared>>
      tpu.enqueue_dma source(%arg5 : memref<640x128xf32, #tpu.memory_space<hbm>>) target(%dma_start3A_11 : memref<640x128xf32, #tpu.memory_space<vmem_shared>>) target_semaphore(%run_scoped3A : memref<!tpu.dma_semaphore, #tpu.memory_space<semaphore_mem>>)
      %dma_wait3A = arith.constant 0 : i32
      %dma_wait3A_12 = tpu.memref_slice %arg11[%mul3A_0, %dma_wait3A] : memref<10240x128xf32, #tpu.memory_space<vmem_shared>> -> memref<640x128xf32, #tpu.memory_space<vmem_shared>>
      tpu.wait_dma2 semaphore(%run_scoped3A : memref<!tpu.dma_semaphore, #tpu.memory_space<semaphore_mem>>) src(%arg5 : memref<640x128xf32, #tpu.memory_space<hbm>>) dst(%dma_wait3A_12 : memref<640x128xf32, #tpu.memory_space<vmem_shared>>)
      tpu.yield
    }) : () -> ()
    %barrier3A = arith.constant 0 : index
    tpu.barrier barrier_id(%barrier3A)
    %scan3A = arith.constant 0 : i32
    %scan3A_1 = arith.constant 0 : i32
    %scan3A_2 = arith.constant 5 : i32
    %scan3A_3 = arith.addi %scan3A_1, %scan3A_2 : i32
    %scan3A_4 = arith.constant 1 : i32
    scf.for %scan3A_11 = %scan3A_1 to %scan3A_3 step %scan3A_4  : i32 {
      %mul3A_12 = arith.constant 32 : i32
      %mul3A_13 = arith.muli %scan3A_11, %mul3A_12 : i32
      "tpu.region"() ({
        %run_scoped3A = tpu.sem_alloc : memref<!tpu.dma_semaphore, #tpu.memory_space<semaphore_mem>>
        %dma_start3A_31 = arith.constant 0 : i32
        %dma_start3A_32 = arith.constant 0 : i32
        %dma_start3A_33 = tpu.memref_slice %arg3[%arg1, %dma_start3A_31, %dma_start3A_32] : memref<16x160x128xi32, #tpu.memory_space<hbm>> -> memref<1x160x128xi32, #tpu.memory_space<hbm>>
        %dma_start3A_34 = tpu.memref_squeeze %dma_start3A_33 : memref<1x160x128xi32, #tpu.memory_space<hbm>> -> memref<160x128xi32, #tpu.memory_space<hbm>>
        %dma_start3A_35 = arith.constant 0 : i32
        %dma_start3A_36 = tpu.memref_slice %dma_start3A_34[%mul3A_13, %dma_start3A_35] : memref<160x128xi32, #tpu.memory_space<hbm>> -> memref<32x128xi32, #tpu.memory_space<hbm>>
        %dma_start3A_37 = arith.constant 0 : i32
        %dma_start3A_38 = arith.constant 0 : i32
        %dma_start3A_39 = tpu.memref_slice %arg3[%arg1, %dma_start3A_37, %dma_start3A_38] : memref<16x160x128xi32, #tpu.memory_space<hbm>> -> memref<1x160x128xi32, #tpu.memory_space<hbm>>
        %dma_start3A_40 = tpu.memref_squeeze %dma_start3A_39 : memref<1x160x128xi32, #tpu.memory_space<hbm>> -> memref<160x128xi32, #tpu.memory_space<hbm>>
        %dma_start3A_41 = arith.constant 0 : i32
        %dma_start3A_42 = tpu.memref_slice %dma_start3A_40[%mul3A_13, %dma_start3A_41] : memref<160x128xi32, #tpu.memory_space<hbm>> -> memref<32x128xi32, #tpu.memory_space<hbm>>
        tpu.enqueue_dma source(%dma_start3A_42 : memref<32x128xi32, #tpu.memory_space<hbm>>) target(%arg7 : memref<32x128xi32, #tpu.memory_space<vmem>>) target_semaphore(%run_scoped3A : memref<!tpu.dma_semaphore, #tpu.memory_space<semaphore_mem>>)
        %dma_wait3A = arith.constant 0 : i32
        %dma_wait3A_43 = arith.constant 0 : i32
        %dma_wait3A_44 = tpu.memref_slice %arg3[%arg1, %dma_wait3A, %dma_wait3A_43] : memref<16x160x128xi32, #tpu.memory_space<hbm>> -> memref<1x160x128xi32, #tpu.memory_space<hbm>>
        %dma_wait3A_45 = tpu.memref_squeeze %dma_wait3A_44 : memref<1x160x128xi32, #tpu.memory_space<hbm>> -> memref<160x128xi32, #tpu.memory_space<hbm>>
        %dma_wait3A_46 = arith.constant 0 : i32
        %dma_wait3A_47 = tpu.memref_slice %dma_wait3A_45[%mul3A_13, %dma_wait3A_46] : memref<160x128xi32, #tpu.memory_space<hbm>> -> memref<32x128xi32, #tpu.memory_space<hbm>>
        %dma_wait3A_48 = arith.constant 0 : i32
        %dma_wait3A_49 = arith.constant 0 : i32
        %dma_wait3A_50 = tpu.memref_slice %arg3[%arg1, %dma_wait3A_48, %dma_wait3A_49] : memref<16x160x128xi32, #tpu.memory_space<hbm>> -> memref<1x160x128xi32, #tpu.memory_space<hbm>>
        %dma_wait3A_51 = tpu.memref_squeeze %dma_wait3A_50 : memref<1x160x128xi32, #tpu.memory_space<hbm>> -> memref<160x128xi32, #tpu.memory_space<hbm>>
        %dma_wait3A_52 = arith.constant 0 : i32
        %dma_wait3A_53 = tpu.memref_slice %dma_wait3A_51[%mul3A_13, %dma_wait3A_52] : memref<160x128xi32, #tpu.memory_space<hbm>> -> memref<32x128xi32, #tpu.memory_space<hbm>>
        tpu.wait_dma2 semaphore(%run_scoped3A : memref<!tpu.dma_semaphore, #tpu.memory_space<semaphore_mem>>) src(%dma_wait3A_53 : memref<32x128xi32, #tpu.memory_space<hbm>>) dst(%arg7 : memref<32x128xi32, #tpu.memory_space<vmem>>)
        tpu.yield
      }) : () -> ()
      %mul3A_14 = arith.constant 32 : i32
      %mul3A_15 = arith.muli %scan3A_11, %mul3A_14 : i32
      "tpu.region"() ({
        %run_scoped3A = tpu.sem_alloc : memref<!tpu.dma_semaphore, #tpu.memory_space<semaphore_mem>>
        %dma_start3A_31 = arith.constant 0 : i32
        %dma_start3A_32 = arith.constant 0 : i32
        %dma_start3A_33 = tpu.memref_slice %arg4[%arg1, %dma_start3A_31, %dma_start3A_32] : memref<16x160x128xi32, #tpu.memory_space<hbm>> -> memref<1x160x128xi32, #tpu.memory_space<hbm>>
        %dma_start3A_34 = tpu.memref_squeeze %dma_start3A_33 : memref<1x160x128xi32, #tpu.memory_space<hbm>> -> memref<160x128xi32, #tpu.memory_space<hbm>>
        %dma_start3A_35 = arith.constant 0 : i32
        %dma_start3A_36 = tpu.memref_slice %dma_start3A_34[%mul3A_15, %dma_start3A_35] : memref<160x128xi32, #tpu.memory_space<hbm>> -> memref<32x128xi32, #tpu.memory_space<hbm>>
        %dma_start3A_37 = arith.constant 0 : i32
        %dma_start3A_38 = arith.constant 0 : i32
        %dma_start3A_39 = tpu.memref_slice %arg4[%arg1, %dma_start3A_37, %dma_start3A_38] : memref<16x160x128xi32, #tpu.memory_space<hbm>> -> memref<1x160x128xi32, #tpu.memory_space<hbm>>
        %dma_start3A_40 = tpu.memref_squeeze %dma_start3A_39 : memref<1x160x128xi32, #tpu.memory_space<hbm>> -> memref<160x128xi32, #tpu.memory_space<hbm>>
        %dma_start3A_41 = arith.constant 0 : i32
        %dma_start3A_42 = tpu.memref_slice %dma_start3A_40[%mul3A_15, %dma_start3A_41] : memref<160x128xi32, #tpu.memory_space<hbm>> -> memref<32x128xi32, #tpu.memory_space<hbm>>
        tpu.enqueue_dma source(%dma_start3A_42 : memref<32x128xi32, #tpu.memory_space<hbm>>) target(%arg8 : memref<32x128xi32, #tpu.memory_space<vmem>>) target_semaphore(%run_scoped3A : memref<!tpu.dma_semaphore, #tpu.memory_space<semaphore_mem>>)
        %dma_wait3A = arith.constant 0 : i32
        %dma_wait3A_43 = arith.constant 0 : i32
        %dma_wait3A_44 = tpu.memref_slice %arg4[%arg1, %dma_wait3A, %dma_wait3A_43] : memref<16x160x128xi32, #tpu.memory_space<hbm>> -> memref<1x160x128xi32, #tpu.memory_space<hbm>>
        %dma_wait3A_45 = tpu.memref_squeeze %dma_wait3A_44 : memref<1x160x128xi32, #tpu.memory_space<hbm>> -> memref<160x128xi32, #tpu.memory_space<hbm>>
        %dma_wait3A_46 = arith.constant 0 : i32
        %dma_wait3A_47 = tpu.memref_slice %dma_wait3A_45[%mul3A_15, %dma_wait3A_46] : memref<160x128xi32, #tpu.memory_space<hbm>> -> memref<32x128xi32, #tpu.memory_space<hbm>>
        %dma_wait3A_48 = arith.constant 0 : i32
        %dma_wait3A_49 = arith.constant 0 : i32
        %dma_wait3A_50 = tpu.memref_slice %arg4[%arg1, %dma_wait3A_48, %dma_wait3A_49] : memref<16x160x128xi32, #tpu.memory_space<hbm>> -> memref<1x160x128xi32, #tpu.memory_space<hbm>>
        %dma_wait3A_51 = tpu.memref_squeeze %dma_wait3A_50 : memref<1x160x128xi32, #tpu.memory_space<hbm>> -> memref<160x128xi32, #tpu.memory_space<hbm>>
        %dma_wait3A_52 = arith.constant 0 : i32
        %dma_wait3A_53 = tpu.memref_slice %dma_wait3A_51[%mul3A_15, %dma_wait3A_52] : memref<160x128xi32, #tpu.memory_space<hbm>> -> memref<32x128xi32, #tpu.memory_space<hbm>>
        tpu.wait_dma2 semaphore(%run_scoped3A : memref<!tpu.dma_semaphore, #tpu.memory_space<semaphore_mem>>) src(%dma_wait3A_53 : memref<32x128xi32, #tpu.memory_space<hbm>>) dst(%arg8 : memref<32x128xi32, #tpu.memory_space<vmem>>)
        tpu.yield
      }) : () -> ()
      %dma_start3A = arith.constant 0 : i32
      %dma_start3A_16 = arith.constant 0 : i32
      %dma_start3A_17 = tpu.memref_slice %arg7[%dma_start3A, %dma_start3A_16] : memref<32x128xi32, #tpu.memory_space<vmem>> -> memref<1x128xi32, #tpu.memory_space<vmem>>
      %dma_start3A_18 = tpu.memref_squeeze %dma_start3A_17 : memref<1x128xi32, #tpu.memory_space<vmem>> -> memref<128xi32, #tpu.memory_space<vmem>>
      %dma_start3A_19 = arith.constant 0 : i32
      %dma_start3A_20 = arith.constant 0 : i32
      %dma_start3A_21 = tpu.memref_slice %arg2[%arg0, %dma_start3A_19, %dma_start3A_20] : memref<2x10000x128xf32, #tpu.memory_space<hbm>> -> memref<1x10000x128xf32, #tpu.memory_space<hbm>>
      %dma_start3A_22 = tpu.memref_squeeze %dma_start3A_21 : memref<1x10000x128xf32, #tpu.memory_space<hbm>> -> memref<10000x128xf32, #tpu.memory_space<hbm>>
      %dma_start3A_23 = arith.constant 0 : i32
      %dma_start3A_24 = arith.constant 0 : i32
      %dma_start3A_25 = tpu.memref_slice %dma_start3A_22[%dma_start3A_23, %dma_start3A_24] : memref<10000x128xf32, #tpu.memory_space<hbm>> -> memref<10000x128xf32, #tpu.memory_space<hbm>>
      tpu.enqueue_indirect_dma source(%dma_start3A_25 : memref<10000x128xf32, #tpu.memory_space<hbm>>) target(%arg9 : memref<128x128xf32, #tpu.memory_space<vmem>>) offsets(%dma_start3A_18 : memref<128xi32, #tpu.memory_space<vmem>>) semaphore(%arg12 : memref<!tpu.dma_semaphore, #tpu.memory_space<semaphore_mem>>)
      %scan3A_26 = arith.constant 0 : i32
      %scan3A_27 = arith.constant 16 : i32
      %scan3A_28 = arith.addi %scan3A_26, %scan3A_27 : i32
      %scan3A_29 = arith.constant 1 : i32
      scf.for %scan3A_31 = %scan3A_26 to %scan3A_28 step %scan3A_29  : i32 {
        %mul3A_32 = arith.constant 2 : i32
        %mul3A_33 = arith.muli %mul3A_32, %scan3A_31 : i32
        %dma_wait3A = arith.constant 0 : i32
        %dma_wait3A_34 = arith.constant 0 : i32
        %dma_wait3A_35 = tpu.memref_slice %arg7[%dma_wait3A, %dma_wait3A_34] : memref<32x128xi32, #tpu.memory_space<vmem>> -> memref<1x128xi32, #tpu.memory_space<vmem>>
        %dma_wait3A_36 = tpu.memref_squeeze %dma_wait3A_35 : memref<1x128xi32, #tpu.memory_space<vmem>> -> memref<128xi32, #tpu.memory_space<vmem>>
        %dma_wait3A_37 = arith.constant 0 : i32
        %dma_wait3A_38 = arith.constant 0 : i32
        %dma_wait3A_39 = tpu.memref_slice %arg2[%arg0, %dma_wait3A_37, %dma_wait3A_38] : memref<2x10000x128xf32, #tpu.memory_space<hbm>> -> memref<1x10000x128xf32, #tpu.memory_space<hbm>>
        %dma_wait3A_40 = tpu.memref_squeeze %dma_wait3A_39 : memref<1x10000x128xf32, #tpu.memory_space<hbm>> -> memref<10000x128xf32, #tpu.memory_space<hbm>>
        %dma_wait3A_41 = arith.constant 0 : i32
        %dma_wait3A_42 = arith.constant 0 : i32
        %dma_wait3A_43 = tpu.memref_slice %dma_wait3A_40[%dma_wait3A_41, %dma_wait3A_42] : memref<10000x128xf32, #tpu.memory_space<hbm>> -> memref<10000x128xf32, #tpu.memory_space<hbm>>
        tpu.wait_indirect_dma semaphore(%arg12 : memref<!tpu.dma_semaphore, #tpu.memory_space<semaphore_mem>>) src(%dma_wait3A_43 : memref<10000x128xf32, #tpu.memory_space<hbm>>) dst(%arg9 : memref<128x128xf32, #tpu.memory_space<vmem>>)
        %add3A = arith.constant 1 : i32
        %add3A_44 = arith.addi %mul3A_33, %add3A : i32
        %dma_start3A_45 = arith.constant 0 : i32
        %dma_start3A_46 = tpu.memref_slice %arg7[%add3A_44, %dma_start3A_45] : memref<32x128xi32, #tpu.memory_space<vmem>> -> memref<1x128xi32, #tpu.memory_space<vmem>>
        %dma_start3A_47 = tpu.memref_squeeze %dma_start3A_46 : memref<1x128xi32, #tpu.memory_space<vmem>> -> memref<128xi32, #tpu.memory_space<vmem>>
        %dma_start3A_48 = arith.constant 0 : i32
        %dma_start3A_49 = arith.constant 0 : i32
        %dma_start3A_50 = tpu.memref_slice %arg2[%arg0, %dma_start3A_48, %dma_start3A_49] : memref<2x10000x128xf32, #tpu.memory_space<hbm>> -> memref<1x10000x128xf32, #tpu.memory_space<hbm>>
        %dma_start3A_51 = tpu.memref_squeeze %dma_start3A_50 : memref<1x10000x128xf32, #tpu.memory_space<hbm>> -> memref<10000x128xf32, #tpu.memory_space<hbm>>
        %dma_start3A_52 = arith.constant 0 : i32
        %dma_start3A_53 = arith.constant 0 : i32
        %dma_start3A_54 = tpu.memref_slice %dma_start3A_51[%dma_start3A_52, %dma_start3A_53] : memref<10000x128xf32, #tpu.memory_space<hbm>> -> memref<10000x128xf32, #tpu.memory_space<hbm>>
        tpu.enqueue_indirect_dma source(%dma_start3A_54 : memref<10000x128xf32, #tpu.memory_space<hbm>>) target(%arg10 : memref<128x128xf32, #tpu.memory_space<vmem>>) offsets(%dma_start3A_47 : memref<128xi32, #tpu.memory_space<vmem>>) semaphore(%arg13 : memref<!tpu.dma_semaphore, #tpu.memory_space<semaphore_mem>>)
        "tpu.region"() ({
          %run_scoped3A = tpu.sem_alloc : memref<!tpu.dma_semaphore, #tpu.memory_space<semaphore_mem>>
          %dma_start3A_72 = arith.constant 0 : i32
          %dma_start3A_73 = tpu.memref_slice %arg8[%mul3A_33, %dma_start3A_72] : memref<32x128xi32, #tpu.memory_space<vmem>> -> memref<1x128xi32, #tpu.memory_space<vmem>>
          %dma_start3A_74 = tpu.memref_squeeze %dma_start3A_73 : memref<1x128xi32, #tpu.memory_space<vmem>> -> memref<128xi32, #tpu.memory_space<vmem>>
          %dma_start3A_75 = arith.constant 0 : i32
          %dma_start3A_76 = arith.constant 0 : i32
          %dma_start3A_77 = tpu.memref_slice %arg11[%dma_start3A_75, %dma_start3A_76] : memref<10240x128xf32, #tpu.memory_space<vmem_shared>> -> memref<10240x128xf32, #tpu.memory_space<vmem_shared>>
          tpu.enqueue_indirect_dma source(%arg9 : memref<128x128xf32, #tpu.memory_space<vmem>>) target(%dma_start3A_77 : memref<10240x128xf32, #tpu.memory_space<vmem_shared>>) offsets(%dma_start3A_74 : memref<128xi32, #tpu.memory_space<vmem>>) semaphore(%run_scoped3A : memref<!tpu.dma_semaphore, #tpu.memory_space<semaphore_mem>>) {add = true}
          %dma_wait3A_78 = arith.constant 0 : i32
          %dma_wait3A_79 = tpu.memref_slice %arg8[%mul3A_33, %dma_wait3A_78] : memref<32x128xi32, #tpu.memory_space<vmem>> -> memref<1x128xi32, #tpu.memory_space<vmem>>
          %dma_wait3A_80 = tpu.memref_squeeze %dma_wait3A_79 : memref<1x128xi32, #tpu.memory_space<vmem>> -> memref<128xi32, #tpu.memory_space<vmem>>
          %dma_wait3A_81 = arith.constant 0 : i32
          %dma_wait3A_82 = arith.constant 0 : i32
          %dma_wait3A_83 = tpu.memref_slice %arg11[%dma_wait3A_81, %dma_wait3A_82] : memref<10240x128xf32, #tpu.memory_space<vmem_shared>> -> memref<10240x128xf32, #tpu.memory_space<vmem_shared>>
          tpu.wait_indirect_dma semaphore(%run_scoped3A : memref<!tpu.dma_semaphore, #tpu.memory_space<semaphore_mem>>) src(%arg9 : memref<128x128xf32, #tpu.memory_space<vmem>>) dst(%dma_wait3A_83 : memref<10240x128xf32, #tpu.memory_space<vmem_shared>>)
          tpu.yield
        }) : () -> ()
        %dma_wait3A_55 = arith.constant 0 : i32
        %dma_wait3A_56 = arith.constant 0 : i32
        %dma_wait3A_57 = tpu.memref_slice %arg7[%dma_wait3A_55, %dma_wait3A_56] : memref<32x128xi32, #tpu.memory_space<vmem>> -> memref<1x128xi32, #tpu.memory_space<vmem>>
        %dma_wait3A_58 = tpu.memref_squeeze %dma_wait3A_57 : memref<1x128xi32, #tpu.memory_space<vmem>> -> memref<128xi32, #tpu.memory_space<vmem>>
        %dma_wait3A_59 = arith.constant 0 : i32
        %dma_wait3A_60 = arith.constant 0 : i32
        %dma_wait3A_61 = tpu.memref_slice %arg2[%arg0, %dma_wait3A_59, %dma_wait3A_60] : memref<2x10000x128xf32, #tpu.memory_space<hbm>> -> memref<1x10000x128xf32, #tpu.memory_space<hbm>>
        %dma_wait3A_62 = tpu.memref_squeeze %dma_wait3A_61 : memref<1x10000x128xf32, #tpu.memory_space<hbm>> -> memref<10000x128xf32, #tpu.memory_space<hbm>>
        %dma_wait3A_63 = arith.constant 0 : i32
        %dma_wait3A_64 = arith.constant 0 : i32
        %dma_wait3A_65 = tpu.memref_slice %dma_wait3A_62[%dma_wait3A_63, %dma_wait3A_64] : memref<10000x128xf32, #tpu.memory_space<hbm>> -> memref<10000x128xf32, #tpu.memory_space<hbm>>
        tpu.wait_indirect_dma semaphore(%arg13 : memref<!tpu.dma_semaphore, #tpu.memory_space<semaphore_mem>>) src(%dma_wait3A_65 : memref<10000x128xf32, #tpu.memory_space<hbm>>) dst(%arg10 : memref<128x128xf32, #tpu.memory_space<vmem>>)
        %add3A_66 = arith.constant 2 : i32
        %add3A_67 = arith.addi %mul3A_33, %add3A_66 : i32
        %lt3A = arith.constant 32 : i32
        %lt3A_68 = arith.cmpi slt, %add3A_67, %lt3A : i32
        %convert_element_type3A = arith.extui %lt3A_68 : i1 to i32
        %cond3A = arith.constant 0 : i32
        %cond3A_69 = arith.cmpi ne, %convert_element_type3A, %cond3A : i32
        scf.if %cond3A_69 {
          %add3A_72 = arith.constant 2 : i32
          %add3A_73 = arith.addi %mul3A_33, %add3A_72 : i32
          %dma_start3A_74 = arith.constant 0 : i32
          %dma_start3A_75 = tpu.memref_slice %arg7[%add3A_73, %dma_start3A_74] : memref<32x128xi32, #tpu.memory_space<vmem>> -> memref<1x128xi32, #tpu.memory_space<vmem>>
          %dma_start3A_76 = tpu.memref_squeeze %dma_start3A_75 : memref<1x128xi32, #tpu.memory_space<vmem>> -> memref<128xi32, #tpu.memory_space<vmem>>
          %dma_start3A_77 = arith.constant 0 : i32
          %dma_start3A_78 = arith.constant 0 : i32
          %dma_start3A_79 = tpu.memref_slice %arg2[%arg0, %dma_start3A_77, %dma_start3A_78] : memref<2x10000x128xf32, #tpu.memory_space<hbm>> -> memref<1x10000x128xf32, #tpu.memory_space<hbm>>
          %dma_start3A_80 = tpu.memref_squeeze %dma_start3A_79 : memref<1x10000x128xf32, #tpu.memory_space<hbm>> -> memref<10000x128xf32, #tpu.memory_space<hbm>>
          %dma_start3A_81 = arith.constant 0 : i32
          %dma_start3A_82 = arith.constant 0 : i32
          %dma_start3A_83 = tpu.memref_slice %dma_start3A_80[%dma_start3A_81, %dma_start3A_82] : memref<10000x128xf32, #tpu.memory_space<hbm>> -> memref<10000x128xf32, #tpu.memory_space<hbm>>
          tpu.enqueue_indirect_dma source(%dma_start3A_83 : memref<10000x128xf32, #tpu.memory_space<hbm>>) target(%arg9 : memref<128x128xf32, #tpu.memory_space<vmem>>) offsets(%dma_start3A_76 : memref<128xi32, #tpu.memory_space<vmem>>) semaphore(%arg12 : memref<!tpu.dma_semaphore, #tpu.memory_space<semaphore_mem>>)
        } else {
        }
        %add3A_70 = arith.constant 1 : i32
        %add3A_71 = arith.addi %mul3A_33, %add3A_70 : i32
        "tpu.region"() ({
          %run_scoped3A = tpu.sem_alloc : memref<!tpu.dma_semaphore, #tpu.memory_space<semaphore_mem>>
          %dma_start3A_72 = arith.constant 0 : i32
          %dma_start3A_73 = tpu.memref_slice %arg8[%add3A_71, %dma_start3A_72] : memref<32x128xi32, #tpu.memory_space<vmem>> -> memref<1x128xi32, #tpu.memory_space<vmem>>
          %dma_start3A_74 = tpu.memref_squeeze %dma_start3A_73 : memref<1x128xi32, #tpu.memory_space<vmem>> -> memref<128xi32, #tpu.memory_space<vmem>>
          %dma_start3A_75 = arith.constant 0 : i32
          %dma_start3A_76 = arith.constant 0 : i32
          %dma_start3A_77 = tpu.memref_slice %arg11[%dma_start3A_75, %dma_start3A_76] : memref<10240x128xf32, #tpu.memory_space<vmem_shared>> -> memref<10240x128xf32, #tpu.memory_space<vmem_shared>>
          tpu.enqueue_indirect_dma source(%arg10 : memref<128x128xf32, #tpu.memory_space<vmem>>) target(%dma_start3A_77 : memref<10240x128xf32, #tpu.memory_space<vmem_shared>>) offsets(%dma_start3A_74 : memref<128xi32, #tpu.memory_space<vmem>>) semaphore(%run_scoped3A : memref<!tpu.dma_semaphore, #tpu.memory_space<semaphore_mem>>) {add = true}
          %dma_wait3A_78 = arith.constant 0 : i32
          %dma_wait3A_79 = tpu.memref_slice %arg8[%add3A_71, %dma_wait3A_78] : memref<32x128xi32, #tpu.memory_space<vmem>> -> memref<1x128xi32, #tpu.memory_space<vmem>>
          %dma_wait3A_80 = tpu.memref_squeeze %dma_wait3A_79 : memref<1x128xi32, #tpu.memory_space<vmem>> -> memref<128xi32, #tpu.memory_space<vmem>>
          %dma_wait3A_81 = arith.constant 0 : i32
          %dma_wait3A_82 = arith.constant 0 : i32
          %dma_wait3A_83 = tpu.memref_slice %arg11[%dma_wait3A_81, %dma_wait3A_82] : memref<10240x128xf32, #tpu.memory_space<vmem_shared>> -> memref<10240x128xf32, #tpu.memory_space<vmem_shared>>
          tpu.wait_indirect_dma semaphore(%run_scoped3A : memref<!tpu.dma_semaphore, #tpu.memory_space<semaphore_mem>>) src(%arg10 : memref<128x128xf32, #tpu.memory_space<vmem>>) dst(%dma_wait3A_83 : memref<10240x128xf32, #tpu.memory_space<vmem_shared>>)
          tpu.yield
        }) : () -> ()
      }
      %scan3A_30 = arith.constant 16 : i32
    }
    %scan3A_5 = arith.constant 5 : i32
    %barrier3A_6 = arith.constant 0 : index
    tpu.barrier barrier_id(%barrier3A_6)
    %mul3A_7 = arith.constant 640 : i32
    %mul3A_8 = arith.muli %arg1, %mul3A_7 : i32
    %mul3A_9 = arith.constant 640 : i32
    %mul3A_10 = arith.muli %arg1, %mul3A_9 : i32
    "tpu.region"() ({
      %run_scoped3A = tpu.sem_alloc : memref<!tpu.dma_semaphore, #tpu.memory_space<semaphore_mem>>
      %dma_start3A = arith.constant 0 : i32
      %dma_start3A_11 = arith.constant 0 : i32
      %dma_start3A_12 = tpu.memref_slice %arg6[%arg0, %dma_start3A, %dma_start3A_11] : memref<2x10240x128xf32, #tpu.memory_space<hbm>> -> memref<1x10240x128xf32, #tpu.memory_space<hbm>>
      %dma_start3A_13 = tpu.memref_squeeze %dma_start3A_12 : memref<1x10240x128xf32, #tpu.memory_space<hbm>> -> memref<10240x128xf32, #tpu.memory_space<hbm>>
      %dma_start3A_14 = arith.constant 0 : i32
      %dma_start3A_15 = tpu.memref_slice %dma_start3A_13[%mul3A_10, %dma_start3A_14] : memref<10240x128xf32, #tpu.memory_space<hbm>> -> memref<640x128xf32, #tpu.memory_space<hbm>>
      %dma_start3A_16 = arith.constant 0 : i32
      %dma_start3A_17 = tpu.memref_slice %arg11[%mul3A_8, %dma_start3A_16] : memref<10240x128xf32, #tpu.memory_space<vmem_shared>> -> memref<640x128xf32, #tpu.memory_space<vmem_shared>>
      tpu.enqueue_dma source(%dma_start3A_17 : memref<640x128xf32, #tpu.memory_space<vmem_shared>>) target(%dma_start3A_15 : memref<640x128xf32, #tpu.memory_space<hbm>>) target_semaphore(%run_scoped3A : memref<!tpu.dma_semaphore, #tpu.memory_space<semaphore_mem>>)
      %dma_wait3A = arith.constant 0 : i32
      %dma_wait3A_18 = arith.constant 0 : i32
      %dma_wait3A_19 = tpu.memref_slice %arg6[%arg0, %dma_wait3A, %dma_wait3A_18] : memref<2x10240x128xf32, #tpu.memory_space<hbm>> -> memref<1x10240x128xf32, #tpu.memory_space<hbm>>
      %dma_wait3A_20 = tpu.memref_squeeze %dma_wait3A_19 : memref<1x10240x128xf32, #tpu.memory_space<hbm>> -> memref<10240x128xf32, #tpu.memory_space<hbm>>
      %dma_wait3A_21 = arith.constant 0 : i32
      %dma_wait3A_22 = tpu.memref_slice %dma_wait3A_20[%mul3A_10, %dma_wait3A_21] : memref<10240x128xf32, #tpu.memory_space<hbm>> -> memref<640x128xf32, #tpu.memory_space<hbm>>
      %dma_wait3A_23 = arith.constant 0 : i32
      %dma_wait3A_24 = tpu.memref_slice %arg11[%mul3A_8, %dma_wait3A_23] : memref<10240x128xf32, #tpu.memory_space<vmem_shared>> -> memref<640x128xf32, #tpu.memory_space<vmem_shared>>
      tpu.wait_dma2 semaphore(%run_scoped3A : memref<!tpu.dma_semaphore, #tpu.memory_space<semaphore_mem>>) src(%dma_wait3A_24 : memref<640x128xf32, #tpu.memory_space<vmem_shared>>) dst(%dma_wait3A_22 : memref<640x128xf32, #tpu.memory_space<hbm>>)
      tpu.yield
    }) : () -> ()
    return
  }
}

#map = affine_map<(d0, d1) -> (0, 0, 0)>
#map1 = affine_map<(d0, d1) -> (0, 0)>
module attributes {stable_mosaic.version = 14 : i64} {
  func.func @seg_sum(%arg0: i32, %arg1: i32, %arg2: memref<2x10000x128xf32, #tpu.memory_space<hbm>>, %arg3: memref<16x160x128xi32, #tpu.memory_space<hbm>>, %arg4: memref<16x160x128xi32, #tpu.memory_space<hbm>>, %arg5: memref<640x128xf32, #tpu.memory_space<hbm>>, %arg6: memref<2x10240x128xf32, #tpu.memory_space<hbm>>, %arg7: memref<32x128xi32, #tpu.memory_space<vmem>>, %arg8: memref<32x128xi32, #tpu.memory_space<vmem>>, %arg9: memref<128x128xf32, #tpu.memory_space<vmem>>, %arg10: memref<128x128xf32, #tpu.memory_space<vmem>>, %arg11: memref<10240x128xf32, #tpu.memory_space<vmem_shared>>, %arg12: memref<!tpu.dma_semaphore, #tpu.memory_space<semaphore_mem>>, %arg13: memref<!tpu.dma_semaphore, #tpu.memory_space<semaphore_mem>>) attributes {dimension_semantics = [#tpu.dimension_semantics<core_parallel>, #tpu.dimension_semantics<subcore_parallel>], iteration_bounds = array<i64: 2, 16>, scalar_prefetch = 0 : i64, scratch_operands = 7 : i64, tpu.core_type = #tpu.core_type<sc_vector_subcore>, window_params = [{transform_indices = #map}, {transform_indices = #map}, {transform_indices = #map}, {transform_indices = #map1}, {transform_indices = #map}]} {
    %mul3A = arith.constant 640 : i32
    %mul3A_0 = arith.muli %arg1, %mul3A : i32
    "tpu.region"() ({
      %run_scoped3A = tpu.sem_alloc : memref<!tpu.dma_semaphore, #tpu.memory_space<semaphore_mem>>
      %dma_start3A = arith.constant 0 : i32
      %dma_start3A_11 = tpu.memref_slice %arg11[%mul3A_0, %dma_start3A] : memref<10240x128xf32, #tpu.memory_space<vmem_shared>> -> memref<640x128xf32, #tpu.memory_space<vmem_shared>>
      tpu.enqueue_dma source(%arg5 : memref<640x128xf32, #tpu.memory_space<hbm>>) target(%dma_start3A_11 : memref<640x128xf32, #tpu.memory_space<vmem_shared>>) target_semaphore(%run_scoped3A : memref<!tpu.dma_semaphore, #tpu.memory_space<semaphore_mem>>)
      %dma_wait3A = arith.constant 0 : i32
      %dma_wait3A_12 = tpu.memref_slice %arg11[%mul3A_0, %dma_wait3A] : memref<10240x128xf32, #tpu.memory_space<vmem_shared>> -> memref<640x128xf32, #tpu.memory_space<vmem_shared>>
      tpu.wait_dma2 semaphore(%run_scoped3A : memref<!tpu.dma_semaphore, #tpu.memory_space<semaphore_mem>>) src(%arg5 : memref<640x128xf32, #tpu.memory_space<hbm>>) dst(%dma_wait3A_12 : memref<640x128xf32, #tpu.memory_space<vmem_shared>>)
      tpu.yield
    }) : () -> ()
    %barrier3A = arith.constant 0 : index
    tpu.barrier barrier_id(%barrier3A)
    %scan3A = arith.constant 0 : i32
    %scan3A_1 = arith.constant 0 : i32
    %scan3A_2 = arith.constant 5 : i32
    %scan3A_3 = arith.addi %scan3A_1, %scan3A_2 : i32
    %scan3A_4 = arith.constant 1 : i32
    scf.for %scan3A_11 = %scan3A_1 to %scan3A_3 step %scan3A_4  : i32 {
      %mul3A_12 = arith.constant 32 : i32
      %mul3A_13 = arith.muli %scan3A_11, %mul3A_12 : i32
      "tpu.region"() ({
        %run_scoped3A = tpu.sem_alloc : memref<!tpu.dma_semaphore, #tpu.memory_space<semaphore_mem>>
        %dma_start3A_31 = arith.constant 0 : i32
        %dma_start3A_32 = arith.constant 0 : i32
        %dma_start3A_33 = tpu.memref_slice %arg3[%arg1, %dma_start3A_31, %dma_start3A_32] : memref<16x160x128xi32, #tpu.memory_space<hbm>> -> memref<1x160x128xi32, #tpu.memory_space<hbm>>
        %dma_start3A_34 = tpu.memref_squeeze %dma_start3A_33 : memref<1x160x128xi32, #tpu.memory_space<hbm>> -> memref<160x128xi32, #tpu.memory_space<hbm>>
        %dma_start3A_35 = arith.constant 0 : i32
        %dma_start3A_36 = tpu.memref_slice %dma_start3A_34[%mul3A_13, %dma_start3A_35] : memref<160x128xi32, #tpu.memory_space<hbm>> -> memref<32x128xi32, #tpu.memory_space<hbm>>
        %dma_start3A_37 = arith.constant 0 : i32
        %dma_start3A_38 = arith.constant 0 : i32
        %dma_start3A_39 = tpu.memref_slice %arg3[%arg1, %dma_start3A_37, %dma_start3A_38] : memref<16x160x128xi32, #tpu.memory_space<hbm>> -> memref<1x160x128xi32, #tpu.memory_space<hbm>>
        %dma_start3A_40 = tpu.memref_squeeze %dma_start3A_39 : memref<1x160x128xi32, #tpu.memory_space<hbm>> -> memref<160x128xi32, #tpu.memory_space<hbm>>
        %dma_start3A_41 = arith.constant 0 : i32
        %dma_start3A_42 = tpu.memref_slice %dma_start3A_40[%mul3A_13, %dma_start3A_41] : memref<160x128xi32, #tpu.memory_space<hbm>> -> memref<32x128xi32, #tpu.memory_space<hbm>>
        tpu.enqueue_dma source(%dma_start3A_42 : memref<32x128xi32, #tpu.memory_space<hbm>>) target(%arg7 : memref<32x128xi32, #tpu.memory_space<vmem>>) target_semaphore(%run_scoped3A : memref<!tpu.dma_semaphore, #tpu.memory_space<semaphore_mem>>)
        %dma_wait3A = arith.constant 0 : i32
        %dma_wait3A_43 = arith.constant 0 : i32
        %dma_wait3A_44 = tpu.memref_slice %arg3[%arg1, %dma_wait3A, %dma_wait3A_43] : memref<16x160x128xi32, #tpu.memory_space<hbm>> -> memref<1x160x128xi32, #tpu.memory_space<hbm>>
        %dma_wait3A_45 = tpu.memref_squeeze %dma_wait3A_44 : memref<1x160x128xi32, #tpu.memory_space<hbm>> -> memref<160x128xi32, #tpu.memory_space<hbm>>
        %dma_wait3A_46 = arith.constant 0 : i32
        %dma_wait3A_47 = tpu.memref_slice %dma_wait3A_45[%mul3A_13, %dma_wait3A_46] : memref<160x128xi32, #tpu.memory_space<hbm>> -> memref<32x128xi32, #tpu.memory_space<hbm>>
        %dma_wait3A_48 = arith.constant 0 : i32
        %dma_wait3A_49 = arith.constant 0 : i32
        %dma_wait3A_50 = tpu.memref_slice %arg3[%arg1, %dma_wait3A_48, %dma_wait3A_49] : memref<16x160x128xi32, #tpu.memory_space<hbm>> -> memref<1x160x128xi32, #tpu.memory_space<hbm>>
        %dma_wait3A_51 = tpu.memref_squeeze %dma_wait3A_50 : memref<1x160x128xi32, #tpu.memory_space<hbm>> -> memref<160x128xi32, #tpu.memory_space<hbm>>
        %dma_wait3A_52 = arith.constant 0 : i32
        %dma_wait3A_53 = tpu.memref_slice %dma_wait3A_51[%mul3A_13, %dma_wait3A_52] : memref<160x128xi32, #tpu.memory_space<hbm>> -> memref<32x128xi32, #tpu.memory_space<hbm>>
        tpu.wait_dma2 semaphore(%run_scoped3A : memref<!tpu.dma_semaphore, #tpu.memory_space<semaphore_mem>>) src(%dma_wait3A_53 : memref<32x128xi32, #tpu.memory_space<hbm>>) dst(%arg7 : memref<32x128xi32, #tpu.memory_space<vmem>>)
        tpu.yield
      }) : () -> ()
      %mul3A_14 = arith.constant 32 : i32
      %mul3A_15 = arith.muli %scan3A_11, %mul3A_14 : i32
      "tpu.region"() ({
        %run_scoped3A = tpu.sem_alloc : memref<!tpu.dma_semaphore, #tpu.memory_space<semaphore_mem>>
        %dma_start3A_31 = arith.constant 0 : i32
        %dma_start3A_32 = arith.constant 0 : i32
        %dma_start3A_33 = tpu.memref_slice %arg4[%arg1, %dma_start3A_31, %dma_start3A_32] : memref<16x160x128xi32, #tpu.memory_space<hbm>> -> memref<1x160x128xi32, #tpu.memory_space<hbm>>
        %dma_start3A_34 = tpu.memref_squeeze %dma_start3A_33 : memref<1x160x128xi32, #tpu.memory_space<hbm>> -> memref<160x128xi32, #tpu.memory_space<hbm>>
        %dma_start3A_35 = arith.constant 0 : i32
        %dma_start3A_36 = tpu.memref_slice %dma_start3A_34[%mul3A_15, %dma_start3A_35] : memref<160x128xi32, #tpu.memory_space<hbm>> -> memref<32x128xi32, #tpu.memory_space<hbm>>
        %dma_start3A_37 = arith.constant 0 : i32
        %dma_start3A_38 = arith.constant 0 : i32
        %dma_start3A_39 = tpu.memref_slice %arg4[%arg1, %dma_start3A_37, %dma_start3A_38] : memref<16x160x128xi32, #tpu.memory_space<hbm>> -> memref<1x160x128xi32, #tpu.memory_space<hbm>>
        %dma_start3A_40 = tpu.memref_squeeze %dma_start3A_39 : memref<1x160x128xi32, #tpu.memory_space<hbm>> -> memref<160x128xi32, #tpu.memory_space<hbm>>
        %dma_start3A_41 = arith.constant 0 : i32
        %dma_start3A_42 = tpu.memref_slice %dma_start3A_40[%mul3A_15, %dma_start3A_41] : memref<160x128xi32, #tpu.memory_space<hbm>> -> memref<32x128xi32, #tpu.memory_space<hbm>>
        tpu.enqueue_dma source(%dma_start3A_42 : memref<32x128xi32, #tpu.memory_space<hbm>>) target(%arg8 : memref<32x128xi32, #tpu.memory_space<vmem>>) target_semaphore(%run_scoped3A : memref<!tpu.dma_semaphore, #tpu.memory_space<semaphore_mem>>)
        %dma_wait3A = arith.constant 0 : i32
        %dma_wait3A_43 = arith.constant 0 : i32
        %dma_wait3A_44 = tpu.memref_slice %arg4[%arg1, %dma_wait3A, %dma_wait3A_43] : memref<16x160x128xi32, #tpu.memory_space<hbm>> -> memref<1x160x128xi32, #tpu.memory_space<hbm>>
        %dma_wait3A_45 = tpu.memref_squeeze %dma_wait3A_44 : memref<1x160x128xi32, #tpu.memory_space<hbm>> -> memref<160x128xi32, #tpu.memory_space<hbm>>
        %dma_wait3A_46 = arith.constant 0 : i32
        %dma_wait3A_47 = tpu.memref_slice %dma_wait3A_45[%mul3A_15, %dma_wait3A_46] : memref<160x128xi32, #tpu.memory_space<hbm>> -> memref<32x128xi32, #tpu.memory_space<hbm>>
        %dma_wait3A_48 = arith.constant 0 : i32
        %dma_wait3A_49 = arith.constant 0 : i32
        %dma_wait3A_50 = tpu.memref_slice %arg4[%arg1, %dma_wait3A_48, %dma_wait3A_49] : memref<16x160x128xi32, #tpu.memory_space<hbm>> -> memref<1x160x128xi32, #tpu.memory_space<hbm>>
        %dma_wait3A_51 = tpu.memref_squeeze %dma_wait3A_50 : memref<1x160x128xi32, #tpu.memory_space<hbm>> -> memref<160x128xi32, #tpu.memory_space<hbm>>
        %dma_wait3A_52 = arith.constant 0 : i32
        %dma_wait3A_53 = tpu.memref_slice %dma_wait3A_51[%mul3A_15, %dma_wait3A_52] : memref<160x128xi32, #tpu.memory_space<hbm>> -> memref<32x128xi32, #tpu.memory_space<hbm>>
        tpu.wait_dma2 semaphore(%run_scoped3A : memref<!tpu.dma_semaphore, #tpu.memory_space<semaphore_mem>>) src(%dma_wait3A_53 : memref<32x128xi32, #tpu.memory_space<hbm>>) dst(%arg8 : memref<32x128xi32, #tpu.memory_space<vmem>>)
        tpu.yield
      }) : () -> ()
      %dma_start3A = arith.constant 0 : i32
      %dma_start3A_16 = arith.constant 0 : i32
      %dma_start3A_17 = tpu.memref_slice %arg7[%dma_start3A, %dma_start3A_16] : memref<32x128xi32, #tpu.memory_space<vmem>> -> memref<1x128xi32, #tpu.memory_space<vmem>>
      %dma_start3A_18 = tpu.memref_squeeze %dma_start3A_17 : memref<1x128xi32, #tpu.memory_space<vmem>> -> memref<128xi32, #tpu.memory_space<vmem>>
      %dma_start3A_19 = arith.constant 0 : i32
      %dma_start3A_20 = arith.constant 0 : i32
      %dma_start3A_21 = tpu.memref_slice %arg2[%arg0, %dma_start3A_19, %dma_start3A_20] : memref<2x10000x128xf32, #tpu.memory_space<hbm>> -> memref<1x10000x128xf32, #tpu.memory_space<hbm>>
      %dma_start3A_22 = tpu.memref_squeeze %dma_start3A_21 : memref<1x10000x128xf32, #tpu.memory_space<hbm>> -> memref<10000x128xf32, #tpu.memory_space<hbm>>
      %dma_start3A_23 = arith.constant 0 : i32
      %dma_start3A_24 = arith.constant 0 : i32
      %dma_start3A_25 = tpu.memref_slice %dma_start3A_22[%dma_start3A_23, %dma_start3A_24] : memref<10000x128xf32, #tpu.memory_space<hbm>> -> memref<10000x128xf32, #tpu.memory_space<hbm>>
      tpu.enqueue_indirect_dma source(%dma_start3A_25 : memref<10000x128xf32, #tpu.memory_space<hbm>>) target(%arg9 : memref<128x128xf32, #tpu.memory_space<vmem>>) offsets(%dma_start3A_18 : memref<128xi32, #tpu.memory_space<vmem>>) semaphore(%arg12 : memref<!tpu.dma_semaphore, #tpu.memory_space<semaphore_mem>>)
      %scan3A_26 = arith.constant 0 : i32
      %scan3A_27 = arith.constant 16 : i32
      %scan3A_28 = arith.addi %scan3A_26, %scan3A_27 : i32
      %scan3A_29 = arith.constant 1 : i32
      scf.for %scan3A_31 = %scan3A_26 to %scan3A_28 step %scan3A_29  : i32 {
        %mul3A_32 = arith.constant 2 : i32
        %mul3A_33 = arith.muli %mul3A_32, %scan3A_31 : i32
        %dma_wait3A = arith.constant 0 : i32
        %dma_wait3A_34 = arith.constant 0 : i32
        %dma_wait3A_35 = tpu.memref_slice %arg7[%dma_wait3A, %dma_wait3A_34] : memref<32x128xi32, #tpu.memory_space<vmem>> -> memref<1x128xi32, #tpu.memory_space<vmem>>
        %dma_wait3A_36 = tpu.memref_squeeze %dma_wait3A_35 : memref<1x128xi32, #tpu.memory_space<vmem>> -> memref<128xi32, #tpu.memory_space<vmem>>
        %dma_wait3A_37 = arith.constant 0 : i32
        %dma_wait3A_38 = arith.constant 0 : i32
        %dma_wait3A_39 = tpu.memref_slice %arg2[%arg0, %dma_wait3A_37, %dma_wait3A_38] : memref<2x10000x128xf32, #tpu.memory_space<hbm>> -> memref<1x10000x128xf32, #tpu.memory_space<hbm>>
        %dma_wait3A_40 = tpu.memref_squeeze %dma_wait3A_39 : memref<1x10000x128xf32, #tpu.memory_space<hbm>> -> memref<10000x128xf32, #tpu.memory_space<hbm>>
        %dma_wait3A_41 = arith.constant 0 : i32
        %dma_wait3A_42 = arith.constant 0 : i32
        %dma_wait3A_43 = tpu.memref_slice %dma_wait3A_40[%dma_wait3A_41, %dma_wait3A_42] : memref<10000x128xf32, #tpu.memory_space<hbm>> -> memref<10000x128xf32, #tpu.memory_space<hbm>>
        tpu.wait_indirect_dma semaphore(%arg12 : memref<!tpu.dma_semaphore, #tpu.memory_space<semaphore_mem>>) src(%dma_wait3A_43 : memref<10000x128xf32, #tpu.memory_space<hbm>>) dst(%arg9 : memref<128x128xf32, #tpu.memory_space<vmem>>)
        %add3A = arith.constant 1 : i32
        %add3A_44 = arith.addi %mul3A_33, %add3A : i32
        %dma_start3A_45 = arith.constant 0 : i32
        %dma_start3A_46 = tpu.memref_slice %arg7[%add3A_44, %dma_start3A_45] : memref<32x128xi32, #tpu.memory_space<vmem>> -> memref<1x128xi32, #tpu.memory_space<vmem>>
        %dma_start3A_47 = tpu.memref_squeeze %dma_start3A_46 : memref<1x128xi32, #tpu.memory_space<vmem>> -> memref<128xi32, #tpu.memory_space<vmem>>
        %dma_start3A_48 = arith.constant 0 : i32
        %dma_start3A_49 = arith.constant 0 : i32
        %dma_start3A_50 = tpu.memref_slice %arg2[%arg0, %dma_start3A_48, %dma_start3A_49] : memref<2x10000x128xf32, #tpu.memory_space<hbm>> -> memref<1x10000x128xf32, #tpu.memory_space<hbm>>
        %dma_start3A_51 = tpu.memref_squeeze %dma_start3A_50 : memref<1x10000x128xf32, #tpu.memory_space<hbm>> -> memref<10000x128xf32, #tpu.memory_space<hbm>>
        %dma_start3A_52 = arith.constant 0 : i32
        %dma_start3A_53 = arith.constant 0 : i32
        %dma_start3A_54 = tpu.memref_slice %dma_start3A_51[%dma_start3A_52, %dma_start3A_53] : memref<10000x128xf32, #tpu.memory_space<hbm>> -> memref<10000x128xf32, #tpu.memory_space<hbm>>
        tpu.enqueue_indirect_dma source(%dma_start3A_54 : memref<10000x128xf32, #tpu.memory_space<hbm>>) target(%arg10 : memref<128x128xf32, #tpu.memory_space<vmem>>) offsets(%dma_start3A_47 : memref<128xi32, #tpu.memory_space<vmem>>) semaphore(%arg13 : memref<!tpu.dma_semaphore, #tpu.memory_space<semaphore_mem>>)
        "tpu.region"() ({
          %run_scoped3A = tpu.sem_alloc : memref<!tpu.dma_semaphore, #tpu.memory_space<semaphore_mem>>
          %dma_start3A_72 = arith.constant 0 : i32
          %dma_start3A_73 = tpu.memref_slice %arg8[%mul3A_33, %dma_start3A_72] : memref<32x128xi32, #tpu.memory_space<vmem>> -> memref<1x128xi32, #tpu.memory_space<vmem>>
          %dma_start3A_74 = tpu.memref_squeeze %dma_start3A_73 : memref<1x128xi32, #tpu.memory_space<vmem>> -> memref<128xi32, #tpu.memory_space<vmem>>
          %dma_start3A_75 = arith.constant 0 : i32
          %dma_start3A_76 = arith.constant 0 : i32
          %dma_start3A_77 = tpu.memref_slice %arg11[%dma_start3A_75, %dma_start3A_76] : memref<10240x128xf32, #tpu.memory_space<vmem_shared>> -> memref<10240x128xf32, #tpu.memory_space<vmem_shared>>
          tpu.enqueue_indirect_dma source(%arg9 : memref<128x128xf32, #tpu.memory_space<vmem>>) target(%dma_start3A_77 : memref<10240x128xf32, #tpu.memory_space<vmem_shared>>) offsets(%dma_start3A_74 : memref<128xi32, #tpu.memory_space<vmem>>) semaphore(%run_scoped3A : memref<!tpu.dma_semaphore, #tpu.memory_space<semaphore_mem>>) {add = true}
          %dma_wait3A_78 = arith.constant 0 : i32
          %dma_wait3A_79 = tpu.memref_slice %arg8[%mul3A_33, %dma_wait3A_78] : memref<32x128xi32, #tpu.memory_space<vmem>> -> memref<1x128xi32, #tpu.memory_space<vmem>>
          %dma_wait3A_80 = tpu.memref_squeeze %dma_wait3A_79 : memref<1x128xi32, #tpu.memory_space<vmem>> -> memref<128xi32, #tpu.memory_space<vmem>>
          %dma_wait3A_81 = arith.constant 0 : i32
          %dma_wait3A_82 = arith.constant 0 : i32
          %dma_wait3A_83 = tpu.memref_slice %arg11[%dma_wait3A_81, %dma_wait3A_82] : memref<10240x128xf32, #tpu.memory_space<vmem_shared>> -> memref<10240x128xf32, #tpu.memory_space<vmem_shared>>
          tpu.wait_indirect_dma semaphore(%run_scoped3A : memref<!tpu.dma_semaphore, #tpu.memory_space<semaphore_mem>>) src(%arg9 : memref<128x128xf32, #tpu.memory_space<vmem>>) dst(%dma_wait3A_83 : memref<10240x128xf32, #tpu.memory_space<vmem_shared>>)
          tpu.yield
        }) : () -> ()
        %dma_wait3A_55 = arith.constant 0 : i32
        %dma_wait3A_56 = arith.constant 0 : i32
        %dma_wait3A_57 = tpu.memref_slice %arg7[%dma_wait3A_55, %dma_wait3A_56] : memref<32x128xi32, #tpu.memory_space<vmem>> -> memref<1x128xi32, #tpu.memory_space<vmem>>
        %dma_wait3A_58 = tpu.memref_squeeze %dma_wait3A_57 : memref<1x128xi32, #tpu.memory_space<vmem>> -> memref<128xi32, #tpu.memory_space<vmem>>
        %dma_wait3A_59 = arith.constant 0 : i32
        %dma_wait3A_60 = arith.constant 0 : i32
        %dma_wait3A_61 = tpu.memref_slice %arg2[%arg0, %dma_wait3A_59, %dma_wait3A_60] : memref<2x10000x128xf32, #tpu.memory_space<hbm>> -> memref<1x10000x128xf32, #tpu.memory_space<hbm>>
        %dma_wait3A_62 = tpu.memref_squeeze %dma_wait3A_61 : memref<1x10000x128xf32, #tpu.memory_space<hbm>> -> memref<10000x128xf32, #tpu.memory_space<hbm>>
        %dma_wait3A_63 = arith.constant 0 : i32
        %dma_wait3A_64 = arith.constant 0 : i32
        %dma_wait3A_65 = tpu.memref_slice %dma_wait3A_62[%dma_wait3A_63, %dma_wait3A_64] : memref<10000x128xf32, #tpu.memory_space<hbm>> -> memref<10000x128xf32, #tpu.memory_space<hbm>>
        tpu.wait_indirect_dma semaphore(%arg13 : memref<!tpu.dma_semaphore, #tpu.memory_space<semaphore_mem>>) src(%dma_wait3A_65 : memref<10000x128xf32, #tpu.memory_space<hbm>>) dst(%arg10 : memref<128x128xf32, #tpu.memory_space<vmem>>)
        %add3A_66 = arith.constant 2 : i32
        %add3A_67 = arith.addi %mul3A_33, %add3A_66 : i32
        %lt3A = arith.constant 32 : i32
        %lt3A_68 = arith.cmpi slt, %add3A_67, %lt3A : i32
        %convert_element_type3A = arith.extui %lt3A_68 : i1 to i32
        %cond3A = arith.constant 0 : i32
        %cond3A_69 = arith.cmpi ne, %convert_element_type3A, %cond3A : i32
        scf.if %cond3A_69 {
          %add3A_72 = arith.constant 2 : i32
          %add3A_73 = arith.addi %mul3A_33, %add3A_72 : i32
          %dma_start3A_74 = arith.constant 0 : i32
          %dma_start3A_75 = tpu.memref_slice %arg7[%add3A_73, %dma_start3A_74] : memref<32x128xi32, #tpu.memory_space<vmem>> -> memref<1x128xi32, #tpu.memory_space<vmem>>
          %dma_start3A_76 = tpu.memref_squeeze %dma_start3A_75 : memref<1x128xi32, #tpu.memory_space<vmem>> -> memref<128xi32, #tpu.memory_space<vmem>>
          %dma_start3A_77 = arith.constant 0 : i32
          %dma_start3A_78 = arith.constant 0 : i32
          %dma_start3A_79 = tpu.memref_slice %arg2[%arg0, %dma_start3A_77, %dma_start3A_78] : memref<2x10000x128xf32, #tpu.memory_space<hbm>> -> memref<1x10000x128xf32, #tpu.memory_space<hbm>>
          %dma_start3A_80 = tpu.memref_squeeze %dma_start3A_79 : memref<1x10000x128xf32, #tpu.memory_space<hbm>> -> memref<10000x128xf32, #tpu.memory_space<hbm>>
          %dma_start3A_81 = arith.constant 0 : i32
          %dma_start3A_82 = arith.constant 0 : i32
          %dma_start3A_83 = tpu.memref_slice %dma_start3A_80[%dma_start3A_81, %dma_start3A_82] : memref<10000x128xf32, #tpu.memory_space<hbm>> -> memref<10000x128xf32, #tpu.memory_space<hbm>>
          tpu.enqueue_indirect_dma source(%dma_start3A_83 : memref<10000x128xf32, #tpu.memory_space<hbm>>) target(%arg9 : memref<128x128xf32, #tpu.memory_space<vmem>>) offsets(%dma_start3A_76 : memref<128xi32, #tpu.memory_space<vmem>>) semaphore(%arg12 : memref<!tpu.dma_semaphore, #tpu.memory_space<semaphore_mem>>)
        } else {
        }
        %add3A_70 = arith.constant 1 : i32
        %add3A_71 = arith.addi %mul3A_33, %add3A_70 : i32
        "tpu.region"() ({
          %run_scoped3A = tpu.sem_alloc : memref<!tpu.dma_semaphore, #tpu.memory_space<semaphore_mem>>
          %dma_start3A_72 = arith.constant 0 : i32
          %dma_start3A_73 = tpu.memref_slice %arg8[%add3A_71, %dma_start3A_72] : memref<32x128xi32, #tpu.memory_space<vmem>> -> memref<1x128xi32, #tpu.memory_space<vmem>>
          %dma_start3A_74 = tpu.memref_squeeze %dma_start3A_73 : memref<1x128xi32, #tpu.memory_space<vmem>> -> memref<128xi32, #tpu.memory_space<vmem>>
          %dma_start3A_75 = arith.constant 0 : i32
          %dma_start3A_76 = arith.constant 0 : i32
          %dma_start3A_77 = tpu.memref_slice %arg11[%dma_start3A_75, %dma_start3A_76] : memref<10240x128xf32, #tpu.memory_space<vmem_shared>> -> memref<10240x128xf32, #tpu.memory_space<vmem_shared>>
          tpu.enqueue_indirect_dma source(%arg10 : memref<128x128xf32, #tpu.memory_space<vmem>>) target(%dma_start3A_77 : memref<10240x128xf32, #tpu.memory_space<vmem_shared>>) offsets(%dma_start3A_74 : memref<128xi32, #tpu.memory_space<vmem>>) semaphore(%run_scoped3A : memref<!tpu.dma_semaphore, #tpu.memory_space<semaphore_mem>>) {add = true}
          %dma_wait3A_78 = arith.constant 0 : i32
          %dma_wait3A_79 = tpu.memref_slice %arg8[%add3A_71, %dma_wait3A_78] : memref<32x128xi32, #tpu.memory_space<vmem>> -> memref<1x128xi32, #tpu.memory_space<vmem>>
          %dma_wait3A_80 = tpu.memref_squeeze %dma_wait3A_79 : memref<1x128xi32, #tpu.memory_space<vmem>> -> memref<128xi32, #tpu.memory_space<vmem>>
          %dma_wait3A_81 = arith.constant 0 : i32
          %dma_wait3A_82 = arith.constant 0 : i32
          %dma_wait3A_83 = tpu.memref_slice %arg11[%dma_wait3A_81, %dma_wait3A_82] : memref<10240x128xf32, #tpu.memory_space<vmem_shared>> -> memref<10240x128xf32, #tpu.memory_space<vmem_shared>>
          tpu.wait_indirect_dma semaphore(%run_scoped3A : memref<!tpu.dma_semaphore, #tpu.memory_space<semaphore_mem>>) src(%arg10 : memref<128x128xf32, #tpu.memory_space<vmem>>) dst(%dma_wait3A_83 : memref<10240x128xf32, #tpu.memory_space<vmem_shared>>)
          tpu.yield
        }) : () -> ()
      }
      %scan3A_30 = arith.constant 16 : i32
    }
    %scan3A_5 = arith.constant 5 : i32
    %barrier3A_6 = arith.constant 0 : index
    tpu.barrier barrier_id(%barrier3A_6)
    %mul3A_7 = arith.constant 640 : i32
    %mul3A_8 = arith.muli %arg1, %mul3A_7 : i32
    %mul3A_9 = arith.constant 640 : i32
    %mul3A_10 = arith.muli %arg1, %mul3A_9 : i32
    "tpu.region"() ({
      %run_scoped3A = tpu.sem_alloc : memref<!tpu.dma_semaphore, #tpu.memory_space<semaphore_mem>>
      %dma_start3A = arith.constant 0 : i32
      %dma_start3A_11 = arith.constant 0 : i32
      %dma_start3A_12 = tpu.memref_slice %arg6[%arg0, %dma_start3A, %dma_start3A_11] : memref<2x10240x128xf32, #tpu.memory_space<hbm>> -> memref<1x10240x128xf32, #tpu.memory_space<hbm>>
      %dma_start3A_13 = tpu.memref_squeeze %dma_start3A_12 : memref<1x10240x128xf32, #tpu.memory_space<hbm>> -> memref<10240x128xf32, #tpu.memory_space<hbm>>
      %dma_start3A_14 = arith.constant 0 : i32
      %dma_start3A_15 = tpu.memref_slice %dma_start3A_13[%mul3A_10, %dma_start3A_14] : memref<10240x128xf32, #tpu.memory_space<hbm>> -> memref<640x128xf32, #tpu.memory_space<hbm>>
      %dma_start3A_16 = arith.constant 0 : i32
      %dma_start3A_17 = tpu.memref_slice %arg11[%mul3A_8, %dma_start3A_16] : memref<10240x128xf32, #tpu.memory_space<vmem_shared>> -> memref<640x128xf32, #tpu.memory_space<vmem_shared>>
      tpu.enqueue_dma source(%dma_start3A_17 : memref<640x128xf32, #tpu.memory_space<vmem_shared>>) target(%dma_start3A_15 : memref<640x128xf32, #tpu.memory_space<hbm>>) target_semaphore(%run_scoped3A : memref<!tpu.dma_semaphore, #tpu.memory_space<semaphore_mem>>)
      %dma_wait3A = arith.constant 0 : i32
      %dma_wait3A_18 = arith.constant 0 : i32
      %dma_wait3A_19 = tpu.memref_slice %arg6[%arg0, %dma_wait3A, %dma_wait3A_18] : memref<2x10240x128xf32, #tpu.memory_space<hbm>> -> memref<1x10240x128xf32, #tpu.memory_space<hbm>>
      %dma_wait3A_20 = tpu.memref_squeeze %dma_wait3A_19 : memref<1x10240x128xf32, #tpu.memory_space<hbm>> -> memref<10240x128xf32, #tpu.memory_space<hbm>>
      %dma_wait3A_21 = arith.constant 0 : i32
      %dma_wait3A_22 = tpu.memref_slice %dma_wait3A_20[%mul3A_10, %dma_wait3A_21] : memref<10240x128xf32, #tpu.memory_space<hbm>> -> memref<640x128xf32, #tpu.memory_space<hbm>>
      %dma_wait3A_23 = arith.constant 0 : i32
      %dma_wait3A_24 = tpu.memref_slice %arg11[%mul3A_8, %dma_wait3A_23] : memref<10240x128xf32, #tpu.memory_space<vmem_shared>> -> memref<640x128xf32, #tpu.memory_space<vmem_shared>>
      tpu.wait_dma2 semaphore(%run_scoped3A : memref<!tpu.dma_semaphore, #tpu.memory_space<semaphore_mem>>) src(%dma_wait3A_24 : memref<640x128xf32, #tpu.memory_space<vmem_shared>>) dst(%dma_wait3A_22 : memref<640x128xf32, #tpu.memory_space<hbm>>)
      tpu.yield
    }) : () -> ()
    return
  }
}

#map = affine_map<(d0, d1) -> (0, 0, 0)>
#map1 = affine_map<(d0, d1) -> (0, 0, 0, 0)>
#map2 = affine_map<(d0, d1) -> (0, 0)>
module attributes {stable_mosaic.version = 14 : i64} {
  func.func @_seg_sum_final(%arg0: i32, %arg1: i32, %arg2: memref<1x10000x128xf32, #tpu.memory_space<hbm>>, %arg3: memref<2x16x80x128xi32, #tpu.memory_space<hbm>>, %arg4: memref<2x16x80x128xi32, #tpu.memory_space<hbm>>, %arg5: memref<640x128xf32, #tpu.memory_space<hbm>>, %arg6: memref<2x10240x128xf32, #tpu.memory_space<hbm>>, %arg7: memref<40x128xi32, #tpu.memory_space<vmem>>, %arg8: memref<40x128xi32, #tpu.memory_space<vmem>>, %arg9: memref<128x128xf32, #tpu.memory_space<vmem>>, %arg10: memref<128x128xf32, #tpu.memory_space<vmem>>, %arg11: memref<10240x128xf32, #tpu.memory_space<vmem_shared>>, %arg12: memref<!tpu.dma_semaphore, #tpu.memory_space<semaphore_mem>>, %arg13: memref<!tpu.dma_semaphore, #tpu.memory_space<semaphore_mem>>) attributes {dimension_semantics = [#tpu.dimension_semantics<core_parallel>, #tpu.dimension_semantics<subcore_parallel>], iteration_bounds = array<i64: 2, 16>, scalar_prefetch = 0 : i64, scratch_operands = 7 : i64, tpu.core_type = #tpu.core_type<sc_vector_subcore>, window_params = [{transform_indices = #map}, {transform_indices = #map1}, {transform_indices = #map1}, {transform_indices = #map2}, {transform_indices = #map}]} {
    %mul3A = arith.constant 640 : i32
    %mul3A_0 = arith.muli %arg1, %mul3A : i32
    "tpu.region"() ({
      %run_scoped3A = tpu.sem_alloc : memref<!tpu.dma_semaphore, #tpu.memory_space<semaphore_mem>>
      %dma_start3A = arith.constant 0 : i32
      %dma_start3A_12 = tpu.memref_slice %arg11[%mul3A_0, %dma_start3A] : memref<10240x128xf32, #tpu.memory_space<vmem_shared>> -> memref<640x128xf32, #tpu.memory_space<vmem_shared>>
      tpu.enqueue_dma source(%arg5 : memref<640x128xf32, #tpu.memory_space<hbm>>) target(%dma_start3A_12 : memref<640x128xf32, #tpu.memory_space<vmem_shared>>) target_semaphore(%run_scoped3A : memref<!tpu.dma_semaphore, #tpu.memory_space<semaphore_mem>>)
      %dma_wait3A = arith.constant 0 : i32
      %dma_wait3A_13 = tpu.memref_slice %arg11[%mul3A_0, %dma_wait3A] : memref<10240x128xf32, #tpu.memory_space<vmem_shared>> -> memref<640x128xf32, #tpu.memory_space<vmem_shared>>
      tpu.wait_dma2 semaphore(%run_scoped3A : memref<!tpu.dma_semaphore, #tpu.memory_space<semaphore_mem>>) src(%arg5 : memref<640x128xf32, #tpu.memory_space<hbm>>) dst(%dma_wait3A_13 : memref<640x128xf32, #tpu.memory_space<vmem_shared>>)
      tpu.yield
    }) : () -> ()
    %barrier3A = arith.constant 0 : index
    tpu.barrier barrier_id(%barrier3A)
    %scan3A = arith.constant 0 : i32
    %scan3A_1 = arith.constant 0 : i32
    %scan3A_2 = arith.constant 0 : i32
    %scan3A_3 = arith.constant 2 : i32
    %scan3A_4 = arith.addi %scan3A_2, %scan3A_3 : i32
    %scan3A_5 = arith.constant 1 : i32
    scf.for %scan3A_12 = %scan3A_2 to %scan3A_4 step %scan3A_5  : i32 {
      %mul3A_13 = arith.constant 40 : i32
      %mul3A_14 = arith.muli %scan3A_12, %mul3A_13 : i32
      "tpu.region"() ({
        %run_scoped3A = tpu.sem_alloc : memref<!tpu.dma_semaphore, #tpu.memory_space<semaphore_mem>>
        %dma_start3A_32 = arith.constant 0 : i32
        %dma_start3A_33 = arith.constant 0 : i32
        %dma_start3A_34 = arith.constant 0 : i32
        %dma_start3A_35 = tpu.memref_slice %arg3[%arg0, %dma_start3A_32, %dma_start3A_33, %dma_start3A_34] : memref<2x16x80x128xi32, #tpu.memory_space<hbm>> -> memref<1x16x80x128xi32, #tpu.memory_space<hbm>>
        %dma_start3A_36 = tpu.memref_squeeze %dma_start3A_35 : memref<1x16x80x128xi32, #tpu.memory_space<hbm>> -> memref<16x80x128xi32, #tpu.memory_space<hbm>>
        %dma_start3A_37 = arith.constant 0 : i32
        %dma_start3A_38 = arith.constant 0 : i32
        %dma_start3A_39 = tpu.memref_slice %dma_start3A_36[%arg1, %dma_start3A_37, %dma_start3A_38] : memref<16x80x128xi32, #tpu.memory_space<hbm>> -> memref<1x80x128xi32, #tpu.memory_space<hbm>>
        %dma_start3A_40 = tpu.memref_squeeze %dma_start3A_39 : memref<1x80x128xi32, #tpu.memory_space<hbm>> -> memref<80x128xi32, #tpu.memory_space<hbm>>
        %dma_start3A_41 = arith.constant 0 : i32
        %dma_start3A_42 = tpu.memref_slice %dma_start3A_40[%mul3A_14, %dma_start3A_41] : memref<80x128xi32, #tpu.memory_space<hbm>> -> memref<40x128xi32, #tpu.memory_space<hbm>>
        %dma_start3A_43 = arith.constant 0 : i32
        %dma_start3A_44 = arith.constant 0 : i32
        %dma_start3A_45 = arith.constant 0 : i32
        %dma_start3A_46 = tpu.memref_slice %arg3[%arg0, %dma_start3A_43, %dma_start3A_44, %dma_start3A_45] : memref<2x16x80x128xi32, #tpu.memory_space<hbm>> -> memref<1x16x80x128xi32, #tpu.memory_space<hbm>>
        %dma_start3A_47 = tpu.memref_squeeze %dma_start3A_46 : memref<1x16x80x128xi32, #tpu.memory_space<hbm>> -> memref<16x80x128xi32, #tpu.memory_space<hbm>>
        %dma_start3A_48 = arith.constant 0 : i32
        %dma_start3A_49 = arith.constant 0 : i32
        %dma_start3A_50 = tpu.memref_slice %dma_start3A_47[%arg1, %dma_start3A_48, %dma_start3A_49] : memref<16x80x128xi32, #tpu.memory_space<hbm>> -> memref<1x80x128xi32, #tpu.memory_space<hbm>>
        %dma_start3A_51 = tpu.memref_squeeze %dma_start3A_50 : memref<1x80x128xi32, #tpu.memory_space<hbm>> -> memref<80x128xi32, #tpu.memory_space<hbm>>
        %dma_start3A_52 = arith.constant 0 : i32
        %dma_start3A_53 = tpu.memref_slice %dma_start3A_51[%mul3A_14, %dma_start3A_52] : memref<80x128xi32, #tpu.memory_space<hbm>> -> memref<40x128xi32, #tpu.memory_space<hbm>>
        tpu.enqueue_dma source(%dma_start3A_53 : memref<40x128xi32, #tpu.memory_space<hbm>>) target(%arg7 : memref<40x128xi32, #tpu.memory_space<vmem>>) target_semaphore(%run_scoped3A : memref<!tpu.dma_semaphore, #tpu.memory_space<semaphore_mem>>)
        %dma_wait3A = arith.constant 0 : i32
        %dma_wait3A_54 = arith.constant 0 : i32
        %dma_wait3A_55 = arith.constant 0 : i32
        %dma_wait3A_56 = tpu.memref_slice %arg3[%arg0, %dma_wait3A, %dma_wait3A_54, %dma_wait3A_55] : memref<2x16x80x128xi32, #tpu.memory_space<hbm>> -> memref<1x16x80x128xi32, #tpu.memory_space<hbm>>
        %dma_wait3A_57 = tpu.memref_squeeze %dma_wait3A_56 : memref<1x16x80x128xi32, #tpu.memory_space<hbm>> -> memref<16x80x128xi32, #tpu.memory_space<hbm>>
        %dma_wait3A_58 = arith.constant 0 : i32
        %dma_wait3A_59 = arith.constant 0 : i32
        %dma_wait3A_60 = tpu.memref_slice %dma_wait3A_57[%arg1, %dma_wait3A_58, %dma_wait3A_59] : memref<16x80x128xi32, #tpu.memory_space<hbm>> -> memref<1x80x128xi32, #tpu.memory_space<hbm>>
        %dma_wait3A_61 = tpu.memref_squeeze %dma_wait3A_60 : memref<1x80x128xi32, #tpu.memory_space<hbm>> -> memref<80x128xi32, #tpu.memory_space<hbm>>
        %dma_wait3A_62 = arith.constant 0 : i32
        %dma_wait3A_63 = tpu.memref_slice %dma_wait3A_61[%mul3A_14, %dma_wait3A_62] : memref<80x128xi32, #tpu.memory_space<hbm>> -> memref<40x128xi32, #tpu.memory_space<hbm>>
        %dma_wait3A_64 = arith.constant 0 : i32
        %dma_wait3A_65 = arith.constant 0 : i32
        %dma_wait3A_66 = arith.constant 0 : i32
        %dma_wait3A_67 = tpu.memref_slice %arg3[%arg0, %dma_wait3A_64, %dma_wait3A_65, %dma_wait3A_66] : memref<2x16x80x128xi32, #tpu.memory_space<hbm>> -> memref<1x16x80x128xi32, #tpu.memory_space<hbm>>
        %dma_wait3A_68 = tpu.memref_squeeze %dma_wait3A_67 : memref<1x16x80x128xi32, #tpu.memory_space<hbm>> -> memref<16x80x128xi32, #tpu.memory_space<hbm>>
        %dma_wait3A_69 = arith.constant 0 : i32
        %dma_wait3A_70 = arith.constant 0 : i32
        %dma_wait3A_71 = tpu.memref_slice %dma_wait3A_68[%arg1, %dma_wait3A_69, %dma_wait3A_70] : memref<16x80x128xi32, #tpu.memory_space<hbm>> -> memref<1x80x128xi32, #tpu.memory_space<hbm>>
        %dma_wait3A_72 = tpu.memref_squeeze %dma_wait3A_71 : memref<1x80x128xi32, #tpu.memory_space<hbm>> -> memref<80x128xi32, #tpu.memory_space<hbm>>
        %dma_wait3A_73 = arith.constant 0 : i32
        %dma_wait3A_74 = tpu.memref_slice %dma_wait3A_72[%mul3A_14, %dma_wait3A_73] : memref<80x128xi32, #tpu.memory_space<hbm>> -> memref<40x128xi32, #tpu.memory_space<hbm>>
        tpu.wait_dma2 semaphore(%run_scoped3A : memref<!tpu.dma_semaphore, #tpu.memory_space<semaphore_mem>>) src(%dma_wait3A_74 : memref<40x128xi32, #tpu.memory_space<hbm>>) dst(%arg7 : memref<40x128xi32, #tpu.memory_space<vmem>>)
        tpu.yield
      }) : () -> ()
      %mul3A_15 = arith.constant 40 : i32
      %mul3A_16 = arith.muli %scan3A_12, %mul3A_15 : i32
      "tpu.region"() ({
        %run_scoped3A = tpu.sem_alloc : memref<!tpu.dma_semaphore, #tpu.memory_space<semaphore_mem>>
        %dma_start3A_32 = arith.constant 0 : i32
        %dma_start3A_33 = arith.constant 0 : i32
        %dma_start3A_34 = arith.constant 0 : i32
        %dma_start3A_35 = tpu.memref_slice %arg4[%arg0, %dma_start3A_32, %dma_start3A_33, %dma_start3A_34] : memref<2x16x80x128xi32, #tpu.memory_space<hbm>> -> memref<1x16x80x128xi32, #tpu.memory_space<hbm>>
        %dma_start3A_36 = tpu.memref_squeeze %dma_start3A_35 : memref<1x16x80x128xi32, #tpu.memory_space<hbm>> -> memref<16x80x128xi32, #tpu.memory_space<hbm>>
        %dma_start3A_37 = arith.constant 0 : i32
        %dma_start3A_38 = arith.constant 0 : i32
        %dma_start3A_39 = tpu.memref_slice %dma_start3A_36[%arg1, %dma_start3A_37, %dma_start3A_38] : memref<16x80x128xi32, #tpu.memory_space<hbm>> -> memref<1x80x128xi32, #tpu.memory_space<hbm>>
        %dma_start3A_40 = tpu.memref_squeeze %dma_start3A_39 : memref<1x80x128xi32, #tpu.memory_space<hbm>> -> memref<80x128xi32, #tpu.memory_space<hbm>>
        %dma_start3A_41 = arith.constant 0 : i32
        %dma_start3A_42 = tpu.memref_slice %dma_start3A_40[%mul3A_16, %dma_start3A_41] : memref<80x128xi32, #tpu.memory_space<hbm>> -> memref<40x128xi32, #tpu.memory_space<hbm>>
        %dma_start3A_43 = arith.constant 0 : i32
        %dma_start3A_44 = arith.constant 0 : i32
        %dma_start3A_45 = arith.constant 0 : i32
        %dma_start3A_46 = tpu.memref_slice %arg4[%arg0, %dma_start3A_43, %dma_start3A_44, %dma_start3A_45] : memref<2x16x80x128xi32, #tpu.memory_space<hbm>> -> memref<1x16x80x128xi32, #tpu.memory_space<hbm>>
        %dma_start3A_47 = tpu.memref_squeeze %dma_start3A_46 : memref<1x16x80x128xi32, #tpu.memory_space<hbm>> -> memref<16x80x128xi32, #tpu.memory_space<hbm>>
        %dma_start3A_48 = arith.constant 0 : i32
        %dma_start3A_49 = arith.constant 0 : i32
        %dma_start3A_50 = tpu.memref_slice %dma_start3A_47[%arg1, %dma_start3A_48, %dma_start3A_49] : memref<16x80x128xi32, #tpu.memory_space<hbm>> -> memref<1x80x128xi32, #tpu.memory_space<hbm>>
        %dma_start3A_51 = tpu.memref_squeeze %dma_start3A_50 : memref<1x80x128xi32, #tpu.memory_space<hbm>> -> memref<80x128xi32, #tpu.memory_space<hbm>>
        %dma_start3A_52 = arith.constant 0 : i32
        %dma_start3A_53 = tpu.memref_slice %dma_start3A_51[%mul3A_16, %dma_start3A_52] : memref<80x128xi32, #tpu.memory_space<hbm>> -> memref<40x128xi32, #tpu.memory_space<hbm>>
        tpu.enqueue_dma source(%dma_start3A_53 : memref<40x128xi32, #tpu.memory_space<hbm>>) target(%arg8 : memref<40x128xi32, #tpu.memory_space<vmem>>) target_semaphore(%run_scoped3A : memref<!tpu.dma_semaphore, #tpu.memory_space<semaphore_mem>>)
        %dma_wait3A = arith.constant 0 : i32
        %dma_wait3A_54 = arith.constant 0 : i32
        %dma_wait3A_55 = arith.constant 0 : i32
        %dma_wait3A_56 = tpu.memref_slice %arg4[%arg0, %dma_wait3A, %dma_wait3A_54, %dma_wait3A_55] : memref<2x16x80x128xi32, #tpu.memory_space<hbm>> -> memref<1x16x80x128xi32, #tpu.memory_space<hbm>>
        %dma_wait3A_57 = tpu.memref_squeeze %dma_wait3A_56 : memref<1x16x80x128xi32, #tpu.memory_space<hbm>> -> memref<16x80x128xi32, #tpu.memory_space<hbm>>
        %dma_wait3A_58 = arith.constant 0 : i32
        %dma_wait3A_59 = arith.constant 0 : i32
        %dma_wait3A_60 = tpu.memref_slice %dma_wait3A_57[%arg1, %dma_wait3A_58, %dma_wait3A_59] : memref<16x80x128xi32, #tpu.memory_space<hbm>> -> memref<1x80x128xi32, #tpu.memory_space<hbm>>
        %dma_wait3A_61 = tpu.memref_squeeze %dma_wait3A_60 : memref<1x80x128xi32, #tpu.memory_space<hbm>> -> memref<80x128xi32, #tpu.memory_space<hbm>>
        %dma_wait3A_62 = arith.constant 0 : i32
        %dma_wait3A_63 = tpu.memref_slice %dma_wait3A_61[%mul3A_16, %dma_wait3A_62] : memref<80x128xi32, #tpu.memory_space<hbm>> -> memref<40x128xi32, #tpu.memory_space<hbm>>
        %dma_wait3A_64 = arith.constant 0 : i32
        %dma_wait3A_65 = arith.constant 0 : i32
        %dma_wait3A_66 = arith.constant 0 : i32
        %dma_wait3A_67 = tpu.memref_slice %arg4[%arg0, %dma_wait3A_64, %dma_wait3A_65, %dma_wait3A_66] : memref<2x16x80x128xi32, #tpu.memory_space<hbm>> -> memref<1x16x80x128xi32, #tpu.memory_space<hbm>>
        %dma_wait3A_68 = tpu.memref_squeeze %dma_wait3A_67 : memref<1x16x80x128xi32, #tpu.memory_space<hbm>> -> memref<16x80x128xi32, #tpu.memory_space<hbm>>
        %dma_wait3A_69 = arith.constant 0 : i32
        %dma_wait3A_70 = arith.constant 0 : i32
        %dma_wait3A_71 = tpu.memref_slice %dma_wait3A_68[%arg1, %dma_wait3A_69, %dma_wait3A_70] : memref<16x80x128xi32, #tpu.memory_space<hbm>> -> memref<1x80x128xi32, #tpu.memory_space<hbm>>
        %dma_wait3A_72 = tpu.memref_squeeze %dma_wait3A_71 : memref<1x80x128xi32, #tpu.memory_space<hbm>> -> memref<80x128xi32, #tpu.memory_space<hbm>>
        %dma_wait3A_73 = arith.constant 0 : i32
        %dma_wait3A_74 = tpu.memref_slice %dma_wait3A_72[%mul3A_16, %dma_wait3A_73] : memref<80x128xi32, #tpu.memory_space<hbm>> -> memref<40x128xi32, #tpu.memory_space<hbm>>
        tpu.wait_dma2 semaphore(%run_scoped3A : memref<!tpu.dma_semaphore, #tpu.memory_space<semaphore_mem>>) src(%dma_wait3A_74 : memref<40x128xi32, #tpu.memory_space<hbm>>) dst(%arg8 : memref<40x128xi32, #tpu.memory_space<vmem>>)
        tpu.yield
      }) : () -> ()
      %dma_start3A = arith.constant 0 : i32
      %dma_start3A_17 = arith.constant 0 : i32
      %dma_start3A_18 = tpu.memref_slice %arg7[%dma_start3A, %dma_start3A_17] : memref<40x128xi32, #tpu.memory_space<vmem>> -> memref<1x128xi32, #tpu.memory_space<vmem>>
      %dma_start3A_19 = tpu.memref_squeeze %dma_start3A_18 : memref<1x128xi32, #tpu.memory_space<vmem>> -> memref<128xi32, #tpu.memory_space<vmem>>
      %dma_start3A_20 = arith.constant 0 : i32
      %dma_start3A_21 = arith.constant 0 : i32
      %dma_start3A_22 = tpu.memref_slice %arg2[%scan3A_1, %dma_start3A_20, %dma_start3A_21] : memref<1x10000x128xf32, #tpu.memory_space<hbm>> -> memref<1x10000x128xf32, #tpu.memory_space<hbm>>
      %dma_start3A_23 = tpu.memref_squeeze %dma_start3A_22 : memref<1x10000x128xf32, #tpu.memory_space<hbm>> -> memref<10000x128xf32, #tpu.memory_space<hbm>>
      %dma_start3A_24 = arith.constant 0 : i32
      %dma_start3A_25 = arith.constant 0 : i32
      %dma_start3A_26 = tpu.memref_slice %dma_start3A_23[%dma_start3A_24, %dma_start3A_25] : memref<10000x128xf32, #tpu.memory_space<hbm>> -> memref<10000x128xf32, #tpu.memory_space<hbm>>
      tpu.enqueue_indirect_dma source(%dma_start3A_26 : memref<10000x128xf32, #tpu.memory_space<hbm>>) target(%arg9 : memref<128x128xf32, #tpu.memory_space<vmem>>) offsets(%dma_start3A_19 : memref<128xi32, #tpu.memory_space<vmem>>) semaphore(%arg12 : memref<!tpu.dma_semaphore, #tpu.memory_space<semaphore_mem>>)
      %scan3A_27 = arith.constant 0 : i32
      %scan3A_28 = arith.constant 20 : i32
      %scan3A_29 = arith.addi %scan3A_27, %scan3A_28 : i32
      %scan3A_30 = arith.constant 1 : i32
      scf.for %scan3A_32 = %scan3A_27 to %scan3A_29 step %scan3A_30  : i32 {
        %mul3A_33 = arith.constant 2 : i32
        %mul3A_34 = arith.muli %mul3A_33, %scan3A_32 : i32
        %dma_wait3A = arith.constant 0 : i32
        %dma_wait3A_35 = arith.constant 0 : i32
        %dma_wait3A_36 = tpu.memref_slice %arg7[%dma_wait3A, %dma_wait3A_35] : memref<40x128xi32, #tpu.memory_space<vmem>> -> memref<1x128xi32, #tpu.memory_space<vmem>>
        %dma_wait3A_37 = tpu.memref_squeeze %dma_wait3A_36 : memref<1x128xi32, #tpu.memory_space<vmem>> -> memref<128xi32, #tpu.memory_space<vmem>>
        %dma_wait3A_38 = arith.constant 0 : i32
        %dma_wait3A_39 = arith.constant 0 : i32
        %dma_wait3A_40 = tpu.memref_slice %arg2[%scan3A_1, %dma_wait3A_38, %dma_wait3A_39] : memref<1x10000x128xf32, #tpu.memory_space<hbm>> -> memref<1x10000x128xf32, #tpu.memory_space<hbm>>
        %dma_wait3A_41 = tpu.memref_squeeze %dma_wait3A_40 : memref<1x10000x128xf32, #tpu.memory_space<hbm>> -> memref<10000x128xf32, #tpu.memory_space<hbm>>
        %dma_wait3A_42 = arith.constant 0 : i32
        %dma_wait3A_43 = arith.constant 0 : i32
        %dma_wait3A_44 = tpu.memref_slice %dma_wait3A_41[%dma_wait3A_42, %dma_wait3A_43] : memref<10000x128xf32, #tpu.memory_space<hbm>> -> memref<10000x128xf32, #tpu.memory_space<hbm>>
        tpu.wait_indirect_dma semaphore(%arg12 : memref<!tpu.dma_semaphore, #tpu.memory_space<semaphore_mem>>) src(%dma_wait3A_44 : memref<10000x128xf32, #tpu.memory_space<hbm>>) dst(%arg9 : memref<128x128xf32, #tpu.memory_space<vmem>>)
        %add3A = arith.constant 1 : i32
        %add3A_45 = arith.addi %mul3A_34, %add3A : i32
        %dma_start3A_46 = arith.constant 0 : i32
        %dma_start3A_47 = tpu.memref_slice %arg7[%add3A_45, %dma_start3A_46] : memref<40x128xi32, #tpu.memory_space<vmem>> -> memref<1x128xi32, #tpu.memory_space<vmem>>
        %dma_start3A_48 = tpu.memref_squeeze %dma_start3A_47 : memref<1x128xi32, #tpu.memory_space<vmem>> -> memref<128xi32, #tpu.memory_space<vmem>>
        %dma_start3A_49 = arith.constant 0 : i32
        %dma_start3A_50 = arith.constant 0 : i32
        %dma_start3A_51 = tpu.memref_slice %arg2[%scan3A_1, %dma_start3A_49, %dma_start3A_50] : memref<1x10000x128xf32, #tpu.memory_space<hbm>> -> memref<1x10000x128xf32, #tpu.memory_space<hbm>>
        %dma_start3A_52 = tpu.memref_squeeze %dma_start3A_51 : memref<1x10000x128xf32, #tpu.memory_space<hbm>> -> memref<10000x128xf32, #tpu.memory_space<hbm>>
        %dma_start3A_53 = arith.constant 0 : i32
        %dma_start3A_54 = arith.constant 0 : i32
        %dma_start3A_55 = tpu.memref_slice %dma_start3A_52[%dma_start3A_53, %dma_start3A_54] : memref<10000x128xf32, #tpu.memory_space<hbm>> -> memref<10000x128xf32, #tpu.memory_space<hbm>>
        tpu.enqueue_indirect_dma source(%dma_start3A_55 : memref<10000x128xf32, #tpu.memory_space<hbm>>) target(%arg10 : memref<128x128xf32, #tpu.memory_space<vmem>>) offsets(%dma_start3A_48 : memref<128xi32, #tpu.memory_space<vmem>>) semaphore(%arg13 : memref<!tpu.dma_semaphore, #tpu.memory_space<semaphore_mem>>)
        "tpu.region"() ({
          %run_scoped3A = tpu.sem_alloc : memref<!tpu.dma_semaphore, #tpu.memory_space<semaphore_mem>>
          %dma_start3A_73 = arith.constant 0 : i32
          %dma_start3A_74 = tpu.memref_slice %arg8[%mul3A_34, %dma_start3A_73] : memref<40x128xi32, #tpu.memory_space<vmem>> -> memref<1x128xi32, #tpu.memory_space<vmem>>
          %dma_start3A_75 = tpu.memref_squeeze %dma_start3A_74 : memref<1x128xi32, #tpu.memory_space<vmem>> -> memref<128xi32, #tpu.memory_space<vmem>>
          %dma_start3A_76 = arith.constant 0 : i32
          %dma_start3A_77 = arith.constant 0 : i32
          %dma_start3A_78 = tpu.memref_slice %arg11[%dma_start3A_76, %dma_start3A_77] : memref<10240x128xf32, #tpu.memory_space<vmem_shared>> -> memref<10240x128xf32, #tpu.memory_space<vmem_shared>>
          tpu.enqueue_indirect_dma source(%arg9 : memref<128x128xf32, #tpu.memory_space<vmem>>) target(%dma_start3A_78 : memref<10240x128xf32, #tpu.memory_space<vmem_shared>>) offsets(%dma_start3A_75 : memref<128xi32, #tpu.memory_space<vmem>>) semaphore(%run_scoped3A : memref<!tpu.dma_semaphore, #tpu.memory_space<semaphore_mem>>) {add = true}
          %dma_wait3A_79 = arith.constant 0 : i32
          %dma_wait3A_80 = tpu.memref_slice %arg8[%mul3A_34, %dma_wait3A_79] : memref<40x128xi32, #tpu.memory_space<vmem>> -> memref<1x128xi32, #tpu.memory_space<vmem>>
          %dma_wait3A_81 = tpu.memref_squeeze %dma_wait3A_80 : memref<1x128xi32, #tpu.memory_space<vmem>> -> memref<128xi32, #tpu.memory_space<vmem>>
          %dma_wait3A_82 = arith.constant 0 : i32
          %dma_wait3A_83 = arith.constant 0 : i32
          %dma_wait3A_84 = tpu.memref_slice %arg11[%dma_wait3A_82, %dma_wait3A_83] : memref<10240x128xf32, #tpu.memory_space<vmem_shared>> -> memref<10240x128xf32, #tpu.memory_space<vmem_shared>>
          tpu.wait_indirect_dma semaphore(%run_scoped3A : memref<!tpu.dma_semaphore, #tpu.memory_space<semaphore_mem>>) src(%arg9 : memref<128x128xf32, #tpu.memory_space<vmem>>) dst(%dma_wait3A_84 : memref<10240x128xf32, #tpu.memory_space<vmem_shared>>)
          tpu.yield
        }) : () -> ()
        %dma_wait3A_56 = arith.constant 0 : i32
        %dma_wait3A_57 = arith.constant 0 : i32
        %dma_wait3A_58 = tpu.memref_slice %arg7[%dma_wait3A_56, %dma_wait3A_57] : memref<40x128xi32, #tpu.memory_space<vmem>> -> memref<1x128xi32, #tpu.memory_space<vmem>>
        %dma_wait3A_59 = tpu.memref_squeeze %dma_wait3A_58 : memref<1x128xi32, #tpu.memory_space<vmem>> -> memref<128xi32, #tpu.memory_space<vmem>>
        %dma_wait3A_60 = arith.constant 0 : i32
        %dma_wait3A_61 = arith.constant 0 : i32
        %dma_wait3A_62 = tpu.memref_slice %arg2[%scan3A_1, %dma_wait3A_60, %dma_wait3A_61] : memref<1x10000x128xf32, #tpu.memory_space<hbm>> -> memref<1x10000x128xf32, #tpu.memory_space<hbm>>
        %dma_wait3A_63 = tpu.memref_squeeze %dma_wait3A_62 : memref<1x10000x128xf32, #tpu.memory_space<hbm>> -> memref<10000x128xf32, #tpu.memory_space<hbm>>
        %dma_wait3A_64 = arith.constant 0 : i32
        %dma_wait3A_65 = arith.constant 0 : i32
        %dma_wait3A_66 = tpu.memref_slice %dma_wait3A_63[%dma_wait3A_64, %dma_wait3A_65] : memref<10000x128xf32, #tpu.memory_space<hbm>> -> memref<10000x128xf32, #tpu.memory_space<hbm>>
        tpu.wait_indirect_dma semaphore(%arg13 : memref<!tpu.dma_semaphore, #tpu.memory_space<semaphore_mem>>) src(%dma_wait3A_66 : memref<10000x128xf32, #tpu.memory_space<hbm>>) dst(%arg10 : memref<128x128xf32, #tpu.memory_space<vmem>>)
        %add3A_67 = arith.constant 2 : i32
        %add3A_68 = arith.addi %mul3A_34, %add3A_67 : i32
        %lt3A = arith.constant 40 : i32
        %lt3A_69 = arith.cmpi slt, %add3A_68, %lt3A : i32
        %convert_element_type3A = arith.extui %lt3A_69 : i1 to i32
        %cond3A = arith.constant 0 : i32
        %cond3A_70 = arith.cmpi ne, %convert_element_type3A, %cond3A : i32
        scf.if %cond3A_70 {
          %add3A_73 = arith.constant 2 : i32
          %add3A_74 = arith.addi %mul3A_34, %add3A_73 : i32
          %dma_start3A_75 = arith.constant 0 : i32
          %dma_start3A_76 = tpu.memref_slice %arg7[%add3A_74, %dma_start3A_75] : memref<40x128xi32, #tpu.memory_space<vmem>> -> memref<1x128xi32, #tpu.memory_space<vmem>>
          %dma_start3A_77 = tpu.memref_squeeze %dma_start3A_76 : memref<1x128xi32, #tpu.memory_space<vmem>> -> memref<128xi32, #tpu.memory_space<vmem>>
          %dma_start3A_78 = arith.constant 0 : i32
          %dma_start3A_79 = arith.constant 0 : i32
          %dma_start3A_80 = tpu.memref_slice %arg2[%scan3A_1, %dma_start3A_78, %dma_start3A_79] : memref<1x10000x128xf32, #tpu.memory_space<hbm>> -> memref<1x10000x128xf32, #tpu.memory_space<hbm>>
          %dma_start3A_81 = tpu.memref_squeeze %dma_start3A_80 : memref<1x10000x128xf32, #tpu.memory_space<hbm>> -> memref<10000x128xf32, #tpu.memory_space<hbm>>
          %dma_start3A_82 = arith.constant 0 : i32
          %dma_start3A_83 = arith.constant 0 : i32
          %dma_start3A_84 = tpu.memref_slice %dma_start3A_81[%dma_start3A_82, %dma_start3A_83] : memref<10000x128xf32, #tpu.memory_space<hbm>> -> memref<10000x128xf32, #tpu.memory_space<hbm>>
          tpu.enqueue_indirect_dma source(%dma_start3A_84 : memref<10000x128xf32, #tpu.memory_space<hbm>>) target(%arg9 : memref<128x128xf32, #tpu.memory_space<vmem>>) offsets(%dma_start3A_77 : memref<128xi32, #tpu.memory_space<vmem>>) semaphore(%arg12 : memref<!tpu.dma_semaphore, #tpu.memory_space<semaphore_mem>>)
        } else {
        }
        %add3A_71 = arith.constant 1 : i32
        %add3A_72 = arith.addi %mul3A_34, %add3A_71 : i32
        "tpu.region"() ({
          %run_scoped3A = tpu.sem_alloc : memref<!tpu.dma_semaphore, #tpu.memory_space<semaphore_mem>>
          %dma_start3A_73 = arith.constant 0 : i32
          %dma_start3A_74 = tpu.memref_slice %arg8[%add3A_72, %dma_start3A_73] : memref<40x128xi32, #tpu.memory_space<vmem>> -> memref<1x128xi32, #tpu.memory_space<vmem>>
          %dma_start3A_75 = tpu.memref_squeeze %dma_start3A_74 : memref<1x128xi32, #tpu.memory_space<vmem>> -> memref<128xi32, #tpu.memory_space<vmem>>
          %dma_start3A_76 = arith.constant 0 : i32
          %dma_start3A_77 = arith.constant 0 : i32
          %dma_start3A_78 = tpu.memref_slice %arg11[%dma_start3A_76, %dma_start3A_77] : memref<10240x128xf32, #tpu.memory_space<vmem_shared>> -> memref<10240x128xf32, #tpu.memory_space<vmem_shared>>
          tpu.enqueue_indirect_dma source(%arg10 : memref<128x128xf32, #tpu.memory_space<vmem>>) target(%dma_start3A_78 : memref<10240x128xf32, #tpu.memory_space<vmem_shared>>) offsets(%dma_start3A_75 : memref<128xi32, #tpu.memory_space<vmem>>) semaphore(%run_scoped3A : memref<!tpu.dma_semaphore, #tpu.memory_space<semaphore_mem>>) {add = true}
          %dma_wait3A_79 = arith.constant 0 : i32
          %dma_wait3A_80 = tpu.memref_slice %arg8[%add3A_72, %dma_wait3A_79] : memref<40x128xi32, #tpu.memory_space<vmem>> -> memref<1x128xi32, #tpu.memory_space<vmem>>
          %dma_wait3A_81 = tpu.memref_squeeze %dma_wait3A_80 : memref<1x128xi32, #tpu.memory_space<vmem>> -> memref<128xi32, #tpu.memory_space<vmem>>
          %dma_wait3A_82 = arith.constant 0 : i32
          %dma_wait3A_83 = arith.constant 0 : i32
          %dma_wait3A_84 = tpu.memref_slice %arg11[%dma_wait3A_82, %dma_wait3A_83] : memref<10240x128xf32, #tpu.memory_space<vmem_shared>> -> memref<10240x128xf32, #tpu.memory_space<vmem_shared>>
          tpu.wait_indirect_dma semaphore(%run_scoped3A : memref<!tpu.dma_semaphore, #tpu.memory_space<semaphore_mem>>) src(%arg10 : memref<128x128xf32, #tpu.memory_space<vmem>>) dst(%dma_wait3A_84 : memref<10240x128xf32, #tpu.memory_space<vmem_shared>>)
          tpu.yield
        }) : () -> ()
      }
      %scan3A_31 = arith.constant 20 : i32
    }
    %scan3A_6 = arith.constant 2 : i32
    %barrier3A_7 = arith.constant 0 : index
    tpu.barrier barrier_id(%barrier3A_7)
    %mul3A_8 = arith.constant 640 : i32
    %mul3A_9 = arith.muli %arg1, %mul3A_8 : i32
    %mul3A_10 = arith.constant 640 : i32
    %mul3A_11 = arith.muli %arg1, %mul3A_10 : i32
    "tpu.region"() ({
      %run_scoped3A = tpu.sem_alloc : memref<!tpu.dma_semaphore, #tpu.memory_space<semaphore_mem>>
      %dma_start3A = arith.constant 0 : i32
      %dma_start3A_12 = arith.constant 0 : i32
      %dma_start3A_13 = tpu.memref_slice %arg6[%arg0, %dma_start3A, %dma_start3A_12] : memref<2x10240x128xf32, #tpu.memory_space<hbm>> -> memref<1x10240x128xf32, #tpu.memory_space<hbm>>
      %dma_start3A_14 = tpu.memref_squeeze %dma_start3A_13 : memref<1x10240x128xf32, #tpu.memory_space<hbm>> -> memref<10240x128xf32, #tpu.memory_space<hbm>>
      %dma_start3A_15 = arith.constant 0 : i32
      %dma_start3A_16 = tpu.memref_slice %dma_start3A_14[%mul3A_11, %dma_start3A_15] : memref<10240x128xf32, #tpu.memory_space<hbm>> -> memref<640x128xf32, #tpu.memory_space<hbm>>
      %dma_start3A_17 = arith.constant 0 : i32
      %dma_start3A_18 = tpu.memref_slice %arg11[%mul3A_9, %dma_start3A_17] : memref<10240x128xf32, #tpu.memory_space<vmem_shared>> -> memref<640x128xf32, #tpu.memory_space<vmem_shared>>
      tpu.enqueue_dma source(%dma_start3A_18 : memref<640x128xf32, #tpu.memory_space<vmem_shared>>) target(%dma_start3A_16 : memref<640x128xf32, #tpu.memory_space<hbm>>) target_semaphore(%run_scoped3A : memref<!tpu.dma_semaphore, #tpu.memory_space<semaphore_mem>>)
      %dma_wait3A = arith.constant 0 : i32
      %dma_wait3A_19 = arith.constant 0 : i32
      %dma_wait3A_20 = tpu.memref_slice %arg6[%arg0, %dma_wait3A, %dma_wait3A_19] : memref<2x10240x128xf32, #tpu.memory_space<hbm>> -> memref<1x10240x128xf32, #tpu.memory_space<hbm>>
      %dma_wait3A_21 = tpu.memref_squeeze %dma_wait3A_20 : memref<1x10240x128xf32, #tpu.memory_space<hbm>> -> memref<10240x128xf32, #tpu.memory_space<hbm>>
      %dma_wait3A_22 = arith.constant 0 : i32
      %dma_wait3A_23 = tpu.memref_slice %dma_wait3A_21[%mul3A_11, %dma_wait3A_22] : memref<10240x128xf32, #tpu.memory_space<hbm>> -> memref<640x128xf32, #tpu.memory_space<hbm>>
      %dma_wait3A_24 = arith.constant 0 : i32
      %dma_wait3A_25 = tpu.memref_slice %arg11[%mul3A_9, %dma_wait3A_24] : memref<10240x128xf32, #tpu.memory_space<vmem_shared>> -> memref<640x128xf32, #tpu.memory_space<vmem_shared>>
      tpu.wait_dma2 semaphore(%run_scoped3A : memref<!tpu.dma_semaphore, #tpu.memory_space<semaphore_mem>>) src(%dma_wait3A_25 : memref<640x128xf32, #tpu.memory_space<vmem_shared>>) dst(%dma_wait3A_23 : memref<640x128xf32, #tpu.memory_space<hbm>>)
      tpu.yield
    }) : () -> ()
    return
  }
}

module attributes {stable_mosaic.version = 14 : i64} {
  func.func @_pre0_body(%arg0: i32, %arg1: memref<2x1000x128xf32, #tpu.memory_space<vmem>>, %arg2: memref<1000x128xf32, #tpu.memory_space<vmem>>, %arg3: memref<128x256xf32, #tpu.memory_space<vmem>>, %arg4: memref<1000x1xf32, #tpu.memory_space<vmem>>, %arg5: memref<2x1000x128xf32, #tpu.memory_space<vmem>>) attributes {dimension_semantics = [#tpu.dimension_semantics<arbitrary>], iteration_bounds = array<i64: 10>, scalar_prefetch = 0 : i64, scratch_operands = 0 : i64, tpu.core_type = #tpu.core_type<tc>, window_params = [{transform_indices = @transform_0, window_bounds = array<i64: 2, 1000, 128>}, {transform_indices = @transform_1, window_bounds = array<i64: 1000, 128>}, {pipeline_mode = #tpu.pipeline_mode<synchronous>, transform_indices = @transform_2, window_bounds = array<i64: 128, 256>}, {transform_indices = @transform_3, window_bounds = array<i64: 1000, 1>}, {transform_indices = @transform_4, window_bounds = array<i64: 2, 1000, 128>}]} {
    %get3A = arith.constant 0 : index
    %get3A_0 = arith.constant 0 : index
    %get3A_1 = arith.constant 0 : index
    %get3A_2 = vector.load %arg1[%get3A, %get3A_0, %get3A_1] : memref<2x1000x128xf32, #tpu.memory_space<vmem>>, vector<1x1000x1xf32>
    %get3A_3 = vector.shape_cast %get3A_2 : vector<1x1000x1xf32> to vector<1000x1xf32>
    %get3A_4 = arith.constant 1 : index
    %get3A_5 = arith.constant 0 : index
    %get3A_6 = arith.constant 0 : index
    %get3A_7 = vector.load %arg1[%get3A_4, %get3A_5, %get3A_6] : memref<2x1000x128xf32, #tpu.memory_space<vmem>>, vector<1x1000x1xf32>
    %get3A_8 = vector.shape_cast %get3A_7 : vector<1x1000x1xf32> to vector<1000x1xf32>
    %add3A = arith.addf %get3A_3, %get3A_8 : vector<1000x1xf32>
    %add3A_9 = arith.constant 1.000000e+00 : f32
    %add3A_10 = vector.broadcast %add3A_9 : f32 to vector<1000x1xf32>
    %add3A_11 = arith.addf %add3A, %add3A_10 : vector<1000x1xf32>
    %rsqrt3A = math.rsqrt %add3A_11 : vector<1000x1xf32>
    %get3A_12 = arith.constant 0 : index
    %get3A_13 = arith.constant 0 : index
    %get3A_14 = vector.load %arg2[%get3A_12, %get3A_13] : memref<1000x128xf32, #tpu.memory_space<vmem>>, vector<1000x128xf32>
    %get3A_15 = arith.constant 0 : index
    %get3A_16 = arith.constant 0 : index
    %get3A_17 = vector.load %arg3[%get3A_15, %get3A_16] : memref<128x256xf32, #tpu.memory_space<vmem>>, vector<128x256xf32>
    %dot_general3A = arith.constant dense<0.000000e+00> : vector<1000x256xf32>
    %dot_general3A_18 = tpu.matmul %get3A_14, %get3A_17, %dot_general3A {dimension_numbers = #tpu.dot_dimension_numbers<[1], [0], [0], [1], [0, 0, 1, 1], [], []>, transpose_lhs_hint = false} : vector<1000x128xf32>, vector<128x256xf32>, vector<1000x256xf32> -> vector<1000x256xf32>
    %mul3A = vector.broadcast %rsqrt3A : vector<1000x1xf32> to vector<1000x256xf32>
    %mul3A_19 = arith.mulf %dot_general3A_18, %mul3A : vector<1000x256xf32>
    %swap3A = arith.constant 0 : index
    %swap3A_20 = arith.constant 0 : index
    %swap3A_21 = vector.load %arg4[%swap3A, %swap3A_20] : memref<1000x1xf32, #tpu.memory_space<vmem>>, vector<1000x1xf32>
    tpu.vector_store %arg4[%swap3A, %swap3A_20], %rsqrt3A {strides = array<i32>} : memref<1000x1xf32, #tpu.memory_space<vmem>>, vector<1000x1xf32>,
    %slice3A = vector.extract_strided_slice %mul3A_19 {offsets = [0, 0], sizes = [1000, 128], strides = [1, 1]} : vector<1000x256xf32> to vector<1000x128xf32>
    %swap3A_22 = arith.constant 0 : index
    %swap3A_23 = arith.constant 0 : index
    %swap3A_24 = arith.constant 0 : index
    %swap3A_25 = vector.load %arg5[%swap3A_22, %swap3A_23, %swap3A_24] : memref<2x1000x128xf32, #tpu.memory_space<vmem>>, vector<1x1000x128xf32>
    %swap3A_26 = vector.shape_cast %swap3A_25 : vector<1x1000x128xf32> to vector<1000x128xf32>
    %swap3A_27 = vector.shape_cast %slice3A : vector<1000x128xf32> to vector<1x1000x128xf32>
    tpu.vector_store %arg5[%swap3A_22, %swap3A_23, %swap3A_24], %swap3A_27 {strides = array<i32>} : memref<2x1000x128xf32, #tpu.memory_space<vmem>>, vector<1x1000x128xf32>,
    %slice3A_28 = vector.extract_strided_slice %mul3A_19 {offsets = [0, 128], sizes = [1000, 128], strides = [1, 1]} : vector<1000x256xf32> to vector<1000x128xf32>
    %swap3A_29 = arith.constant 1 : index
    %swap3A_30 = arith.constant 0 : index
    %swap3A_31 = arith.constant 0 : index
    %swap3A_32 = vector.load %arg5[%swap3A_29, %swap3A_30, %swap3A_31] : memref<2x1000x128xf32, #tpu.memory_space<vmem>>, vector<1x1000x128xf32>
    %swap3A_33 = vector.shape_cast %swap3A_32 : vector<1x1000x128xf32> to vector<1000x128xf32>
    %swap3A_34 = vector.shape_cast %slice3A_28 : vector<1000x128xf32> to vector<1x1000x128xf32>
    tpu.vector_store %arg5[%swap3A_29, %swap3A_30, %swap3A_31], %swap3A_34 {strides = array<i32>} : memref<2x1000x128xf32, #tpu.memory_space<vmem>>, vector<1x1000x128xf32>,
    return
  }
  func.func @transform_0(%arg0: i32) -> (i32, i32, i32) {
    %c0_i32 = arith.constant 0 : i32
    %c0_i32_0 = arith.constant 0 : i32
    %c0_i32_1 = arith.constant 0 : i32
    return %c0_i32, %arg0, %c0_i32_0 : i32, i32, i32
  }
  func.func @transform_1(%arg0: i32) -> (i32, i32) {
    %c0_i32 = arith.constant 0 : i32
    %c0_i32_0 = arith.constant 0 : i32
    return %arg0, %c0_i32 : i32, i32
  }
  func.func @transform_2(%arg0: i32) -> (i32, i32) {
    %c0_i32 = arith.constant 0 : i32
    %c0_i32_0 = arith.constant 0 : i32
    %c0_i32_1 = arith.constant 0 : i32
    return %c0_i32, %c0_i32_0 : i32, i32
  }
  func.func @transform_3(%arg0: i32) -> (i32, i32) {
    %c0_i32 = arith.constant 0 : i32
    %c0_i32_0 = arith.constant 0 : i32
    return %arg0, %c0_i32 : i32, i32
  }
  func.func @transform_4(%arg0: i32) -> (i32, i32, i32) {
    %c0_i32 = arith.constant 0 : i32
    %c0_i32_0 = arith.constant 0 : i32
    %c0_i32_1 = arith.constant 0 : i32
    return %c0_i32, %arg0, %c0_i32_0 : i32, i32, i32
  }
}

module attributes {stable_mosaic.version = 14 : i64} {
  func.func @_post_pre_body(%arg0: i32, %arg1: memref<2x1000x128xf32, #tpu.memory_space<vmem>>, %arg2: memref<2x1000x128xf32, #tpu.memory_space<vmem>>, %arg3: memref<1000x1xf32, #tpu.memory_space<vmem>>, %arg4: memref<1000x256xf32, #tpu.memory_space<vmem>>, %arg5: memref<1x256xf32, #tpu.memory_space<vmem>>, %arg6: memref<1x256xf32, #tpu.memory_space<vmem>>, %arg7: memref<1x256xf32, #tpu.memory_space<vmem>>, %arg8: memref<256x256xf32, #tpu.memory_space<vmem>>, %arg9: memref<1000x256xf32, #tpu.memory_space<vmem>>, %arg10: memref<2x1000x128xf32, #tpu.memory_space<vmem>>) attributes {dimension_semantics = [#tpu.dimension_semantics<arbitrary>], iteration_bounds = array<i64: 10>, scalar_prefetch = 0 : i64, scratch_operands = 0 : i64, tpu.core_type = #tpu.core_type<tc>, window_params = [{transform_indices = @transform_0, window_bounds = array<i64: 2, 1000, 128>}, {transform_indices = @transform_1, window_bounds = array<i64: 2, 1000, 128>}, {transform_indices = @transform_2, window_bounds = array<i64: 1000, 1>}, {transform_indices = @transform_3, window_bounds = array<i64: 1000, 256>}, {pipeline_mode = #tpu.pipeline_mode<synchronous>, transform_indices = @transform_4, window_bounds = array<i64: 1, 256>}, {pipeline_mode = #tpu.pipeline_mode<synchronous>, transform_indices = @transform_5, window_bounds = array<i64: 1, 256>}, {pipeline_mode = #tpu.pipeline_mode<synchronous>, transform_indices = @transform_6, window_bounds = array<i64: 1, 256>}, {pipeline_mode = #tpu.pipeline_mode<synchronous>, transform_indices = @transform_7, window_bounds = array<i64: 256, 256>}, {transform_indices = @transform_8, window_bounds = array<i64: 1000, 256>}, {transform_indices = @transform_9, window_bounds = array<i64: 2, 1000, 128>}]} {
    %get3A = arith.constant 0 : index
    %get3A_0 = arith.constant 0 : index
    %get3A_1 = arith.constant 0 : index
    %get3A_2 = vector.load %arg1[%get3A, %get3A_0, %get3A_1] : memref<2x1000x128xf32, #tpu.memory_space<vmem>>, vector<1x1000x128xf32>
    %get3A_3 = vector.shape_cast %get3A_2 : vector<1x1000x128xf32> to vector<1000x128xf32>
    %get3A_4 = arith.constant 1 : index
    %get3A_5 = arith.constant 0 : index
    %get3A_6 = arith.constant 0 : index
    %get3A_7 = vector.load %arg1[%get3A_4, %get3A_5, %get3A_6] : memref<2x1000x128xf32, #tpu.memory_space<vmem>>, vector<1x1000x128xf32>
    %get3A_8 = vector.shape_cast %get3A_7 : vector<1x1000x128xf32> to vector<1000x128xf32>
    %concatenate3A = tpu.concatenate %get3A_3, %get3A_8 in 1 : vector<1000x128xf32>, vector<1000x128xf32> -> vector<1000x256xf32>
    %get3A_9 = arith.constant 0 : index
    %get3A_10 = arith.constant 0 : index
    %get3A_11 = arith.constant 0 : index
    %get3A_12 = vector.load %arg2[%get3A_9, %get3A_10, %get3A_11] : memref<2x1000x128xf32, #tpu.memory_space<vmem>>, vector<1x1000x128xf32>
    %get3A_13 = vector.shape_cast %get3A_12 : vector<1x1000x128xf32> to vector<1000x128xf32>
    %get3A_14 = arith.constant 1 : index
    %get3A_15 = arith.constant 0 : index
    %get3A_16 = arith.constant 0 : index
    %get3A_17 = vector.load %arg2[%get3A_14, %get3A_15, %get3A_16] : memref<2x1000x128xf32, #tpu.memory_space<vmem>>, vector<1x1000x128xf32>
    %get3A_18 = vector.shape_cast %get3A_17 : vector<1x1000x128xf32> to vector<1000x128xf32>
    %concatenate3A_19 = tpu.concatenate %get3A_13, %get3A_18 in 1 : vector<1000x128xf32>, vector<1000x128xf32> -> vector<1000x256xf32>
    %get3A_20 = arith.constant 0 : index
    %get3A_21 = arith.constant 0 : index
    %get3A_22 = vector.load %arg3[%get3A_20, %get3A_21] : memref<1000x1xf32, #tpu.memory_space<vmem>>, vector<1000x1xf32>
    %add3A = arith.addf %concatenate3A, %concatenate3A_19 : vector<1000x256xf32>
    %mul3A = vector.broadcast %get3A_22 : vector<1000x1xf32> to vector<1000x256xf32>
    %mul3A_23 = arith.mulf %mul3A, %add3A : vector<1000x256xf32>
    %get3A_24 = arith.constant 0 : index
    %get3A_25 = arith.constant 0 : index
    %get3A_26 = vector.load %arg5[%get3A_24, %get3A_25] : memref<1x256xf32, #tpu.memory_space<vmem>>, vector<1x256xf32>
    %add3A_27 = vector.broadcast %get3A_26 : vector<1x256xf32> to vector<1000x256xf32>
    %add3A_28 = arith.addf %mul3A_23, %add3A_27 : vector<1000x256xf32>
    %reduce_sum3A = arith.constant dense<0.000000e+00> : vector<1000xf32>
    %reduce_sum3A_29 = vector.multi_reduction <add>, %add3A_28, %reduce_sum3A [1] : vector<1000x256xf32> to vector<1000xf32>
    %broadcast_in_dim3A = vector.shape_cast %reduce_sum3A_29 : vector<1000xf32> to vector<1000x1xf32>
    %div3A = arith.constant 2.560000e+02 : f32
    %div3A_30 = vector.broadcast %div3A : f32 to vector<1000x1xf32>
    %div3A_31 = arith.divf %broadcast_in_dim3A, %div3A_30 : vector<1000x1xf32>
    %sub3A = vector.broadcast %div3A_31 : vector<1000x1xf32> to vector<1000x256xf32>
    %sub3A_32 = arith.subf %add3A_28, %sub3A : vector<1000x256xf32>
    %integer_pow3A = arith.mulf %sub3A_32, %sub3A_32 : vector<1000x256xf32>
    %reduce_sum3A_33 = arith.constant dense<0.000000e+00> : vector<1000xf32>
    %reduce_sum3A_34 = vector.multi_reduction <add>, %integer_pow3A, %reduce_sum3A_33 [1] : vector<1000x256xf32> to vector<1000xf32>
    %broadcast_in_dim3A_35 = vector.shape_cast %reduce_sum3A_34 : vector<1000xf32> to vector<1000x1xf32>
    %div3A_36 = arith.constant 2.560000e+02 : f32
    %div3A_37 = vector.broadcast %div3A_36 : f32 to vector<1000x1xf32>
    %div3A_38 = arith.divf %broadcast_in_dim3A_35, %div3A_37 : vector<1000x1xf32>
    %sub3A_39 = vector.broadcast %div3A_31 : vector<1000x1xf32> to vector<1000x256xf32>
    %sub3A_40 = arith.subf %add3A_28, %sub3A_39 : vector<1000x256xf32>
    %add3A_41 = arith.constant 9.99999974E-6 : f32
    %add3A_42 = vector.broadcast %add3A_41 : f32 to vector<1000x1xf32>
    %add3A_43 = arith.addf %div3A_38, %add3A_42 : vector<1000x1xf32>
    %rsqrt3A = math.rsqrt %add3A_43 : vector<1000x1xf32>
    %mul3A_44 = vector.broadcast %rsqrt3A : vector<1000x1xf32> to vector<1000x256xf32>
    %mul3A_45 = arith.mulf %sub3A_40, %mul3A_44 : vector<1000x256xf32>
    %get3A_46 = arith.constant 0 : index
    %get3A_47 = arith.constant 0 : index
    %get3A_48 = vector.load %arg6[%get3A_46, %get3A_47] : memref<1x256xf32, #tpu.memory_space<vmem>>, vector<1x256xf32>
    %mul3A_49 = vector.broadcast %get3A_48 : vector<1x256xf32> to vector<1000x256xf32>
    %mul3A_50 = arith.mulf %mul3A_45, %mul3A_49 : vector<1000x256xf32>
    %get3A_51 = arith.constant 0 : index
    %get3A_52 = arith.constant 0 : index
    %get3A_53 = vector.load %arg7[%get3A_51, %get3A_52] : memref<1x256xf32, #tpu.memory_space<vmem>>, vector<1x256xf32>
    %add3A_54 = vector.broadcast %get3A_53 : vector<1x256xf32> to vector<1000x256xf32>
    %add3A_55 = arith.addf %mul3A_50, %add3A_54 : vector<1000x256xf32>
    %gt3A = arith.constant 0.000000e+00 : f32
    %gt3A_56 = vector.broadcast %gt3A : f32 to vector<1000x256xf32>
    %gt3A_57 = arith.cmpf ogt, %add3A_55, %gt3A_56 : vector<1000x256xf32>
    %min3A = arith.constant 0.000000e+00 : f32
    %min3A_58 = vector.broadcast %min3A : f32 to vector<1000x256xf32>
    %min3A_59 = arith.minimumf %add3A_55, %min3A_58 : vector<1000x256xf32>
    %exp3A = math.exp %min3A_59 : vector<1000x256xf32>
    %sub3A_60 = arith.constant 1.000000e+00 : f32
    %sub3A_61 = vector.broadcast %sub3A_60 : f32 to vector<1000x256xf32>
    %sub3A_62 = arith.subf %exp3A, %sub3A_61 : vector<1000x256xf32>
    %select_n3A = arith.select %gt3A_57, %add3A_55, %sub3A_62 : vector<1000x256xi1>, vector<1000x256xf32>
    %get3A_63 = arith.constant 0 : index
    %get3A_64 = arith.constant 0 : index
    %get3A_65 = vector.load %arg4[%get3A_63, %get3A_64] : memref<1000x256xf32, #tpu.memory_space<vmem>>, vector<1000x256xf32>
    %add3A_66 = arith.addf %select_n3A, %get3A_65 : vector<1000x256xf32>
    %swap3A = arith.constant 0 : index
    %swap3A_67 = arith.constant 0 : index
    %swap3A_68 = vector.load %arg9[%swap3A, %swap3A_67] : memref<1000x256xf32, #tpu.memory_space<vmem>>, vector<1000x256xf32>
    tpu.vector_store %arg9[%swap3A, %swap3A_67], %add3A_66 {strides = array<i32>} : memref<1000x256xf32, #tpu.memory_space<vmem>>, vector<1000x256xf32>,
    %get3A_69 = arith.constant 0 : index
    %get3A_70 = arith.constant 0 : index
    %get3A_71 = vector.load %arg8[%get3A_69, %get3A_70] : memref<256x256xf32, #tpu.memory_space<vmem>>, vector<256x256xf32>
    %dot_general3A = arith.constant dense<0.000000e+00> : vector<1000x256xf32>
    %dot_general3A_72 = tpu.matmul %add3A_66, %get3A_71, %dot_general3A {dimension_numbers = #tpu.dot_dimension_numbers<[1], [0], [0], [1], [0, 0, 1, 1], [], []>, transpose_lhs_hint = false} : vector<1000x256xf32>, vector<256x256xf32>, vector<1000x256xf32> -> vector<1000x256xf32>
    %mul3A_73 = vector.broadcast %get3A_22 : vector<1000x1xf32> to vector<1000x256xf32>
    %mul3A_74 = arith.mulf %dot_general3A_72, %mul3A_73 : vector<1000x256xf32>
    %slice3A = vector.extract_strided_slice %mul3A_74 {offsets = [0, 0], sizes = [1000, 128], strides = [1, 1]} : vector<1000x256xf32> to vector<1000x128xf32>
    %swap3A_75 = arith.constant 0 : index
    %swap3A_76 = arith.constant 0 : index
    %swap3A_77 = arith.constant 0 : index
    %swap3A_78 = vector.load %arg10[%swap3A_75, %swap3A_76, %swap3A_77] : memref<2x1000x128xf32, #tpu.memory_space<vmem>>, vector<1x1000x128xf32>
    %swap3A_79 = vector.shape_cast %swap3A_78 : vector<1x1000x128xf32> to vector<1000x128xf32>
    %swap3A_80 = vector.shape_cast %slice3A : vector<1000x128xf32> to vector<1x1000x128xf32>
    tpu.vector_store %arg10[%swap3A_75, %swap3A_76, %swap3A_77], %swap3A_80 {strides = array<i32>} : memref<2x1000x128xf32, #tpu.memory_space<vmem>>, vector<1x1000x128xf32>,
    %slice3A_81 = vector.extract_strided_slice %mul3A_74 {offsets = [0, 128], sizes = [1000, 128], strides = [1, 1]} : vector<1000x256xf32> to vector<1000x128xf32>
    %swap3A_82 = arith.constant 1 : index
    %swap3A_83 = arith.constant 0 : index
    %swap3A_84 = arith.constant 0 : index
    %swap3A_85 = vector.load %arg10[%swap3A_82, %swap3A_83, %swap3A_84] : memref<2x1000x128xf32, #tpu.memory_space<vmem>>, vector<1x1000x128xf32>
    %swap3A_86 = vector.shape_cast %swap3A_85 : vector<1x1000x128xf32> to vector<1000x128xf32>
    %swap3A_87 = vector.shape_cast %slice3A_81 : vector<1000x128xf32> to vector<1x1000x128xf32>
    tpu.vector_store %arg10[%swap3A_82, %swap3A_83, %swap3A_84], %swap3A_87 {strides = array<i32>} : memref<2x1000x128xf32, #tpu.memory_space<vmem>>, vector<1x1000x128xf32>,
    return
  }
  func.func @transform_0(%arg0: i32) -> (i32, i32, i32) {
    %c0_i32 = arith.constant 0 : i32
    %c0_i32_0 = arith.constant 0 : i32
    %c0_i32_1 = arith.constant 0 : i32
    return %c0_i32, %arg0, %c0_i32_0 : i32, i32, i32
  }
  func.func @transform_1(%arg0: i32) -> (i32, i32, i32) {
    %c0_i32 = arith.constant 0 : i32
    %c0_i32_0 = arith.constant 0 : i32
    %c0_i32_1 = arith.constant 0 : i32
    return %c0_i32, %arg0, %c0_i32_0 : i32, i32, i32
  }
  func.func @transform_2(%arg0: i32) -> (i32, i32) {
    %c0_i32 = arith.constant 0 : i32
    %c0_i32_0 = arith.constant 0 : i32
    return %arg0, %c0_i32 : i32, i32
  }
  func.func @transform_3(%arg0: i32) -> (i32, i32) {
    %c0_i32 = arith.constant 0 : i32
    %c0_i32_0 = arith.constant 0 : i32
    return %arg0, %c0_i32 : i32, i32
  }
  func.func @transform_4(%arg0: i32) -> (i32, i32) {
    %c0_i32 = arith.constant 0 : i32
    %c0_i32_0 = arith.constant 0 : i32
    %c0_i32_1 = arith.constant 0 : i32
    return %c0_i32, %c0_i32_0 : i32, i32
  }
  func.func @transform_5(%arg0: i32) -> (i32, i32) {
    %c0_i32 = arith.constant 0 : i32
    %c0_i32_0 = arith.constant 0 : i32
    %c0_i32_1 = arith.constant 0 : i32
    return %c0_i32, %c0_i32_0 : i32, i32
  }
  func.func @transform_6(%arg0: i32) -> (i32, i32) {
    %c0_i32 = arith.constant 0 : i32
    %c0_i32_0 = arith.constant 0 : i32
    %c0_i32_1 = arith.constant 0 : i32
    return %c0_i32, %c0_i32_0 : i32, i32
  }
  func.func @transform_7(%arg0: i32) -> (i32, i32) {
    %c0_i32 = arith.constant 0 : i32
    %c0_i32_0 = arith.constant 0 : i32
    %c0_i32_1 = arith.constant 0 : i32
    return %c0_i32, %c0_i32_0 : i32, i32
  }
  func.func @transform_8(%arg0: i32) -> (i32, i32) {
    %c0_i32 = arith.constant 0 : i32
    %c0_i32_0 = arith.constant 0 : i32
    return %arg0, %c0_i32 : i32, i32
  }
  func.func @transform_9(%arg0: i32) -> (i32, i32, i32) {
    %c0_i32 = arith.constant 0 : i32
    %c0_i32_0 = arith.constant 0 : i32
    %c0_i32_1 = arith.constant 0 : i32
    return %c0_i32, %arg0, %c0_i32_0 : i32, i32, i32
  }
}

module attributes {stable_mosaic.version = 14 : i64} {
  func.func @_post_pre3_body(%arg0: i32, %arg1: memref<2x1000x128xf32, #tpu.memory_space<vmem>>, %arg2: memref<2x1000x128xf32, #tpu.memory_space<vmem>>, %arg3: memref<1000x1xf32, #tpu.memory_space<vmem>>, %arg4: memref<1000x256xf32, #tpu.memory_space<vmem>>, %arg5: memref<1x256xf32, #tpu.memory_space<vmem>>, %arg6: memref<1x256xf32, #tpu.memory_space<vmem>>, %arg7: memref<1x256xf32, #tpu.memory_space<vmem>>, %arg8: memref<256x128xf32, #tpu.memory_space<vmem>>, %arg9: memref<1000x256xf32, #tpu.memory_space<vmem>>, %arg10: memref<1x1000x128xf32, #tpu.memory_space<vmem>>) attributes {dimension_semantics = [#tpu.dimension_semantics<arbitrary>], iteration_bounds = array<i64: 10>, scalar_prefetch = 0 : i64, scratch_operands = 0 : i64, tpu.core_type = #tpu.core_type<tc>, window_params = [{transform_indices = @transform_0, window_bounds = array<i64: 2, 1000, 128>}, {transform_indices = @transform_1, window_bounds = array<i64: 2, 1000, 128>}, {transform_indices = @transform_2, window_bounds = array<i64: 1000, 1>}, {transform_indices = @transform_3, window_bounds = array<i64: 1000, 256>}, {pipeline_mode = #tpu.pipeline_mode<synchronous>, transform_indices = @transform_4, window_bounds = array<i64: 1, 256>}, {pipeline_mode = #tpu.pipeline_mode<synchronous>, transform_indices = @transform_5, window_bounds = array<i64: 1, 256>}, {pipeline_mode = #tpu.pipeline_mode<synchronous>, transform_indices = @transform_6, window_bounds = array<i64: 1, 256>}, {pipeline_mode = #tpu.pipeline_mode<synchronous>, transform_indices = @transform_7, window_bounds = array<i64: 256, 128>}, {transform_indices = @transform_8, window_bounds = array<i64: 1000, 256>}, {transform_indices = @transform_9, window_bounds = array<i64: 1, 1000, 128>}]} {
    %get3A = arith.constant 0 : index
    %get3A_0 = arith.constant 0 : index
    %get3A_1 = arith.constant 0 : index
    %get3A_2 = vector.load %arg1[%get3A, %get3A_0, %get3A_1] : memref<2x1000x128xf32, #tpu.memory_space<vmem>>, vector<1x1000x128xf32>
    %get3A_3 = vector.shape_cast %get3A_2 : vector<1x1000x128xf32> to vector<1000x128xf32>
    %get3A_4 = arith.constant 1 : index
    %get3A_5 = arith.constant 0 : index
    %get3A_6 = arith.constant 0 : index
    %get3A_7 = vector.load %arg1[%get3A_4, %get3A_5, %get3A_6] : memref<2x1000x128xf32, #tpu.memory_space<vmem>>, vector<1x1000x128xf32>
    %get3A_8 = vector.shape_cast %get3A_7 : vector<1x1000x128xf32> to vector<1000x128xf32>
    %concatenate3A = tpu.concatenate %get3A_3, %get3A_8 in 1 : vector<1000x128xf32>, vector<1000x128xf32> -> vector<1000x256xf32>
    %get3A_9 = arith.constant 0 : index
    %get3A_10 = arith.constant 0 : index
    %get3A_11 = arith.constant 0 : index
    %get3A_12 = vector.load %arg2[%get3A_9, %get3A_10, %get3A_11] : memref<2x1000x128xf32, #tpu.memory_space<vmem>>, vector<1x1000x128xf32>
    %get3A_13 = vector.shape_cast %get3A_12 : vector<1x1000x128xf32> to vector<1000x128xf32>
    %get3A_14 = arith.constant 1 : index
    %get3A_15 = arith.constant 0 : index
    %get3A_16 = arith.constant 0 : index
    %get3A_17 = vector.load %arg2[%get3A_14, %get3A_15, %get3A_16] : memref<2x1000x128xf32, #tpu.memory_space<vmem>>, vector<1x1000x128xf32>
    %get3A_18 = vector.shape_cast %get3A_17 : vector<1x1000x128xf32> to vector<1000x128xf32>
    %concatenate3A_19 = tpu.concatenate %get3A_13, %get3A_18 in 1 : vector<1000x128xf32>, vector<1000x128xf32> -> vector<1000x256xf32>
    %get3A_20 = arith.constant 0 : index
    %get3A_21 = arith.constant 0 : index
    %get3A_22 = vector.load %arg3[%get3A_20, %get3A_21] : memref<1000x1xf32, #tpu.memory_space<vmem>>, vector<1000x1xf32>
    %add3A = arith.addf %concatenate3A, %concatenate3A_19 : vector<1000x256xf32>
    %mul3A = vector.broadcast %get3A_22 : vector<1000x1xf32> to vector<1000x256xf32>
    %mul3A_23 = arith.mulf %mul3A, %add3A : vector<1000x256xf32>
    %get3A_24 = arith.constant 0 : index
    %get3A_25 = arith.constant 0 : index
    %get3A_26 = vector.load %arg5[%get3A_24, %get3A_25] : memref<1x256xf32, #tpu.memory_space<vmem>>, vector<1x256xf32>
    %add3A_27 = vector.broadcast %get3A_26 : vector<1x256xf32> to vector<1000x256xf32>
    %add3A_28 = arith.addf %mul3A_23, %add3A_27 : vector<1000x256xf32>
    %reduce_sum3A = arith.constant dense<0.000000e+00> : vector<1000xf32>
    %reduce_sum3A_29 = vector.multi_reduction <add>, %add3A_28, %reduce_sum3A [1] : vector<1000x256xf32> to vector<1000xf32>
    %broadcast_in_dim3A = vector.shape_cast %reduce_sum3A_29 : vector<1000xf32> to vector<1000x1xf32>
    %div3A = arith.constant 2.560000e+02 : f32
    %div3A_30 = vector.broadcast %div3A : f32 to vector<1000x1xf32>
    %div3A_31 = arith.divf %broadcast_in_dim3A, %div3A_30 : vector<1000x1xf32>
    %sub3A = vector.broadcast %div3A_31 : vector<1000x1xf32> to vector<1000x256xf32>
    %sub3A_32 = arith.subf %add3A_28, %sub3A : vector<1000x256xf32>
    %integer_pow3A = arith.mulf %sub3A_32, %sub3A_32 : vector<1000x256xf32>
    %reduce_sum3A_33 = arith.constant dense<0.000000e+00> : vector<1000xf32>
    %reduce_sum3A_34 = vector.multi_reduction <add>, %integer_pow3A, %reduce_sum3A_33 [1] : vector<1000x256xf32> to vector<1000xf32>
    %broadcast_in_dim3A_35 = vector.shape_cast %reduce_sum3A_34 : vector<1000xf32> to vector<1000x1xf32>
    %div3A_36 = arith.constant 2.560000e+02 : f32
    %div3A_37 = vector.broadcast %div3A_36 : f32 to vector<1000x1xf32>
    %div3A_38 = arith.divf %broadcast_in_dim3A_35, %div3A_37 : vector<1000x1xf32>
    %sub3A_39 = vector.broadcast %div3A_31 : vector<1000x1xf32> to vector<1000x256xf32>
    %sub3A_40 = arith.subf %add3A_28, %sub3A_39 : vector<1000x256xf32>
    %add3A_41 = arith.constant 9.99999974E-6 : f32
    %add3A_42 = vector.broadcast %add3A_41 : f32 to vector<1000x1xf32>
    %add3A_43 = arith.addf %div3A_38, %add3A_42 : vector<1000x1xf32>
    %rsqrt3A = math.rsqrt %add3A_43 : vector<1000x1xf32>
    %mul3A_44 = vector.broadcast %rsqrt3A : vector<1000x1xf32> to vector<1000x256xf32>
    %mul3A_45 = arith.mulf %sub3A_40, %mul3A_44 : vector<1000x256xf32>
    %get3A_46 = arith.constant 0 : index
    %get3A_47 = arith.constant 0 : index
    %get3A_48 = vector.load %arg6[%get3A_46, %get3A_47] : memref<1x256xf32, #tpu.memory_space<vmem>>, vector<1x256xf32>
    %mul3A_49 = vector.broadcast %get3A_48 : vector<1x256xf32> to vector<1000x256xf32>
    %mul3A_50 = arith.mulf %mul3A_45, %mul3A_49 : vector<1000x256xf32>
    %get3A_51 = arith.constant 0 : index
    %get3A_52 = arith.constant 0 : index
    %get3A_53 = vector.load %arg7[%get3A_51, %get3A_52] : memref<1x256xf32, #tpu.memory_space<vmem>>, vector<1x256xf32>
    %add3A_54 = vector.broadcast %get3A_53 : vector<1x256xf32> to vector<1000x256xf32>
    %add3A_55 = arith.addf %mul3A_50, %add3A_54 : vector<1000x256xf32>
    %gt3A = arith.constant 0.000000e+00 : f32
    %gt3A_56 = vector.broadcast %gt3A : f32 to vector<1000x256xf32>
    %gt3A_57 = arith.cmpf ogt, %add3A_55, %gt3A_56 : vector<1000x256xf32>
    %min3A = arith.constant 0.000000e+00 : f32
    %min3A_58 = vector.broadcast %min3A : f32 to vector<1000x256xf32>
    %min3A_59 = arith.minimumf %add3A_55, %min3A_58 : vector<1000x256xf32>
    %exp3A = math.exp %min3A_59 : vector<1000x256xf32>
    %sub3A_60 = arith.constant 1.000000e+00 : f32
    %sub3A_61 = vector.broadcast %sub3A_60 : f32 to vector<1000x256xf32>
    %sub3A_62 = arith.subf %exp3A, %sub3A_61 : vector<1000x256xf32>
    %select_n3A = arith.select %gt3A_57, %add3A_55, %sub3A_62 : vector<1000x256xi1>, vector<1000x256xf32>
    %get3A_63 = arith.constant 0 : index
    %get3A_64 = arith.constant 0 : index
    %get3A_65 = vector.load %arg4[%get3A_63, %get3A_64] : memref<1000x256xf32, #tpu.memory_space<vmem>>, vector<1000x256xf32>
    %add3A_66 = arith.addf %select_n3A, %get3A_65 : vector<1000x256xf32>
    %swap3A = arith.constant 0 : index
    %swap3A_67 = arith.constant 0 : index
    %swap3A_68 = vector.load %arg9[%swap3A, %swap3A_67] : memref<1000x256xf32, #tpu.memory_space<vmem>>, vector<1000x256xf32>
    tpu.vector_store %arg9[%swap3A, %swap3A_67], %add3A_66 {strides = array<i32>} : memref<1000x256xf32, #tpu.memory_space<vmem>>, vector<1000x256xf32>,
    %get3A_69 = arith.constant 0 : index
    %get3A_70 = arith.constant 0 : index
    %get3A_71 = vector.load %arg8[%get3A_69, %get3A_70] : memref<256x128xf32, #tpu.memory_space<vmem>>, vector<256x128xf32>
    %dot_general3A = arith.constant dense<0.000000e+00> : vector<1000x128xf32>
    %dot_general3A_72 = tpu.matmul %add3A_66, %get3A_71, %dot_general3A {dimension_numbers = #tpu.dot_dimension_numbers<[1], [0], [0], [1], [0, 0, 1, 1], [], []>, transpose_lhs_hint = false} : vector<1000x256xf32>, vector<256x128xf32>, vector<1000x128xf32> -> vector<1000x128xf32>
    %mul3A_73 = vector.broadcast %get3A_22 : vector<1000x1xf32> to vector<1000x128xf32>
    %mul3A_74 = arith.mulf %dot_general3A_72, %mul3A_73 : vector<1000x128xf32>
    %swap3A_75 = arith.constant 0 : index
    %swap3A_76 = arith.constant 0 : index
    %swap3A_77 = arith.constant 0 : index
    %swap3A_78 = vector.load %arg10[%swap3A_75, %swap3A_76, %swap3A_77] : memref<1x1000x128xf32, #tpu.memory_space<vmem>>, vector<1x1000x128xf32>
    %swap3A_79 = vector.shape_cast %swap3A_78 : vector<1x1000x128xf32> to vector<1000x128xf32>
    %swap3A_80 = vector.shape_cast %mul3A_74 : vector<1000x128xf32> to vector<1x1000x128xf32>
    tpu.vector_store %arg10[%swap3A_75, %swap3A_76, %swap3A_77], %swap3A_80 {strides = array<i32>} : memref<1x1000x128xf32, #tpu.memory_space<vmem>>, vector<1x1000x128xf32>,
    return
  }
  func.func @transform_0(%arg0: i32) -> (i32, i32, i32) {
    %c0_i32 = arith.constant 0 : i32
    %c0_i32_0 = arith.constant 0 : i32
    %c0_i32_1 = arith.constant 0 : i32
    return %c0_i32, %arg0, %c0_i32_0 : i32, i32, i32
  }
  func.func @transform_1(%arg0: i32) -> (i32, i32, i32) {
    %c0_i32 = arith.constant 0 : i32
    %c0_i32_0 = arith.constant 0 : i32
    %c0_i32_1 = arith.constant 0 : i32
    return %c0_i32, %arg0, %c0_i32_0 : i32, i32, i32
  }
  func.func @transform_2(%arg0: i32) -> (i32, i32) {
    %c0_i32 = arith.constant 0 : i32
    %c0_i32_0 = arith.constant 0 : i32
    return %arg0, %c0_i32 : i32, i32
  }
  func.func @transform_3(%arg0: i32) -> (i32, i32) {
    %c0_i32 = arith.constant 0 : i32
    %c0_i32_0 = arith.constant 0 : i32
    return %arg0, %c0_i32 : i32, i32
  }
  func.func @transform_4(%arg0: i32) -> (i32, i32) {
    %c0_i32 = arith.constant 0 : i32
    %c0_i32_0 = arith.constant 0 : i32
    %c0_i32_1 = arith.constant 0 : i32
    return %c0_i32, %c0_i32_0 : i32, i32
  }
  func.func @transform_5(%arg0: i32) -> (i32, i32) {
    %c0_i32 = arith.constant 0 : i32
    %c0_i32_0 = arith.constant 0 : i32
    %c0_i32_1 = arith.constant 0 : i32
    return %c0_i32, %c0_i32_0 : i32, i32
  }
  func.func @transform_6(%arg0: i32) -> (i32, i32) {
    %c0_i32 = arith.constant 0 : i32
    %c0_i32_0 = arith.constant 0 : i32
    %c0_i32_1 = arith.constant 0 : i32
    return %c0_i32, %c0_i32_0 : i32, i32
  }
  func.func @transform_7(%arg0: i32) -> (i32, i32) {
    %c0_i32 = arith.constant 0 : i32
    %c0_i32_0 = arith.constant 0 : i32
    %c0_i32_1 = arith.constant 0 : i32
    return %c0_i32, %c0_i32_0 : i32, i32
  }
  func.func @transform_8(%arg0: i32) -> (i32, i32) {
    %c0_i32 = arith.constant 0 : i32
    %c0_i32_0 = arith.constant 0 : i32
    return %arg0, %c0_i32 : i32, i32
  }
  func.func @transform_9(%arg0: i32) -> (i32, i32, i32) {
    %c0_i32 = arith.constant 0 : i32
    %c0_i32_0 = arith.constant 0 : i32
    %c0_i32_1 = arith.constant 0 : i32
    return %c0_i32, %arg0, %c0_i32_0 : i32, i32, i32
  }
}

module attributes {stable_mosaic.version = 14 : i64} {
  func.func @_final_body(%arg0: i32, %arg1: memref<2x1000x128xf32, #tpu.memory_space<vmem>>, %arg2: memref<1x1000x128xf32, #tpu.memory_space<vmem>>, %arg3: memref<1000x1xf32, #tpu.memory_space<vmem>>, %arg4: memref<1x128xf32, #tpu.memory_space<vmem>>, %arg5: memref<1000x128xf32, #tpu.memory_space<vmem>>) attributes {dimension_semantics = [#tpu.dimension_semantics<arbitrary>], iteration_bounds = array<i64: 10>, scalar_prefetch = 0 : i64, scratch_operands = 0 : i64, tpu.core_type = #tpu.core_type<tc>, window_params = [{transform_indices = @transform_0, window_bounds = array<i64: 2, 1000, 128>}, {transform_indices = @transform_1, window_bounds = array<i64: 1, 1000, 128>}, {transform_indices = @transform_2, window_bounds = array<i64: 1000, 1>}, {pipeline_mode = #tpu.pipeline_mode<synchronous>, transform_indices = @transform_3, window_bounds = array<i64: 1, 128>}, {transform_indices = @transform_4, window_bounds = array<i64: 1000, 128>}]} {
    %get3A = arith.constant 0 : index
    %get3A_0 = arith.constant 0 : index
    %get3A_1 = vector.load %arg3[%get3A, %get3A_0] : memref<1000x1xf32, #tpu.memory_space<vmem>>, vector<1000x1xf32>
    %get3A_2 = arith.constant 0 : index
    %get3A_3 = arith.constant 0 : index
    %get3A_4 = arith.constant 0 : index
    %get3A_5 = vector.load %arg1[%get3A_2, %get3A_3, %get3A_4] : memref<2x1000x128xf32, #tpu.memory_space<vmem>>, vector<1x1000x128xf32>
    %get3A_6 = vector.shape_cast %get3A_5 : vector<1x1000x128xf32> to vector<1000x128xf32>
    %get3A_7 = arith.constant 1 : index
    %get3A_8 = arith.constant 0 : index
    %get3A_9 = arith.constant 0 : index
    %get3A_10 = vector.load %arg1[%get3A_7, %get3A_8, %get3A_9] : memref<2x1000x128xf32, #tpu.memory_space<vmem>>, vector<1x1000x128xf32>
    %get3A_11 = vector.shape_cast %get3A_10 : vector<1x1000x128xf32> to vector<1000x128xf32>
    %add3A = arith.addf %get3A_6, %get3A_11 : vector<1000x128xf32>
    %get3A_12 = arith.constant 0 : index
    %get3A_13 = arith.constant 0 : index
    %get3A_14 = arith.constant 0 : index
    %get3A_15 = vector.load %arg2[%get3A_12, %get3A_13, %get3A_14] : memref<1x1000x128xf32, #tpu.memory_space<vmem>>, vector<1x1000x128xf32>
    %get3A_16 = vector.shape_cast %get3A_15 : vector<1x1000x128xf32> to vector<1000x128xf32>
    %add3A_17 = arith.addf %add3A, %get3A_16 : vector<1000x128xf32>
    %mul3A = vector.broadcast %get3A_1 : vector<1000x1xf32> to vector<1000x128xf32>
    %mul3A_18 = arith.mulf %mul3A, %add3A_17 : vector<1000x128xf32>
    %get3A_19 = arith.constant 0 : index
    %get3A_20 = arith.constant 0 : index
    %get3A_21 = vector.load %arg4[%get3A_19, %get3A_20] : memref<1x128xf32, #tpu.memory_space<vmem>>, vector<1x128xf32>
    %add3A_22 = vector.broadcast %get3A_21 : vector<1x128xf32> to vector<1000x128xf32>
    %add3A_23 = arith.addf %mul3A_18, %add3A_22 : vector<1000x128xf32>
    %swap3A = arith.constant 0 : index
    %swap3A_24 = arith.constant 0 : index
    %swap3A_25 = vector.load %arg5[%swap3A, %swap3A_24] : memref<1000x128xf32, #tpu.memory_space<vmem>>, vector<1000x128xf32>
    tpu.vector_store %arg5[%swap3A, %swap3A_24], %add3A_23 {strides = array<i32>} : memref<1000x128xf32, #tpu.memory_space<vmem>>, vector<1000x128xf32>,
    return
  }
  func.func @transform_0(%arg0: i32) -> (i32, i32, i32) {
    %c0_i32 = arith.constant 0 : i32
    %c0_i32_0 = arith.constant 0 : i32
    %c0_i32_1 = arith.constant 0 : i32
    return %c0_i32, %arg0, %c0_i32_0 : i32, i32, i32
  }
  func.func @transform_1(%arg0: i32) -> (i32, i32, i32) {
    %c0_i32 = arith.constant 0 : i32
    %c0_i32_0 = arith.constant 0 : i32
    %c0_i32_1 = arith.constant 0 : i32
    return %c0_i32, %arg0, %c0_i32_0 : i32, i32, i32
  }
  func.func @transform_2(%arg0: i32) -> (i32, i32) {
    %c0_i32 = arith.constant 0 : i32
    %c0_i32_0 = arith.constant 0 : i32
    return %arg0, %c0_i32 : i32, i32
  }
  func.func @transform_3(%arg0: i32) -> (i32, i32) {
    %c0_i32 = arith.constant 0 : i32
    %c0_i32_0 = arith.constant 0 : i32
    %c0_i32_1 = arith.constant 0 : i32
    return %c0_i32, %c0_i32_0 : i32, i32
  }
  func.func @transform_4(%arg0: i32) -> (i32, i32) {
    %c0_i32 = arith.constant 0 : i32
    %c0_i32_0 = arith.constant 0 : i32
    return %arg0, %c0_i32 : i32, i32
  }
}

</mosaic_0001>

<sc_bundles>
// kernel: kernel.12.cloned.1.call-start
scs
__scs_entry_jumppad:
0x0: {  	(pc) =	sbr.rel $0x88, $3  }
0x1: {  	(tag) =	ssettag $0x0;
	lr =	simm.s32 $0x1  }
0x2: {  	[smem:$0x3F91] =	sst lr;
	_ =	strace $0xD0000000  }
0x3: {  	_ = 	snop  }
0x4: {  	_ = 	snop  }
0x5: {  	_ = 	snop  }
0x6: {  	_ = 	snop  }
0x7: {  	_ = 	snop  }
__scs_overlays_trampoline_lowered:
0x8: {  	[smem:$0x3FA0] =	sst s0  }
0x9: {  	[smem:$0x3FA1] =	sst s1  }
0xa: {  	[smem:$0x3FA2] =	sst s2  }
0xb: {  	[smem:$0x3FA3] =	sst s3  }
0xc: {  	[smem:$0x3FA4] =	sst s4  }
0xd: {  	[smem:$0x3FA5] =	sst s5  }
0xe: {  	[smem:$0x3FA6] =	sst s6  }
0xf: {  	[smem:$0x3FA7] =	sst s7  }
0x10: {  	[smem:$0x3FA8] =	sst s8  }
0x11: {  	[smem:$0x3FA9] =	sst s9;
	s0 =	simm.s32 @!p0 $0x0  }
0x12: {  	s1 =	sld [smem:$0x3F8F];
	s0 =	simm.s32 @p0 $0x1  }
0x13: {  	[smem:$0x3FAA] =	sst s0;
	s0 =	simm.s32 @!p1 $0x0  }
0x14: {  	s2 =	sld [smem:$0x3F8E];
	s0 =	simm.s32 @p1 $0x1  }
0x15: {  	[smem:$0x3FAB] =	sst s0;
	s0 =	simm.s32 @!p2 $0x0  }
0x16: {  	s3 =	sld [smem:$0x3FDB];
	s0 =	simm.s32 @p2 $0x1  }
0x17: {  	s4 =	simm.s32 $0x1BF5;
	[smem:$0x3FAD] =	sst s0  }
0x18: {  	s0 =	sld [smem:$0x3F90];
	_ =	swait.ge [sflag:s4], $0x0  }
0x19: {  	s7 =	sld [smem:$0x3F91]  }
0x1a: {  	s8 =	sadd.s32 $0xFFFFE003, lr  }
0x1b: {  	s9 =	sadd.s32 $0xFFFFFEF7, lr;
	s5 =	simm.s32 $0xFFFFFFFF;
	p2 =	slt.u32 s8, $0xFFFFF086  }
0x1c: {  	p1 =	slt.u32 s9, $0xF7A;
	s5 =	simm.s32 @!p2 $0x0  }
0x1d: {  	s5 =	simm.s32 @p1 $0x1;
	p0 =	seq.s32 s7, s2  }
0x1e: {  	s7 =	smul.u32 @!p0 $0xF7A, s2;
	p2 =	seq.s32 @!p0 s5, $0x0  }
0x1f: {  	s9 =	smul.u32 $0xF7A, s1;
	s8 =	simm.s32 @!p0 $0x1BF5;
	p2 =	por !p2, p0  }
0x20: {  	[sflag:s8] =	ssyncset.s32 @!p0 $0xFFFFF086;
	s6 =	sadd.s32 @!p0 s3, s7;
	s7 =	simm.s32 @!p0 $0x108  }
0x21: {  	s3 =	sadd.s32 s3, s9;
	s6 =	sadd.s32 @!p0 $0x88, s6;
	s7 =	simm.s32 @p2 $0x1082  }
0x22: {  	[simem:s7], [sflag:s8] =	dma.local @!p0 [hbm:s6], $0xF7A  }
0x23: {  	s9 =	sor.u32 $0xD0000000, s2;
	s6 =	simm.s32 $0x108;
	_ =	swait.ge @!p0 [sflag:s8], $0x0  }
0x24: {  	s3 =	sadd.s32 $0x88, s3;
	s6 =	simm.s32 @!p1 $0x1082;
	[sflag:s4] =	ssyncset.s32 $0xFFFFF086  }
0x25: {  	[simem:s6], [sflag:s4] =	dma.local [hbm:s3], $0xF7A  }
0x26: {  	[smem:$0x3F91] =	sst s1;
	(tag) =	ssettag s2;
	_ =	strace s9  }
0x27: {  	s1 =	sld [smem:$0x3FA1]  }
0x28: {  	s2 =	sld [smem:$0x3FA2]  }
0x29: {  	s4 =	sld [smem:$0x3FA4]  }
0x2a: {  	p0 =	seq.s32 s5, $0x0;
	s5 =	sld [smem:$0x3FA5]  }
0x2b: {  	s6 =	sld [smem:$0x3FA6]  }
0x2c: {  	s7 =	sld [smem:$0x3FA7]  }
0x2d: {  	s3 =	simm.s32 $0x108;
	s8 =	sld [smem:$0x3FA8]  }
0x2e: {  	s3 =	simm.s32 @!p0 $0x1082;
	s9 =	sld [smem:$0x3FA9]  }
0x2f: {  	lr =	sadd.s32 s0, s3;
	s0 =	sld [smem:$0x3FA0]  }
0x30: {  	s3 =	sld [smem:$0x3FA3]  }
0x31: {  	[smem:$0x3FAC] =	sst s10  }
0x32: {  	s10 =	sld [smem:$0x3FAA];
	_ =	sdelay $0x3  }
0x33: {  	p0 =	seq.s32 s10, $0x1;
	s10 =	sld [smem:$0x3FAC];
	_ =	sdelay $0x3  }
0x34: {  	[smem:$0x3FAC] =	sst s10  }
0x35: {  	s10 =	sld [smem:$0x3FAB];
	_ =	sdelay $0x3  }
0x36: {  	p1 =	seq.s32 s10, $0x1;
	s10 =	sld [smem:$0x3FAC];
	_ =	sdelay $0x3  }
0x37: {  	[smem:$0x3FAC] =	sst s10  }
0x38: {  	s10 =	sld [smem:$0x3FAD]  }
0x39: {  	_ = 	snop;
	(pc) =	sbr.ind lr, $3  }
0x3a: {  	_ = 	snop  }
0x3b: {  	_ = 	snop  }
0x3c: {  	p2 =	seq.s32 s10, $0x1;
	s10 =	sld [smem:$0x3FAC]  }
0x3d: {  	_ =	shalt  }
0x3e: {  	_ =	shalt  }
0x3f: {  	_ =	shalt  }
0x40: {  	_ =	shalt  }
0x41: {  	_ =	shalt  }
0x42: {  	_ =	shalt  }
0x43: {  	_ =	shalt  }
0x44: {  	_ =	shalt  }
0x45: {  	_ =	shalt  }
0x46: {  	_ =	shalt  }
0x47: {  	_ =	shalt  }
0x48: {  	_ =	shalt  }
0x49: {  	_ =	shalt  }
0x4a: {  	_ =	shalt  }
0x4b: {  	_ =	shalt  }
0x4c: {  	_ =	shalt  }
0x4d: {  	_ =	shalt  }
0x4e: {  	_ =	shalt  }
0x4f: {  	_ =	shalt  }
0x50: {  	_ =	shalt  }
0x51: {  	_ =	shalt  }
0x52: {  	_ =	shalt  }
0x53: {  	_ =	shalt  }
0x54: {  	_ =	shalt  }
0x55: {  	_ =	shalt  }
0x56: {  	_ =	shalt  }
0x57: {  	_ =	shalt  }
0x58: {  	_ =	shalt  }
0x59: {  	_ =	shalt  }
0x5a: {  	_ =	shalt  }
0x5b: {  	_ =	shalt  }
0x5c: {  	_ =	shalt  }
0x5d: {  	_ =	shalt  }
0x5e: {  	_ =	shalt  }
0x5f: {  	_ =	shalt  }
0x60: {  	_ =	shalt  }
0x61: {  	_ =	shalt  }
0x62: {  	_ =	shalt  }
0x63: {  	_ =	shalt  }
0x64: {  	_ =	shalt  }
0x65: {  	_ =	shalt  }
0x66: {  	_ =	shalt  }
0x67: {  	_ =	shalt  }
0x68: {  	_ =	shalt  }
0x69: {  	_ =	shalt  }
0x6a: {  	_ =	shalt  }
0x6b: {  	_ =	shalt  }
0x6c: {  	_ =	shalt  }
0x6d: {  	_ =	shalt  }
0x6e: {  	_ =	shalt  }
0x6f: {  	_ =	shalt  }
0x70: {  	_ =	shalt  }
0x71: {  	_ =	shalt  }
0x72: {  	_ =	shalt  }
0x73: {  	_ =	shalt  }
0x74: {  	_ =	shalt  }
0x75: {  	_ =	shalt  }
0x76: {  	_ =	shalt  }
0x77: {  	_ =	shalt  }
0x78: {  	_ =	shalt  }
0x79: {  	_ =	shalt  }
0x7a: {  	_ =	shalt  }
0x7b: {  	_ =	shalt  }
0x7c: {  	_ =	shalt  }
0x7d: {  	_ =	shalt  }
0x7e: {  	_ =	shalt  }
0x7f: {  	_ =	shalt  }
0x80: {  	_ =	shalt  }
0x81: {  	_ =	shalt  }
0x82: {  	_ =	shalt  }
0x83: {  	_ =	shalt  }
0x84: {  	_ =	shalt  }
0x85: {  	_ =	shalt  }
0x86: {  	_ =	shalt  }
0x87: {  	_ =	shalt  }
.Lfunc_end0:
.L_simem_size_0:
called_computation_lowered:
.L_overlay_start_0:
0x88: {  	s2 =	sld [smem:$0x3FD9]  }
0x89: {  	s3 =	sld [smem:$0x3FFE];
	_ =	sdelay $0x1  }
0x8a: {  	s1 =	srdreg.scid  }
0x8b: {  	s0 =	sand.u32 $0x1, s1  }
0x8c: {  	s17 =	sshll.u32 s0, $0xA;
	s2 =	sadd.s32 s3, s2  }
0x8d: {  	s2 =	sadd.s32 s2, s17  }
0x8e: {  	[smem:$0x3FB8] =	sst s2  }
0x8f: {  	_ = 	snop  }
0x90: {  	s2 =	sld [smem:$0x3FD0];
	(tm) =	ssettm $0x1  }
0x91: {  	s18 =	sld [smem:$0x3FFB];
	_ =	sdelay $0x3  }
0x92: {  	_ =	strace s18  }
0x93: {  	s3 =	sld [smem:$0x3FFC];
	_ =	sdelay $0x3  }
0x94: {  	_ =	strace s3  }
0x95: {  	s3 =	sld [smem:$0x3FFD];
	_ =	sdelay $0x3  }
0x96: {  	_ =	strace s3  }
0x97: {  	_ =	strace $0x8FFFFFFF  }
0x98: {  	s19 =	sld [smem:$0x3FDB];
	_ =	sdelay $0x1  }
0x99: {  	s4 =	simm.s32 $_scs_section_size  }
0x9a: {  	s5 =	simm.s32 $_size__tile_overlayer_lowered;
	s6 =	simm.s32 $_tile_overlayer_lowered  }
0x9b: {  	s22 =	simm.s32 $0x1BFF;
	s21 =	sshll.u32 s6, $0x1;
	s3 =	sadd.s32 s4, s19  }
0x9c: {  	s7 =	simm.s32 $0x0;
	s20 =	sshll.u32 s5, $0x1;
	s5 =	sadd.s32 s21, s3  }
0x9d: {  	[timem:s7], [sflag:s22] =	dma.local [hbm:s5], s20  }
0x9e: {  	_ =	swait.ge [sflag:s22], s20  }
0x9f: {  	s4 =	ssub.s32 $0x0, s20;
	[sflag:s22] =	ssyncset.done $0x0  }
0xa0: {  	[sflag:s22] =	ssyncadd.s32 s4;
	_ =	sdelay $0x1  }
0xa1: {  	s23 =	simm.s32 $0x1B8B  }
0xa2: {  	_ =	swait.ge [sflag:s23], $0x1  }
0xa3: {  	[sflag:s23] =	ssyncset.done $0x0  }
0xa4: {  	s25 =	simm.s32 $0x1B8E;
	s24 =	sld [smem:$0x3FFE];
	[sflag:s23] =	ssyncadd.s32 $0xFFFFFFFF  }
0xa5: {  	s26 =	simm.s32 $execute0_lowered;
	[smem:$0x3FD2] =	sst s25  }
0xa6: {  	s5 =	sshll.u32 s26, $0x1;
	_ =	strace $0x80000046;
	[dreg:$0x1] =	wrdreg $0xFFFFFFFF  }
0xa7: {  	s28 =	simm.s32 $_size_execute0_lowered;
	s3 =	sadd.s32 s3, s5;
	[dreg:$0x0] =	wrdreg $0x0  }
0xa8: {  	s5 =	sshll.u32 s28, $0x1;
	[dreg:$0x2] =	wrdreg s3  }
0xa9: {  	[dreg:$0x3] =	wrdreg s5  }
0xaa: {  	[dreg:$0x4] =	wrdreg $0xC0  }
0xab: {  	_ =	task [dreg:s7], $0x5FFFF  }
0xac: {  	[dreg:$0x1] =	wrdreg $0xFFFFFFFF  }
0xad: {  	[dreg:$0x0] =	wrdreg $0x60  }
0xae: {  	[dreg:$0x2] =	wrdreg s24  }
0xaf: {  	[dreg:$0x3] =	wrdreg s2  }
0xb0: {  	[dreg:$0x4] =	wrdreg $0x54000  }
0xb1: {  	[dreg:$0x5] =	wrdreg $0x9  }
0xb2: {  	_ =	task.clear_ibuf [dreg:s7], $0x6FFFF;
	_ =	strace $0x90000046  }
0xb3: {  	s29 =	simm.s32 $0x9;
	_ =	strace $0x80000048  }
0xb4: {  	_ =	swait.ge [sflag:s29], $0x1  }
0xb5: {  	[sflag:s29] =	ssyncadd.s32 $0xFFFFFFFF  }
0xb6: {  	_ =	strace $0x90000048  }
0xb7: {  	_ =	sfence  }
0xb8: {  	s30 =	sld [smem:$0x0];
	_ =	sdelay $0x2  }
0xb9: {  	s31 =	sshll.u32 s1, $0xD;
	s1 =	sshrl.u32 s1, $0x2  }
0xba: {  	s3 =	sand.u32 $0x4000, s31;
	s1 =	sadd.s32 s1, s30  }
0xbb: {  	s0 =	sor.u32 s3, s0;
	s1 =	sshll.u32 s1, $0x11  }
0xbc: {  	s0 =	sor.u32 s1, s0  }
0xbd: {  	s0 =	sadd.s32 $0x8F2B, s0  }
0xbe: {  	[sflag:s0] =	ssyncadd.remote.s32 $0x1  }
0xbf: {  	_ =	sfence.sel $0xFFFF  }
0xc0: {  	[dreg:$0x0] =	wrdreg $0xFFFFFFFF;
	(pc) =	sbr.abs _section_cstart, $3  }
0xc1: {  	[dreg:$0x1] =	wrdreg $0xFFFFFFFF  }
0xc2: {  	_ =	task.clear_ibuf [dreg:s7], $0x2FFFF;
	_ =	strace $0x9FFFFFFF  }
0xc3: {  	(tm) =	ssettm $0x7FFFFFFF  }
tec
execute0_lowered:
.L_overlay_start_1:
0x0: {  	(tag) =	ssettag $0x1  }
0x1: {  	s0 =	rddreg [dreg:$0x0]  }
0x2: {  	s2 =	rddreg [dreg:$0x2];
	s1 =	srdreg.scid  }
0x3: {  	s3 =	simm.s32 $0x0;
	s9 =	stileid.u32;
	s8 =	simm.s32 $0x2  }
0x4: {  	s12 =	simm.s32 $0x80;
	s14 =	simm.s32 $0xC80;
	s15 =	simm.s32 $0xD00  }
0x5: {  	s16 =	simm.s32 $0xD80;
	s17 =	simm.s32 $0xE00;
	s18 =	simm.s32 $0xE80  }
0x6: {  	s19 =	simm.s32 $0xF00;
	s20 =	simm.s32 $0xF80;
	s21 =	simm.s32 $0x1000  }
0x7: {  	s22 =	simm.s32 $0x1080;
	s28 =	simm.s32 $0x1280;
	s6 =	smul.u32 $0x50000, s9  }
0x8: {  	s29 =	simm.s32 $0x1380;
	s30 =	simm.s32 $0x1;
	s25 =	smul.u32 $0x500, s9  }
0x9: {  	s31 =	simm.s32 $0x0;
	s1 =	sand.u32 $0x1, s1;
	s13 =	smul.u32 $0x2800, s9  }
0xa: {  	[smem:$0x7FF] =	sst s3;
	s7 =	sadd.s32 $0xE400, s0;
	s4 =	smul.u32 $0x5000, s1  }
0xb: {  	s26 =	sshll.u32 s9, $0x6;
	s5 =	smul.u32 $0x28000, s1;
	_ =	strace $0x80000047  }
0xc: {  	s1 =	ssub.s32 $0x2, s1;
	[dreg:$0x4] =	wrdreg s7;
	s7 =	simm.s32 $0x1400  }
0xd: {  	s9 =	sor.u32 $0x1C02, s26;
	s26 =	simm.s32 $0x1200;
	s23 =	sshrl.u32 s1, $0x1  }
0xe: {  	s24 =	sshrl.u32 s6, $0x2;
	s6 =	simm.s32 $0xB80;
	s4 =	sadd.s32 s4, s0  }
0xf: {  	s0 =	sadd.s32 s5, s0;
	s1 =	ssub.s32 s1, s23;
	s5 =	sadd.s32 s24, s2  }
0x10: {  	s23 =	simm.s32 $0x1100;
	s24 =	simm.s32 $0x1300;
	s4 =	sadd.s32 $0x4400, s4  }
0x11: {  	s0 =	sadd.s32 $0x10C00, s0;
	s1 =	smax.u32 s1, $0x1;
	s10 =	sshrl.u32 s5, $0x3  }
0x12: {  	s5 =	simm.s32 $0xB00;
	[dreg:$0x5] =	wrdreg s1;
	s11 =	sadd.s32 s25, s4  }
0x13: {  	s0 =	sadd.s32 s13, s0;
	s4 =	simm.s32 $0xA00;
	s1 =	simm.s32 $0xA80  }
0x14: {  	s13 =	simm.s32 $0xC00;
	s25 =	simm.s32 $0x1180;
	[dreg:$0x6] =	wrdreg s0  }
.LBB2_1:
0x15: {  	s0 =	rddreg [dreg:$0x1]  }
0x16: {  	[tilespmem:s7], [sflag:$0x2] =	stream.linear.gather [hbm4b:s0+s3], $0x4000, $0x38;
	[tilespmem:$0x19400] =	vst v63  }
0x17: {  	_ =	swait.ge [sflag:s8], $0x4000  }
0x18: {  	[sflag:s8] =	ssyncset.done $0x0  }
0x19: {  	s0 =	rddreg [dreg:$0x4];
	[sflag:s8] =	ssyncadd.s32 $0xFFFFC000  }
0x1a: {  	[spmem:s10], [sflag:s9] =	dma.local [hbm:s0], $0x2800  }
0x1b: {  	_ =	swait.ge [sflag:s8], $0x2800  }
0x1c: {  	[sflag:s8] =	ssyncset.done $0x0  }
0x1d: {  	[sflag:s8] =	ssyncadd.s32 $0xFFFFD800  }
0x1e: {  	[bflag:$0x0] =	sbarrier.arrive $0xFFFF  }
0x1f: {  	[tilespmem:s3], [sflag:$0x2] =	stream.linear.gather [hbm4b:s11+s3], $0x1400, $0x38;
	[tilespmem:$0x19400] =	vst v63  }
0x20: {  	_ =	swait.ge [sflag:s8], $0x1400  }
0x21: {  	[sflag:s8] =	ssyncset.done $0x0  }
0x22: {  	[sflag:s8] =	ssyncadd.s32 $0xFFFFEC00  }
0x23: {  	[spmem:s2] =	stream.indirect.scatter.add.f32 [tilespmem:s7], [sflag:$0x1], $0x80, s3, s12, $0xb8;
	[tilespmem:$0x19400] =	vst v63  }
0x24: {  	_ = 	snop  }
0x25: {  	[spmem:s2] =	stream.indirect.scatter.add.f32 [tilespmem:s7], [sflag:$0x1], $0x80, s12, s12, $0xb8;
	[tilespmem:$0x19400] =	vst v63  }
0x26: {  	s0 =	simm.s32 $0x100  }
0x27: {  	[spmem:s2] =	stream.indirect.scatter.add.f32 [tilespmem:s7], [sflag:$0x1], $0x80, s0, s12, $0xb8;
	[tilespmem:$0x19400] =	vst v63  }
0x28: {  	s0 =	simm.s32 $0x180  }
0x29: {  	[spmem:s2] =	stream.indirect.scatter.add.f32 [tilespmem:s7], [sflag:$0x1], $0x80, s0, s12, $0xb8;
	[tilespmem:$0x19400] =	vst v63  }
0x2a: {  	s0 =	simm.s32 $0x200  }
0x2b: {  	[spmem:s2] =	stream.indirect.scatter.add.f32 [tilespmem:s7], [sflag:$0x1], $0x80, s0, s12, $0xb8;
	[tilespmem:$0x19400] =	vst v63  }
0x2c: {  	s0 =	simm.s32 $0x280  }
0x2d: {  	[spmem:s2] =	stream.indirect.scatter.add.f32 [tilespmem:s7], [sflag:$0x1], $0x80, s0, s12, $0xb8;
	[tilespmem:$0x19400] =	vst v63  }
0x2e: {  	s0 =	simm.s32 $0x300  }
0x2f: {  	[spmem:s2] =	stream.indirect.scatter.add.f32 [tilespmem:s7], [sflag:$0x1], $0x80, s0, s12, $0xb8;
	[tilespmem:$0x19400] =	vst v63  }
0x30: {  	s0 =	simm.s32 $0x380  }
0x31: {  	[spmem:s2] =	stream.indirect.scatter.add.f32 [tilespmem:s7], [sflag:$0x1], $0x80, s0, s12, $0xb8;
	[tilespmem:$0x19400] =	vst v63  }
0x32: {  	s0 =	simm.s32 $0x400  }
0x33: {  	[spmem:s2] =	stream.indirect.scatter.add.f32 [tilespmem:s7], [sflag:$0x1], $0x80, s0, s12, $0xb8;
	[tilespmem:$0x19400] =	vst v63  }
0x34: {  	s0 =	simm.s32 $0x480  }
0x35: {  	[spmem:s2] =	stream.indirect.scatter.add.f32 [tilespmem:s7], [sflag:$0x1], $0x80, s0, s12, $0xb8;
	[tilespmem:$0x19400] =	vst v63  }
0x36: {  	s0 =	simm.s32 $0x500  }
0x37: {  	[spmem:s2] =	stream.indirect.scatter.add.f32 [tilespmem:s7], [sflag:$0x1], $0x80, s0, s12, $0xb8;
	[tilespmem:$0x19400] =	vst v63  }
0x38: {  	s0 =	simm.s32 $0x580  }
0x39: {  	[spmem:s2] =	stream.indirect.scatter.add.f32 [tilespmem:s7], [sflag:$0x1], $0x80, s0, s12, $0xb8;
	[tilespmem:$0x19400] =	vst v63  }
0x3a: {  	s0 =	simm.s32 $0x600  }
0x3b: {  	[spmem:s2] =	stream.indirect.scatter.add.f32 [tilespmem:s7], [sflag:$0x1], $0x80, s0, s12, $0xb8;
	[tilespmem:$0x19400] =	vst v63  }
0x3c: {  	s0 =	simm.s32 $0x680  }
0x3d: {  	[spmem:s2] =	stream.indirect.scatter.add.f32 [tilespmem:s7], [sflag:$0x1], $0x80, s0, s12, $0xb8;
	[tilespmem:$0x19400] =	vst v63  }
0x3e: {  	s0 =	simm.s32 $0x700  }
0x3f: {  	[spmem:s2] =	stream.indirect.scatter.add.f32 [tilespmem:s7], [sflag:$0x1], $0x80, s0, s12, $0xb8;
	[tilespmem:$0x19400] =	vst v63  }
0x40: {  	s0 =	simm.s32 $0x780  }
0x41: {  	[spmem:s2] =	stream.indirect.scatter.add.f32 [tilespmem:s7], [sflag:$0x1], $0x80, s0, s12, $0xb8;
	[tilespmem:$0x19400] =	vst v63  }
0x42: {  	s0 =	simm.s32 $0x800  }
0x43: {  	[spmem:s2] =	stream.indirect.scatter.add.f32 [tilespmem:s7], [sflag:$0x1], $0x80, s0, s12, $0xb8;
	[tilespmem:$0x19400] =	vst v63  }
0x44: {  	s0 =	simm.s32 $0x880  }
0x45: {  	[spmem:s2] =	stream.indirect.scatter.add.f32 [tilespmem:s7], [sflag:$0x1], $0x80, s0, s12, $0xb8;
	[tilespmem:$0x19400] =	vst v63  }
0x46: {  	s0 =	simm.s32 $0x900  }
0x47: {  	[spmem:s2] =	stream.indirect.scatter.add.f32 [tilespmem:s7], [sflag:$0x1], $0x80, s0, s12, $0xb8;
	[tilespmem:$0x19400] =	vst v63  }
0x48: {  	s0 =	simm.s32 $0x980  }
0x49: {  	[spmem:s2] =	stream.indirect.scatter.add.f32 [tilespmem:s7], [sflag:$0x1], $0x80, s0, s12, $0xb8;
	[tilespmem:$0x19400] =	vst v63  }
0x4a: {  	_ = 	snop  }
0x4b: {  	[spmem:s2] =	stream.indirect.scatter.add.f32 [tilespmem:s7], [sflag:$0x1], $0x80, s4, s12, $0xb8;
	[tilespmem:$0x19400] =	vst v63  }
0x4c: {  	_ = 	snop  }
0x4d: {  	[spmem:s2] =	stream.indirect.scatter.add.f32 [tilespmem:s7], [sflag:$0x1], $0x80, s1, s12, $0xb8;
	[tilespmem:$0x19400] =	vst v63  }
0x4e: {  	_ = 	snop  }
0x4f: {  	[spmem:s2] =	stream.indirect.scatter.add.f32 [tilespmem:s7], [sflag:$0x1], $0x80, s5, s12, $0xb8;
	[tilespmem:$0x19400] =	vst v63  }
0x50: {  	_ = 	snop  }
0x51: {  	[spmem:s2] =	stream.indirect.scatter.add.f32 [tilespmem:s7], [sflag:$0x1], $0x80, s6, s12, $0xb8;
	[tilespmem:$0x19400] =	vst v63  }
0x52: {  	_ = 	snop  }
0x53: {  	[spmem:s2] =	stream.indirect.scatter.add.f32 [tilespmem:s7], [sflag:$0x1], $0x80, s13, s12, $0xb8;
	[tilespmem:$0x19400] =	vst v63  }
0x54: {  	_ = 	snop  }
0x55: {  	[spmem:s2] =	stream.indirect.scatter.add.f32 [tilespmem:s7], [sflag:$0x1], $0x80, s14, s12, $0xb8;
	[tilespmem:$0x19400] =	vst v63  }
0x56: {  	_ = 	snop  }
0x57: {  	[spmem:s2] =	stream.indirect.scatter.add.f32 [tilespmem:s7], [sflag:$0x1], $0x80, s15, s12, $0xb8;
	[tilespmem:$0x19400] =	vst v63  }
0x58: {  	_ = 	snop  }
0x59: {  	[spmem:s2] =	stream.indirect.scatter.add.f32 [tilespmem:s7], [sflag:$0x1], $0x80, s16, s12, $0xb8;
	[tilespmem:$0x19400] =	vst v63  }
0x5a: {  	_ = 	snop  }
0x5b: {  	[spmem:s2] =	stream.indirect.scatter.add.f32 [tilespmem:s7], [sflag:$0x1], $0x80, s17, s12, $0xb8;
	[tilespmem:$0x19400] =	vst v63  }
0x5c: {  	_ = 	snop  }
0x5d: {  	[spmem:s2] =	stream.indirect.scatter.add.f32 [tilespmem:s7], [sflag:$0x1], $0x80, s18, s12, $0xb8;
	[tilespmem:$0x19400] =	vst v63  }
0x5e: {  	_ = 	snop  }
0x5f: {  	[spmem:s2] =	stream.indirect.scatter.add.f32 [tilespmem:s7], [sflag:$0x1], $0x80, s19, s12, $0xb8;
	[tilespmem:$0x19400] =	vst v63  }
0x60: {  	_ = 	snop  }
0x61: {  	[spmem:s2] =	stream.indirect.scatter.add.f32 [tilespmem:s7], [sflag:$0x1], $0x80, s20, s12, $0xb8;
	[tilespmem:$0x19400] =	vst v63  }
0x62: {  	_ = 	snop  }
0x63: {  	[spmem:s2] =	stream.indirect.scatter.add.f32 [tilespmem:s7], [sflag:$0x1], $0x80, s21, s12, $0xb8;
	[tilespmem:$0x19400] =	vst v63  }
0x64: {  	_ = 	snop  }
0x65: {  	[spmem:s2] =	stream.indirect.scatter.add.f32 [tilespmem:s7], [sflag:$0x1], $0x80, s22, s12, $0xb8;
	[tilespmem:$0x19400] =	vst v63  }
0x66: {  	_ = 	snop  }
0x67: {  	[spmem:s2] =	stream.indirect.scatter.add.f32 [tilespmem:s7], [sflag:$0x1], $0x80, s23, s12, $0xb8;
	[tilespmem:$0x19400] =	vst v63  }
0x68: {  	_ = 	snop  }
0x69: {  	[spmem:s2] =	stream.indirect.scatter.add.f32 [tilespmem:s7], [sflag:$0x1], $0x80, s25, s12, $0xb8;
	[tilespmem:$0x19400] =	vst v63  }
0x6a: {  	_ = 	snop  }
0x6b: {  	[spmem:s2] =	stream.indirect.scatter.add.f32 [tilespmem:s7], [sflag:$0x1], $0x80, s26, s12, $0xb8;
	[tilespmem:$0x19400] =	vst v63  }
0x6c: {  	_ = 	snop  }
0x6d: {  	[spmem:s2] =	stream.indirect.scatter.add.f32 [tilespmem:s7], [sflag:$0x1], $0x80, s28, s12, $0xb8;
	[tilespmem:$0x19400] =	vst v63  }
0x6e: {  	_ = 	snop  }
0x6f: {  	[spmem:s2] =	stream.indirect.scatter.add.f32 [tilespmem:s7], [sflag:$0x1], $0x80, s24, s12, $0xb8;
	[tilespmem:$0x19400] =	vst v63  }
0x70: {  	_ = 	snop  }
0x71: {  	[spmem:s2] =	stream.indirect.scatter.add.f32 [tilespmem:s7], [sflag:$0x1], $0x80, s29, s12, $0xb8;
	[tilespmem:$0x19400] =	vst v63  }
0x72: {  	_ =	swait.ge [sflag:s30], $0x4000  }
0x73: {  	s0 =	simm.s32 $0x27;
	[sflag:s30] =	ssyncset.done $0x0  }
.LBB2_2:
0x74: {  	p0 =	sne.s32 s0, $0x1;
	s0 =	sadd.s32 $0xFFFFFFFF, s0;
	[sflag:s30] =	ssyncadd.s32 $0xFFFFC000  }
.Ltmp0:
0x75: {  	(pc) =	sbr.rel @p0 .LBB2_2-.Ltmp0, $3  }
0x76: {  	_ =	sdelay $0x1  }
0x77: {  	_ =	swait.ge [sflag:s30], $0x4000  }
0x78: {  	[sflag:s30] =	ssyncset.done $0x0  }
0x79: {  	[sflag:s30] =	ssyncadd.s32 $0xFFFFC000;
	s0 =	sadd.s32 $0x280, s11  }
0x7a: {  	[tilespmem:s3], [sflag:$0x2] =	stream.linear.gather [hbm4b:s0+s3], $0x1400, $0x38;
	[tilespmem:$0x19400] =	vst v63  }
0x7b: {  	_ =	swait.ge [sflag:s8], $0x1400  }
0x7c: {  	[sflag:s8] =	ssyncset.done $0x0  }
0x7d: {  	[sflag:s8] =	ssyncadd.s32 $0xFFFFEC00  }
0x7e: {  	[spmem:s2] =	stream.indirect.scatter.add.f32 [tilespmem:s7], [sflag:$0x1], $0x80, s3, s12, $0xb8;
	[tilespmem:$0x19400] =	vst v63  }
0x7f: {  	_ = 	snop  }
0x80: {  	[spmem:s2] =	stream.indirect.scatter.add.f32 [tilespmem:s7], [sflag:$0x1], $0x80, s12, s12, $0xb8;
	[tilespmem:$0x19400] =	vst v63  }
0x81: {  	s0 =	simm.s32 $0x100  }
0x82: {  	[spmem:s2] =	stream.indirect.scatter.add.f32 [tilespmem:s7], [sflag:$0x1], $0x80, s0, s12, $0xb8;
	[tilespmem:$0x19400] =	vst v63  }
0x83: {  	s0 =	simm.s32 $0x180  }
0x84: {  	[spmem:s2] =	stream.indirect.scatter.add.f32 [tilespmem:s7], [sflag:$0x1], $0x80, s0, s12, $0xb8;
	[tilespmem:$0x19400] =	vst v63  }
0x85: {  	s0 =	simm.s32 $0x200  }
0x86: {  	[spmem:s2] =	stream.indirect.scatter.add.f32 [tilespmem:s7], [sflag:$0x1], $0x80, s0, s12, $0xb8;
	[tilespmem:$0x19400] =	vst v63  }
0x87: {  	s0 =	simm.s32 $0x280  }
0x88: {  	[spmem:s2] =	stream.indirect.scatter.add.f32 [tilespmem:s7], [sflag:$0x1], $0x80, s0, s12, $0xb8;
	[tilespmem:$0x19400] =	vst v63  }
0x89: {  	s0 =	simm.s32 $0x300  }
0x8a: {  	[spmem:s2] =	stream.indirect.scatter.add.f32 [tilespmem:s7], [sflag:$0x1], $0x80, s0, s12, $0xb8;
	[tilespmem:$0x19400] =	vst v63  }
0x8b: {  	s0 =	simm.s32 $0x380  }
0x8c: {  	[spmem:s2] =	stream.indirect.scatter.add.f32 [tilespmem:s7], [sflag:$0x1], $0x80, s0, s12, $0xb8;
	[tilespmem:$0x19400] =	vst v63  }
0x8d: {  	s0 =	simm.s32 $0x400  }
0x8e: {  	[spmem:s2] =	stream.indirect.scatter.add.f32 [tilespmem:s7], [sflag:$0x1], $0x80, s0, s12, $0xb8;
	[tilespmem:$0x19400] =	vst v63  }
0x8f: {  	s0 =	simm.s32 $0x480  }
0x90: {  	[spmem:s2] =	stream.indirect.scatter.add.f32 [tilespmem:s7], [sflag:$0x1], $0x80, s0, s12, $0xb8;
	[tilespmem:$0x19400] =	vst v63  }
0x91: {  	s0 =	simm.s32 $0x500  }
0x92: {  	[spmem:s2] =	stream.indirect.scatter.add.f32 [tilespmem:s7], [sflag:$0x1], $0x80, s0, s12, $0xb8;
	[tilespmem:$0x19400] =	vst v63  }
0x93: {  	s0 =	simm.s32 $0x580  }
0x94: {  	[spmem:s2] =	stream.indirect.scatter.add.f32 [tilespmem:s7], [sflag:$0x1], $0x80, s0, s12, $0xb8;
	[tilespmem:$0x19400] =	vst v63  }
0x95: {  	s0 =	simm.s32 $0x600  }
0x96: {  	[spmem:s2] =	stream.indirect.scatter.add.f32 [tilespmem:s7], [sflag:$0x1], $0x80, s0, s12, $0xb8;
	[tilespmem:$0x19400] =	vst v63  }
0x97: {  	s0 =	simm.s32 $0x680  }
0x98: {  	[spmem:s2] =	stream.indirect.scatter.add.f32 [tilespmem:s7], [sflag:$0x1], $0x80, s0, s12, $0xb8;
	[tilespmem:$0x19400] =	vst v63  }
0x99: {  	s0 =	simm.s32 $0x700  }
0x9a: {  	[spmem:s2] =	stream.indirect.scatter.add.f32 [tilespmem:s7], [sflag:$0x1], $0x80, s0, s12, $0xb8;
	[tilespmem:$0x19400] =	vst v63  }
0x9b: {  	s0 =	simm.s32 $0x780  }
0x9c: {  	[spmem:s2] =	stream.indirect.scatter.add.f32 [tilespmem:s7], [sflag:$0x1], $0x80, s0, s12, $0xb8;
	[tilespmem:$0x19400] =	vst v63  }
0x9d: {  	s0 =	simm.s32 $0x800  }
0x9e: {  	[spmem:s2] =	stream.indirect.scatter.add.f32 [tilespmem:s7], [sflag:$0x1], $0x80, s0, s12, $0xb8;
	[tilespmem:$0x19400] =	vst v63  }
0x9f: {  	s0 =	simm.s32 $0x880  }
0xa0: {  	[spmem:s2] =	stream.indirect.scatter.add.f32 [tilespmem:s7], [sflag:$0x1], $0x80, s0, s12, $0xb8;
	[tilespmem:$0x19400] =	vst v63  }
0xa1: {  	s0 =	simm.s32 $0x900  }
0xa2: {  	[spmem:s2] =	stream.indirect.scatter.add.f32 [tilespmem:s7], [sflag:$0x1], $0x80, s0, s12, $0xb8;
	[tilespmem:$0x19400] =	vst v63  }
0xa3: {  	s0 =	simm.s32 $0x980  }
0xa4: {  	[spmem:s2] =	stream.indirect.scatter.add.f32 [tilespmem:s7], [sflag:$0x1], $0x80, s0, s12, $0xb8;
	[tilespmem:$0x19400] =	vst v63  }
0xa5: {  	_ = 	snop  }
0xa6: {  	[spmem:s2] =	stream.indirect.scatter.add.f32 [tilespmem:s7], [sflag:$0x1], $0x80, s4, s12, $0xb8;
	[tilespmem:$0x19400] =	vst v63  }
0xa7: {  	_ = 	snop  }
0xa8: {  	[spmem:s2] =	stream.indirect.scatter.add.f32 [tilespmem:s7], [sflag:$0x1], $0x80, s1, s12, $0xb8;
	[tilespmem:$0x19400] =	vst v63  }
0xa9: {  	_ = 	snop  }
0xaa: {  	[spmem:s2] =	stream.indirect.scatter.add.f32 [tilespmem:s7], [sflag:$0x1], $0x80, s5, s12, $0xb8;
	[tilespmem:$0x19400] =	vst v63  }
0xab: {  	_ = 	snop  }
0xac: {  	[spmem:s2] =	stream.indirect.scatter.add.f32 [tilespmem:s7], [sflag:$0x1], $0x80, s6, s12, $0xb8;
	[tilespmem:$0x19400] =	vst v63  }
0xad: {  	_ = 	snop  }
0xae: {  	[spmem:s2] =	stream.indirect.scatter.add.f32 [tilespmem:s7], [sflag:$0x1], $0x80, s13, s12, $0xb8;
	[tilespmem:$0x19400] =	vst v63  }
0xaf: {  	_ = 	snop  }
0xb0: {  	[spmem:s2] =	stream.indirect.scatter.add.f32 [tilespmem:s7], [sflag:$0x1], $0x80, s14, s12, $0xb8;
	[tilespmem:$0x19400] =	vst v63  }
0xb1: {  	_ = 	snop  }
0xb2: {  	[spmem:s2] =	stream.indirect.scatter.add.f32 [tilespmem:s7], [sflag:$0x1], $0x80, s15, s12, $0xb8;
	[tilespmem:$0x19400] =	vst v63  }
0xb3: {  	_ = 	snop  }
0xb4: {  	[spmem:s2] =	stream.indirect.scatter.add.f32 [tilespmem:s7], [sflag:$0x1], $0x80, s16, s12, $0xb8;
	[tilespmem:$0x19400] =	vst v63  }
0xb5: {  	_ = 	snop  }
0xb6: {  	[spmem:s2] =	stream.indirect.scatter.add.f32 [tilespmem:s7], [sflag:$0x1], $0x80, s17, s12, $0xb8;
	[tilespmem:$0x19400] =	vst v63  }
0xb7: {  	_ = 	snop  }
0xb8: {  	[spmem:s2] =	stream.indirect.scatter.add.f32 [tilespmem:s7], [sflag:$0x1], $0x80, s18, s12, $0xb8;
	[tilespmem:$0x19400] =	vst v63  }
0xb9: {  	_ = 	snop  }
0xba: {  	[spmem:s2] =	stream.indirect.scatter.add.f32 [tilespmem:s7], [sflag:$0x1], $0x80, s19, s12, $0xb8;
	[tilespmem:$0x19400] =	vst v63  }
0xbb: {  	_ = 	snop  }
0xbc: {  	[spmem:s2] =	stream.indirect.scatter.add.f32 [tilespmem:s7], [sflag:$0x1], $0x80, s20, s12, $0xb8;
	[tilespmem:$0x19400] =	vst v63  }
0xbd: {  	_ = 	snop  }
0xbe: {  	[spmem:s2] =	stream.indirect.scatter.add.f32 [tilespmem:s7], [sflag:$0x1], $0x80, s21, s12, $0xb8;
	[tilespmem:$0x19400] =	vst v63  }
0xbf: {  	_ = 	snop  }
0xc0: {  	[spmem:s2] =	stream.indirect.scatter.add.f32 [tilespmem:s7], [sflag:$0x1], $0x80, s22, s12, $0xb8;
	[tilespmem:$0x19400] =	vst v63  }
0xc1: {  	_ = 	snop  }
0xc2: {  	[spmem:s2] =	stream.indirect.scatter.add.f32 [tilespmem:s7], [sflag:$0x1], $0x80, s23, s12, $0xb8;
	[tilespmem:$0x19400] =	vst v63  }
0xc3: {  	_ = 	snop  }
0xc4: {  	[spmem:s2] =	stream.indirect.scatter.add.f32 [tilespmem:s7], [sflag:$0x1], $0x80, s25, s12, $0xb8;
	[tilespmem:$0x19400] =	vst v63  }
0xc5: {  	_ = 	snop  }
0xc6: {  	[spmem:s2] =	stream.indirect.scatter.add.f32 [tilespmem:s7], [sflag:$0x1], $0x80, s26, s12, $0xb8;
	[tilespmem:$0x19400] =	vst v63  }
0xc7: {  	_ = 	snop  }
0xc8: {  	[spmem:s2] =	stream.indirect.scatter.add.f32 [tilespmem:s7], [sflag:$0x1], $0x80, s28, s12, $0xb8;
	[tilespmem:$0x19400] =	vst v63  }
0xc9: {  	_ = 	snop  }
0xca: {  	[spmem:s2] =	stream.indirect.scatter.add.f32 [tilespmem:s7], [sflag:$0x1], $0x80, s24, s12, $0xb8;
	[tilespmem:$0x19400] =	vst v63  }
0xcb: {  	_ = 	snop  }
0xcc: {  	[spmem:s2] =	stream.indirect.scatter.add.f32 [tilespmem:s7], [sflag:$0x1], $0x80, s29, s12, $0xb8;
	[tilespmem:$0x19400] =	vst v63  }
0xcd: {  	_ =	swait.ge [sflag:s30], $0x4000  }
0xce: {  	s0 =	simm.s32 $0x27;
	[sflag:s30] =	ssyncset.done $0x0  }
.LBB2_4:
0xcf: {  	p0 =	sne.s32 s0, $0x1;
	s0 =	sadd.s32 $0xFFFFFFFF, s0;
	[sflag:s30] =	ssyncadd.s32 $0xFFFFC000  }
.Ltmp1:
0xd0: {  	(pc) =	sbr.rel @p0 .LBB2_4-.Ltmp1, $3  }
0xd1: {  	_ =	sdelay $0x1  }
0xd2: {  	_ =	swait.ge [sflag:s30], $0x4000  }
0xd3: {  	[sflag:s30] =	ssyncset.done $0x0  }
0xd4: {  	[sflag:s30] =	ssyncadd.s32 $0xFFFFC000  }
0xd5: {  	[bflag:$0x0] =	sbarrier.arrive $0xFFFF  }
0xd6: {  	s0 =	rddreg [dreg:$0x6]  }
0xd7: {  	[hbm:s0], [sflag:s9] =	dma.local [spmem:s10], $0x2800  }
0xd8: {  	_ =	swait.ge [sflag:s8], $0x2800  }
0xd9: {  	s31 =	sadd.s32 $0x1, s31;
	s0 =	rddreg [dreg:$0x5]  }
0xda: {  	p0 =	sne.s32 s31, s0  }
.Ltmp2:
0xdb: {  	_ = 	snop;
	(pc) =	sbr.rel @p0 .LBB2_1-.Ltmp2, $3  }
0xdc: {  	_ =	sdelay $0x1  }
0xdd: {  	[sflag:s8] =	ssyncset.done $0x0  }
0xde: {  	[sflag:s8] =	ssyncadd.s32 $0xFFFFD800  }
0xdf: {  	_ =	sfence.sel $0x180000  }
0xe0: {  	[bflag:$0x0] =	sbarrier.arrive $0xFFFF  }
0xe1: {  	_ =	strace $0x90000047  }
0xe2: {  	s0 =	stileid.u32;
	[bflag:$0x2] =	sbarrier.arrive $0xFFFF  }
0xe3: {  	p0 =	sne.s32 s0, $0x0;
	s0 =	rddreg [dreg:$0x3]  }
0xe4: {  	s0 =	sadd.s32 @!p0 $0x100000, s0  }
0xe5: {  	[sflag:s0] =	ssyncadd.tile.s32 @!p0 $0x1;
	_ =	shalt  }
.Lfunc_end2:
_tile_overlayer_lowered:
.L_overlay_start_2:
0xe6: {  	(tag) =	ssettag $0x2  }
0xe7: {  	s0 =	rddreg [dreg:$0x0];
	s2 =	stileid.u32  }
0xe8: {  	s1 =	rddreg [dreg:$0x1];
	p0 =	sne.s32 s2, $0x0  }
0xe9: {  	s3 =	rddreg [dreg:$0x2];
	[bflag:$0x3] =	sbarrier.arrive $0xFFFF;
	s2 =	simm.s32 @!p0 $0x1C02  }
0xea: {  	[timem:s3], [sflag:s2] =	dma.local @!p0 [hbm:s0], s1  }
0xeb: {  	s0 =	simm.s32 @!p0 $0x2  }
0xec: {  	_ =	swait.ge @!p0 [sflag:s0], s1  }
0xed: {  	s1 =	ssub.s32 @!p0 $0x0, s1;
	[sflag:s0] =	ssyncset.done @!p0 $0x0  }
0xee: {  	[sflag:s0] =	ssyncadd.s32 @!p0 s1  }
0xef: {  	[bflag:$0x3] =	sbarrier.arrive $0xFFFF  }
0xf0: {  	_ =	shalt  }

// kernel: kernel.15.cloned.1.call-start
scs
__scs_entry_jumppad:
0x0: {  	(pc) =	sbr.rel $0x88, $3  }
0x1: {  	(tag) =	ssettag $0x0;
	lr =	simm.s32 $0x1  }
0x2: {  	[smem:$0x3F91] =	sst lr;
	_ =	strace $0xD0000000  }
0x3: {  	_ = 	snop  }
0x4: {  	_ = 	snop  }
0x5: {  	_ = 	snop  }
0x6: {  	_ = 	snop  }
0x7: {  	_ = 	snop  }
__scs_overlays_trampoline_lowered:
0x8: {  	[smem:$0x3FA0] =	sst s0  }
0x9: {  	[smem:$0x3FA1] =	sst s1  }
0xa: {  	[smem:$0x3FA2] =	sst s2  }
0xb: {  	[smem:$0x3FA3] =	sst s3  }
0xc: {  	[smem:$0x3FA4] =	sst s4  }
0xd: {  	[smem:$0x3FA5] =	sst s5  }
0xe: {  	[smem:$0x3FA6] =	sst s6  }
0xf: {  	[smem:$0x3FA7] =	sst s7  }
0x10: {  	[smem:$0x3FA8] =	sst s8  }
0x11: {  	[smem:$0x3FA9] =	sst s9;
	s0 =	simm.s32 @!p0 $0x0  }
0x12: {  	s1 =	sld [smem:$0x3F8F];
	s0 =	simm.s32 @p0 $0x1  }
0x13: {  	[smem:$0x3FAA] =	sst s0;
	s0 =	simm.s32 @!p1 $0x0  }
0x14: {  	s2 =	sld [smem:$0x3F8E];
	s0 =	simm.s32 @p1 $0x1  }
0x15: {  	[smem:$0x3FAB] =	sst s0;
	s0 =	simm.s32 @!p2 $0x0  }
0x16: {  	s3 =	sld [smem:$0x3FDB];
	s0 =	simm.s32 @p2 $0x1  }
0x17: {  	s4 =	simm.s32 $0x1BF5;
	[smem:$0x3FAD] =	sst s0  }
0x18: {  	s0 =	sld [smem:$0x3F90];
	_ =	swait.ge [sflag:s4], $0x0  }
0x19: {  	s7 =	sld [smem:$0x3F91]  }
0x1a: {  	s8 =	sadd.s32 $0xFFFFE003, lr  }
0x1b: {  	s9 =	sadd.s32 $0xFFFFFEF7, lr;
	s5 =	simm.s32 $0xFFFFFFFF;
	p2 =	slt.u32 s8, $0xFFFFF086  }
0x1c: {  	p1 =	slt.u32 s9, $0xF7A;
	s5 =	simm.s32 @!p2 $0x0  }
0x1d: {  	s5 =	simm.s32 @p1 $0x1;
	p0 =	seq.s32 s7, s2  }
0x1e: {  	s7 =	smul.u32 @!p0 $0xF7A, s2;
	p2 =	seq.s32 @!p0 s5, $0x0  }
0x1f: {  	s9 =	smul.u32 $0xF7A, s1;
	s8 =	simm.s32 @!p0 $0x1BF5;
	p2 =	por !p2, p0  }
0x20: {  	[sflag:s8] =	ssyncset.s32 @!p0 $0xFFFFF086;
	s6 =	sadd.s32 @!p0 s3, s7;
	s7 =	simm.s32 @!p0 $0x108  }
0x21: {  	s3 =	sadd.s32 s3, s9;
	s6 =	sadd.s32 @!p0 $0x88, s6;
	s7 =	simm.s32 @p2 $0x1082  }
0x22: {  	[simem:s7], [sflag:s8] =	dma.local @!p0 [hbm:s6], $0xF7A  }
0x23: {  	s9 =	sor.u32 $0xD0000000, s2;
	s6 =	simm.s32 $0x108;
	_ =	swait.ge @!p0 [sflag:s8], $0x0  }
0x24: {  	s3 =	sadd.s32 $0x88, s3;
	s6 =	simm.s32 @!p1 $0x1082;
	[sflag:s4] =	ssyncset.s32 $0xFFFFF086  }
0x25: {  	[simem:s6], [sflag:s4] =	dma.local [hbm:s3], $0xF7A  }
0x26: {  	[smem:$0x3F91] =	sst s1;
	(tag) =	ssettag s2;
	_ =	strace s9  }
0x27: {  	s1 =	sld [smem:$0x3FA1]  }
0x28: {  	s2 =	sld [smem:$0x3FA2]  }
0x29: {  	s4 =	sld [smem:$0x3FA4]  }
0x2a: {  	p0 =	seq.s32 s5, $0x0;
	s5 =	sld [smem:$0x3FA5]  }
0x2b: {  	s6 =	sld [smem:$0x3FA6]  }
0x2c: {  	s7 =	sld [smem:$0x3FA7]  }
0x2d: {  	s3 =	simm.s32 $0x108;
	s8 =	sld [smem:$0x3FA8]  }
0x2e: {  	s3 =	simm.s32 @!p0 $0x1082;
	s9 =	sld [smem:$0x3FA9]  }
0x2f: {  	lr =	sadd.s32 s0, s3;
	s0 =	sld [smem:$0x3FA0]  }
0x30: {  	s3 =	sld [smem:$0x3FA3]  }
0x31: {  	[smem:$0x3FAC] =	sst s10  }
0x32: {  	s10 =	sld [smem:$0x3FAA];
	_ =	sdelay $0x3  }
0x33: {  	p0 =	seq.s32 s10, $0x1;
	s10 =	sld [smem:$0x3FAC];
	_ =	sdelay $0x3  }
0x34: {  	[smem:$0x3FAC] =	sst s10  }
0x35: {  	s10 =	sld [smem:$0x3FAB];
	_ =	sdelay $0x3  }
0x36: {  	p1 =	seq.s32 s10, $0x1;
	s10 =	sld [smem:$0x3FAC];
	_ =	sdelay $0x3  }
0x37: {  	[smem:$0x3FAC] =	sst s10  }
0x38: {  	s10 =	sld [smem:$0x3FAD]  }
0x39: {  	_ = 	snop;
	(pc) =	sbr.ind lr, $3  }
0x3a: {  	_ = 	snop  }
0x3b: {  	_ = 	snop  }
0x3c: {  	p2 =	seq.s32 s10, $0x1;
	s10 =	sld [smem:$0x3FAC]  }
0x3d: {  	_ =	shalt  }
0x3e: {  	_ =	shalt  }
0x3f: {  	_ =	shalt  }
0x40: {  	_ =	shalt  }
0x41: {  	_ =	shalt  }
0x42: {  	_ =	shalt  }
0x43: {  	_ =	shalt  }
0x44: {  	_ =	shalt  }
0x45: {  	_ =	shalt  }
0x46: {  	_ =	shalt  }
0x47: {  	_ =	shalt  }
0x48: {  	_ =	shalt  }
0x49: {  	_ =	shalt  }
0x4a: {  	_ =	shalt  }
0x4b: {  	_ =	shalt  }
0x4c: {  	_ =	shalt  }
0x4d: {  	_ =	shalt  }
0x4e: {  	_ =	shalt  }
0x4f: {  	_ =	shalt  }
0x50: {  	_ =	shalt  }
0x51: {  	_ =	shalt  }
0x52: {  	_ =	shalt  }
0x53: {  	_ =	shalt  }
0x54: {  	_ =	shalt  }
0x55: {  	_ =	shalt  }
0x56: {  	_ =	shalt  }
0x57: {  	_ =	shalt  }
0x58: {  	_ =	shalt  }
0x59: {  	_ =	shalt  }
0x5a: {  	_ =	shalt  }
0x5b: {  	_ =	shalt  }
0x5c: {  	_ =	shalt  }
0x5d: {  	_ =	shalt  }
0x5e: {  	_ =	shalt  }
0x5f: {  	_ =	shalt  }
0x60: {  	_ =	shalt  }
0x61: {  	_ =	shalt  }
0x62: {  	_ =	shalt  }
0x63: {  	_ =	shalt  }
0x64: {  	_ =	shalt  }
0x65: {  	_ =	shalt  }
0x66: {  	_ =	shalt  }
0x67: {  	_ =	shalt  }
0x68: {  	_ =	shalt  }
0x69: {  	_ =	shalt  }
0x6a: {  	_ =	shalt  }
0x6b: {  	_ =	shalt  }
0x6c: {  	_ =	shalt  }
0x6d: {  	_ =	shalt  }
0x6e: {  	_ =	shalt  }
0x6f: {  	_ =	shalt  }
0x70: {  	_ =	shalt  }
0x71: {  	_ =	shalt  }
0x72: {  	_ =	shalt  }
0x73: {  	_ =	shalt  }
0x74: {  	_ =	shalt  }
0x75: {  	_ =	shalt  }
0x76: {  	_ =	shalt  }
0x77: {  	_ =	shalt  }
0x78: {  	_ =	shalt  }
0x79: {  	_ =	shalt  }
0x7a: {  	_ =	shalt  }
0x7b: {  	_ =	shalt  }
0x7c: {  	_ =	shalt  }
0x7d: {  	_ =	shalt  }
0x7e: {  	_ =	shalt  }
0x7f: {  	_ =	shalt  }
0x80: {  	_ =	shalt  }
0x81: {  	_ =	shalt  }
0x82: {  	_ =	shalt  }
0x83: {  	_ =	shalt  }
0x84: {  	_ =	shalt  }
0x85: {  	_ =	shalt  }
0x86: {  	_ =	shalt  }
0x87: {  	_ =	shalt  }
.Lfunc_end0:
.L_simem_size_0:
called_computation.1_lowered:
.L_overlay_start_0:
0x88: {  	s2 =	sld [smem:$0x3FD9]  }
0x89: {  	s3 =	sld [smem:$0x3FFE];
	_ =	sdelay $0x1  }
0x8a: {  	s1 =	srdreg.scid  }
0x8b: {  	s0 =	sand.u32 $0x1, s1  }
0x8c: {  	s16 =	sshll.u32 s0, $0xA;
	s2 =	sadd.s32 s3, s2  }
0x8d: {  	s2 =	sadd.s32 s2, s16  }
0x8e: {  	[smem:$0x3FB8] =	sst s2  }
0x8f: {  	_ = 	snop  }
0x90: {  	(tm) =	ssettm $0x1  }
0x91: {  	s17 =	sld [smem:$0x3FFB];
	_ =	sdelay $0x3  }
0x92: {  	_ =	strace s17  }
0x93: {  	s2 =	sld [smem:$0x3FFC];
	_ =	sdelay $0x3  }
0x94: {  	_ =	strace s2  }
0x95: {  	s2 =	sld [smem:$0x3FFD];
	_ =	sdelay $0x3  }
0x96: {  	_ =	strace s2  }
0x97: {  	_ =	strace $0x8FFFFFFF  }
0x98: {  	s18 =	sld [smem:$0x3FDB];
	_ =	sdelay $0x1  }
0x99: {  	s19 =	simm.s32 $_scs_section_size  }
0x9a: {  	s4 =	simm.s32 $_size__tile_overlayer_lowered;
	s5 =	simm.s32 $_tile_overlayer_lowered  }
0x9b: {  	s22 =	simm.s32 $0x1BFF;
	s21 =	sshll.u32 s5, $0x1;
	s2 =	sadd.s32 s19, s18  }
0x9c: {  	s6 =	simm.s32 $0x0;
	s20 =	sshll.u32 s4, $0x1;
	s4 =	sadd.s32 s21, s2  }
0x9d: {  	[timem:s6], [sflag:s22] =	dma.local [hbm:s4], s20  }
0x9e: {  	_ =	swait.ge [sflag:s22], s20  }
0x9f: {  	s3 =	ssub.s32 $0x0, s20;
	[sflag:s22] =	ssyncset.done $0x0  }
0xa0: {  	[sflag:s22] =	ssyncadd.s32 s3;
	_ =	sdelay $0x1  }
0xa1: {  	s23 =	simm.s32 $0x1B8B  }
0xa2: {  	_ =	swait.ge [sflag:s23], $0x1  }
0xa3: {  	[sflag:s23] =	ssyncset.done $0x0  }
0xa4: {  	s25 =	simm.s32 $0x1B8E;
	s24 =	sld [smem:$0x3FFE];
	[sflag:s23] =	ssyncadd.s32 $0xFFFFFFFF  }
0xa5: {  	s26 =	simm.s32 $execute0_lowered;
	[smem:$0x3FD2] =	sst s25  }
0xa6: {  	s4 =	sshll.u32 s26, $0x1;
	_ =	strace $0x80000049;
	[dreg:$0x1] =	wrdreg $0xFFFFFFFF  }
0xa7: {  	s28 =	simm.s32 $_size_execute0_lowered;
	s2 =	sadd.s32 s2, s4;
	[dreg:$0x0] =	wrdreg $0x0  }
0xa8: {  	s4 =	sshll.u32 s28, $0x1;
	[dreg:$0x2] =	wrdreg s2  }
0xa9: {  	[dreg:$0x3] =	wrdreg s4  }
0xaa: {  	[dreg:$0x4] =	wrdreg $0xC0  }
0xab: {  	_ =	task [dreg:s6], $0x5FFFF  }
0xac: {  	[dreg:$0x1] =	wrdreg $0xFFFFFFFF  }
0xad: {  	[dreg:$0x0] =	wrdreg $0x60  }
0xae: {  	[dreg:$0x2] =	wrdreg s24  }
0xaf: {  	[dreg:$0x3] =	wrdreg $0xA0000  }
0xb0: {  	[dreg:$0x4] =	wrdreg $0x9  }
0xb1: {  	_ =	task.clear_ibuf [dreg:s6], $0x5FFFF;
	_ =	strace $0x90000049  }
0xb2: {  	s29 =	simm.s32 $0x9;
	_ =	strace $0x8000004B  }
0xb3: {  	_ =	swait.ge [sflag:s29], $0x1  }
0xb4: {  	[sflag:s29] =	ssyncadd.s32 $0xFFFFFFFF  }
0xb5: {  	_ =	strace $0x9000004B  }
0xb6: {  	_ =	sfence  }
0xb7: {  	s30 =	sld [smem:$0x0];
	_ =	sdelay $0x2  }
0xb8: {  	s31 =	sshll.u32 s1, $0xD;
	s1 =	sshrl.u32 s1, $0x2  }
0xb9: {  	s3 =	sand.u32 $0x4000, s31;
	s1 =	sadd.s32 s1, s30  }
0xba: {  	s0 =	sor.u32 s3, s0;
	s1 =	sshll.u32 s1, $0x11  }
0xbb: {  	s0 =	sor.u32 s1, s0  }
0xbc: {  	s0 =	sadd.s32 $0x8F2B, s0  }
0xbd: {  	[sflag:s0] =	ssyncadd.remote.s32 $0x1  }
0xbe: {  	_ =	sfence.sel $0xFFFF  }
0xbf: {  	[dreg:$0x0] =	wrdreg $0xFFFFFFFF;
	(pc) =	sbr.abs _section_cstart, $3  }
0xc0: {  	[dreg:$0x1] =	wrdreg $0xFFFFFFFF  }
0xc1: {  	_ =	task.clear_ibuf [dreg:s6], $0x2FFFF;
	_ =	strace $0x9FFFFFFF  }
0xc2: {  	(tm) =	ssettm $0x7FFFFFFF  }
0xc3: {  	_ =	shalt  }
tec
execute0_lowered:
.L_overlay_start_1:
0x0: {  	(tag) =	ssettag $0x1  }
0x1: {  	s5 =	rddreg [dreg:$0x0]  }
0x2: {  	s1 =	rddreg [dreg:$0x1];
	s2 =	srdreg.scid  }
0x3: {  	s0 =	rddreg [dreg:$0x2];
	s3 =	simm.s32 $0x0;
	s14 =	simm.s32 $0x2000  }
0x4: {  	s15 =	simm.s32 $0x1;
	s16 =	simm.s32 $0x6000;
	s6 =	sand.u32 $0x1, s2  }
0x5: {  	s17 =	simm.s32 $0x2;
	s2 =	stileid.u32;
	s4 =	smul.u32 $0x27100, s6  }
0x6: {  	s18 =	simm.s32 $0xF80;
	s19 =	simm.s32 $0x1F00;
	s7 =	smul.u32 $0xA00, s2  }
0x7: {  	s20 =	simm.s32 $0x1F80;
	[smem:$0x7FF] =	sst s3;
	s8 =	smul.u32 $0x28000, s6  }
0x8: {  	_ =	strace $0x8000004A;
	s10 =	smul.u32 $0x50000, s2;
	s29 =	ssub.s32 $0x2, s6  }
0x9: {  	s31 =	sshll.u32 s2, $0x6;
	s22 =	smul.u32 $0x2800, s2;
	s6 =	sshrl.u32 s29, $0x1  }
0xa: {  	s9 =	sadd.s32 s4, s5;
	s7 =	sadd.s32 s7, s5;
	s4 =	sadd.s32 $0xE400, s5  }
0xb: {  	s11 =	sadd.s32 s8, s5;
	s30 =	sshrl.u32 s10, $0x2;
	s12 =	ssub.s32 s29, s6  }
0xc: {  	s5 =	sor.u32 $0x1C03, s31;
	s13 =	sadd.s32 s30, s1;
	s6 =	sadd.s32 $0x60C00, s7  }
0xd: {  	s7 =	sadd.s32 $0x4400, s7;
	s8 =	sadd.s32 $0x10C00, s9;
	s21 =	sadd.s32 $0x6AC00, s11  }
0xe: {  	s9 =	smax.u32 s12, $0x1;
	s11 =	simm.s32 $0x3;
	s12 =	simm.s32 $0x1000  }
0xf: {  	s10 =	sshrl.u32 s13, $0x3;
	s13 =	simm.s32 $0x80;
	s21 =	sadd.s32 s22, s21  }
.LBB2_1:
0x10: {  	[spmem:s10], [sflag:s5] =	dma.local [hbm:s4], $0x2800  }
0x11: {  	_ =	swait.ge [sflag:s11], $0x2800  }
0x12: {  	[sflag:s11] =	ssyncset.done $0x0  }
0x13: {  	[sflag:s11] =	ssyncadd.s32 $0xFFFFD800  }
0x14: {  	s22 =	simm.s32 $0x0;
	[bflag:$0x0] =	sbarrier.arrive $0xFFFF  }
.LBB2_2:
0x15: {  	s23 =	sshll.u32 s22, $0x9  }
0x16: {  	s25 =	simm.s32 $0x0;
	s24 =	sadd.s32 s23, s6  }
0x17: {  	[tilespmem:s25], [sflag:$0x3] =	stream.linear.gather [hbm4b:s24+s25], $0x1000, $0x38;
	[tilespmem:$0x1E000] =	vst v63  }
0x18: {  	_ =	swait.ge [sflag:s11], $0x1000  }
0x19: {  	[sflag:s11] =	ssyncset.done $0x0  }
0x1a: {  	s23 =	sadd.s32 s23, s7;
	[sflag:s11] =	ssyncadd.s32 $0xFFFFF000  }
0x1b: {  	[tilespmem:s12], [sflag:$0x3] =	stream.linear.gather [hbm4b:s23+s25], $0x1000, $0x38;
	[tilespmem:$0x1E000] =	vst v63  }
0x1c: {  	_ =	swait.ge [sflag:s11], $0x1000  }
0x1d: {  	[sflag:s11] =	ssyncset.done $0x0  }
0x1e: {  	[sflag:s11] =	ssyncadd.s32 $0xFFFFF000  }
0x1f: {  	[tilespmem:s14], [sflag:$0x1] =	stream.indirect.gather [hbm4b:s8+s13], $0x80, s25, s13, $0xb8;
	[tilespmem:$0x1E000] =	vst v63  }
0x20: {  	_ =	swait.ge [sflag:s15], $0x4000  }
0x21: {  	[sflag:s15] =	ssyncset.done $0x0  }
0x22: {  	s28 =	simm.s32 $0x80;
	[sflag:s15] =	ssyncadd.s32 $0xFFFFC000  }
0x23: {  	[tilespmem:s16], [sflag:$0x2] =	stream.indirect.gather [hbm4b:s8+s13], $0x80, s28, s13, $0xb8;
	[tilespmem:$0x1E000] =	vst v63  }
0x24: {  	s29 =	simm.s32 $0x1000  }
0x25: {  	[spmem:s1] =	stream.indirect.scatter.add.f32 [tilespmem:s14], [sflag:$0x3], $0x80, s29, s13, $0xb8;
	[tilespmem:$0x1E000] =	vst v63  }
0x26: {  	_ =	swait.ge [sflag:s11], $0x4000  }
0x27: {  	[sflag:s11] =	ssyncset.done $0x0  }
0x28: {  	[sflag:s11] =	ssyncadd.s32 $0xFFFFC000  }
0x29: {  	_ =	swait.ge [sflag:s17], $0x4000  }
0x2a: {  	[sflag:s17] =	ssyncset.done $0x0  }
0x2b: {  	s30 =	simm.s32 $0x100;
	[sflag:s17] =	ssyncadd.s32 $0xFFFFC000  }
0x2c: {  	[tilespmem:s14], [sflag:$0x1] =	stream.indirect.gather [hbm4b:s8+s13], $0x80, s30, s13, $0xb8;
	[tilespmem:$0x1E000] =	vst v63  }
0x2d: {  	s31 =	simm.s32 $0x1080  }
0x2e: {  	[spmem:s1] =	stream.indirect.scatter.add.f32 [tilespmem:s16], [sflag:$0x3], $0x80, s31, s13, $0xb8;
	[tilespmem:$0x1E000] =	vst v63  }
0x2f: {  	_ =	swait.ge [sflag:s11], $0x4000  }
0x30: {  	s23 =	simm.s32 $0x400;
	[sflag:s11] =	ssyncset.done $0x0  }
.LBB2_3:
0x31: {  	p0 =	sne.s32 s23, $0x3800  }
0x32: {  	[sflag:s11] =	ssyncadd.s32 $0xFFFFC000;
	s24 =	smov.u32 s23;
	s23 =	sadd.s32 $0x400, s23  }
0x33: {  	_ = 	snop  }
0x34: {  	_ =	swait.ge [sflag:s15], $0x4000  }
0x35: {  	s24 =	sshra.s32 s24, $0x2;
	[sflag:s15] =	ssyncset.done $0x0  }
0x36: {  	s25 =	sadd.s32 $0x80, s24;
	[sflag:s15] =	ssyncadd.s32 $0xFFFFC000  }
0x37: {  	[tilespmem:s16], [sflag:$0x2] =	stream.indirect.gather [hbm4b:s8+s13], $0x80, s25, s13, $0xb8;
	[tilespmem:$0x1E000] =	vst v63  }
0x38: {  	s25 =	sadd.s32 $0x1000, s24  }
0x39: {  	[spmem:s1] =	stream.indirect.scatter.add.f32 [tilespmem:s14], [sflag:$0x3], $0x80, s25, s13, $0xb8;
	[tilespmem:$0x1E000] =	vst v63  }
0x3a: {  	_ =	swait.ge [sflag:s11], $0x4000  }
0x3b: {  	[sflag:s11] =	ssyncset.done $0x0  }
0x3c: {  	[sflag:s11] =	ssyncadd.s32 $0xFFFFC000  }
0x3d: {  	_ =	swait.ge [sflag:s17], $0x4000  }
0x3e: {  	[sflag:s17] =	ssyncset.done $0x0  }
0x3f: {  	s25 =	sadd.s32 $0x100, s24;
	[sflag:s17] =	ssyncadd.s32 $0xFFFFC000  }
0x40: {  	[tilespmem:s14], [sflag:$0x1] =	stream.indirect.gather [hbm4b:s8+s13], $0x80, s25, s13, $0xb8;
	[tilespmem:$0x1E000] =	vst v63  }
.Ltmp0:
0x41: {  	_ = 	snop;
	(pc) =	sbr.rel @p0 .LBB2_3-.Ltmp0, $4  }
0x42: {  	s24 =	sadd.s32 $0x1080, s24  }
0x43: {  	[spmem:s1] =	stream.indirect.scatter.add.f32 [tilespmem:s16], [sflag:$0x3], $0x80, s24, s13, $0xb8;
	[tilespmem:$0x1E000] =	vst v63  }
0x44: {  	_ =	swait.ge [sflag:s11], $0x4000  }
0x45: {  	[sflag:s11] =	ssyncset.done $0x0  }
0x46: {  	[sflag:s11] =	ssyncadd.s32 $0xFFFFC000  }
0x47: {  	_ =	swait.ge [sflag:s15], $0x4000  }
0x48: {  	[sflag:s15] =	ssyncset.done $0x0  }
0x49: {  	[sflag:s15] =	ssyncadd.s32 $0xFFFFC000  }
0x4a: {  	[tilespmem:s16], [sflag:$0x2] =	stream.indirect.gather [hbm4b:s8+s13], $0x80, s18, s13, $0xb8;
	[tilespmem:$0x1E000] =	vst v63  }
0x4b: {  	_ = 	snop  }
0x4c: {  	[spmem:s1] =	stream.indirect.scatter.add.f32 [tilespmem:s14], [sflag:$0x3], $0x80, s19, s13, $0xb8;
	[tilespmem:$0x1E000] =	vst v63  }
0x4d: {  	_ =	swait.ge [sflag:s11], $0x4000  }
0x4e: {  	[sflag:s11] =	ssyncset.done $0x0  }
0x4f: {  	[sflag:s11] =	ssyncadd.s32 $0xFFFFC000  }
0x50: {  	s22 =	sadd.s32 $0x1, s22;
	_ =	swait.ge [sflag:s17], $0x4000  }
0x51: {  	p0 =	sne.s32 s22, $0x5;
	[sflag:s17] =	ssyncset.done $0x0  }
.Ltmp1:
0x52: {  	[sflag:s17] =	ssyncadd.s32 $0xFFFFC000;
	(pc) =	sbr.rel @p0 .LBB2_2-.Ltmp1, $4  }
0x53: {  	[spmem:s1] =	stream.indirect.scatter.add.f32 [tilespmem:s16], [sflag:$0x3], $0x80, s20, s13, $0xb8;
	[tilespmem:$0x1E000] =	vst v63  }
0x54: {  	_ =	swait.ge [sflag:s11], $0x4000  }
0x55: {  	[sflag:s11] =	ssyncset.done $0x0  }
0x56: {  	[sflag:s11] =	ssyncadd.s32 $0xFFFFC000  }
0x57: {  	s3 =	sadd.s32 $0x1, s3  }
0x58: {  	p0 =	sne.s32 s3, s9  }
.Ltmp2:
0x59: {  	[bflag:$0x0] =	sbarrier.arrive $0xFFFF;
	(pc) =	sbr.rel @p0 .LBB2_1-.Ltmp2, $4  }
0x5a: {  	[hbm:s21], [sflag:s5] =	dma.local [spmem:s10], $0x2800  }
0x5b: {  	_ =	swait.ge [sflag:s11], $0x2800  }
0x5c: {  	[sflag:s11] =	ssyncset.done $0x0  }
0x5d: {  	[sflag:s11] =	ssyncadd.s32 $0xFFFFD800  }
0x5e: {  	_ =	sfence.sel $0x180000  }
0x5f: {  	[bflag:$0x0] =	sbarrier.arrive $0xFFFF  }
0x60: {  	p0 =	sne.s32 s2, $0x0;
	_ =	strace $0x9000004A  }
0x61: {  	s0 =	sadd.s32 @!p0 $0x100000, s0;
	[bflag:$0x2] =	sbarrier.arrive $0xFFFF  }
0x62: {  	[sflag:s0] =	ssyncadd.tile.s32 @!p0 $0x1;
	_ =	shalt  }
.Lfunc_end2:
_tile_overlayer_lowered:
.L_overlay_start_2:
0x63: {  	(tag) =	ssettag $0x2  }
0x64: {  	s0 =	rddreg [dreg:$0x0];
	s2 =	stileid.u32  }
0x65: {  	s1 =	rddreg [dreg:$0x1];
	p0 =	sne.s32 s2, $0x0  }
0x66: {  	s3 =	rddreg [dreg:$0x2];
	[bflag:$0x3] =	sbarrier.arrive $0xFFFF;
	s2 =	simm.s32 @!p0 $0x1C03  }
0x67: {  	[timem:s3], [sflag:s2] =	dma.local @!p0 [hbm:s0], s1  }
0x68: {  	s0 =	simm.s32 @!p0 $0x3  }
0x69: {  	_ =	swait.ge @!p0 [sflag:s0], s1  }
0x6a: {  	s1 =	ssub.s32 @!p0 $0x0, s1;
	[sflag:s0] =	ssyncset.done @!p0 $0x0  }
0x6b: {  	[sflag:s0] =	ssyncadd.s32 @!p0 s1  }
0x6c: {  	[bflag:$0x3] =	sbarrier.arrive $0xFFFF  }
0x6d: {  	_ =	shalt  }

// kernel: kernel.18.cloned.1.call-start
scs
__scs_entry_jumppad:
0x0: {  	(pc) =	sbr.rel $0x88, $3  }
0x1: {  	(tag) =	ssettag $0x0;
	lr =	simm.s32 $0x1  }
0x2: {  	[smem:$0x3F91] =	sst lr;
	_ =	strace $0xD0000000  }
0x3: {  	_ = 	snop  }
0x4: {  	_ = 	snop  }
0x5: {  	_ = 	snop  }
0x6: {  	_ = 	snop  }
0x7: {  	_ = 	snop  }
__scs_overlays_trampoline_lowered:
0x8: {  	[smem:$0x3FA0] =	sst s0  }
0x9: {  	[smem:$0x3FA1] =	sst s1  }
0xa: {  	[smem:$0x3FA2] =	sst s2  }
0xb: {  	[smem:$0x3FA3] =	sst s3  }
0xc: {  	[smem:$0x3FA4] =	sst s4  }
0xd: {  	[smem:$0x3FA5] =	sst s5  }
0xe: {  	[smem:$0x3FA6] =	sst s6  }
0xf: {  	[smem:$0x3FA7] =	sst s7  }
0x10: {  	[smem:$0x3FA8] =	sst s8  }
0x11: {  	[smem:$0x3FA9] =	sst s9;
	s0 =	simm.s32 @!p0 $0x0  }
0x12: {  	s1 =	sld [smem:$0x3F8F];
	s0 =	simm.s32 @p0 $0x1  }
0x13: {  	[smem:$0x3FAA] =	sst s0;
	s0 =	simm.s32 @!p1 $0x0  }
0x14: {  	s2 =	sld [smem:$0x3F8E];
	s0 =	simm.s32 @p1 $0x1  }
0x15: {  	[smem:$0x3FAB] =	sst s0;
	s0 =	simm.s32 @!p2 $0x0  }
0x16: {  	s3 =	sld [smem:$0x3FDB];
	s0 =	simm.s32 @p2 $0x1  }
0x17: {  	s4 =	simm.s32 $0x1BF5;
	[smem:$0x3FAD] =	sst s0  }
0x18: {  	s0 =	sld [smem:$0x3F90];
	_ =	swait.ge [sflag:s4], $0x0  }
0x19: {  	s7 =	sld [smem:$0x3F91]  }
0x1a: {  	s8 =	sadd.s32 $0xFFFFE003, lr  }
0x1b: {  	s9 =	sadd.s32 $0xFFFFFEF7, lr;
	s5 =	simm.s32 $0xFFFFFFFF;
	p2 =	slt.u32 s8, $0xFFFFF086  }
0x1c: {  	p1 =	slt.u32 s9, $0xF7A;
	s5 =	simm.s32 @!p2 $0x0  }
0x1d: {  	s5 =	simm.s32 @p1 $0x1;
	p0 =	seq.s32 s7, s2  }
0x1e: {  	s7 =	smul.u32 @!p0 $0xF7A, s2;
	p2 =	seq.s32 @!p0 s5, $0x0  }
0x1f: {  	s9 =	smul.u32 $0xF7A, s1;
	s8 =	simm.s32 @!p0 $0x1BF5;
	p2 =	por !p2, p0  }
0x20: {  	[sflag:s8] =	ssyncset.s32 @!p0 $0xFFFFF086;
	s6 =	sadd.s32 @!p0 s3, s7;
	s7 =	simm.s32 @!p0 $0x108  }
0x21: {  	s3 =	sadd.s32 s3, s9;
	s6 =	sadd.s32 @!p0 $0x88, s6;
	s7 =	simm.s32 @p2 $0x1082  }
0x22: {  	[simem:s7], [sflag:s8] =	dma.local @!p0 [hbm:s6], $0xF7A  }
0x23: {  	s9 =	sor.u32 $0xD0000000, s2;
	s6 =	simm.s32 $0x108;
	_ =	swait.ge @!p0 [sflag:s8], $0x0  }
0x24: {  	s3 =	sadd.s32 $0x88, s3;
	s6 =	simm.s32 @!p1 $0x1082;
	[sflag:s4] =	ssyncset.s32 $0xFFFFF086  }
0x25: {  	[simem:s6], [sflag:s4] =	dma.local [hbm:s3], $0xF7A  }
0x26: {  	[smem:$0x3F91] =	sst s1;
	(tag) =	ssettag s2;
	_ =	strace s9  }
0x27: {  	s1 =	sld [smem:$0x3FA1]  }
0x28: {  	s2 =	sld [smem:$0x3FA2]  }
0x29: {  	s4 =	sld [smem:$0x3FA4]  }
0x2a: {  	p0 =	seq.s32 s5, $0x0;
	s5 =	sld [smem:$0x3FA5]  }
0x2b: {  	s6 =	sld [smem:$0x3FA6]  }
0x2c: {  	s7 =	sld [smem:$0x3FA7]  }
0x2d: {  	s3 =	simm.s32 $0x108;
	s8 =	sld [smem:$0x3FA8]  }
0x2e: {  	s3 =	simm.s32 @!p0 $0x1082;
	s9 =	sld [smem:$0x3FA9]  }
0x2f: {  	lr =	sadd.s32 s0, s3;
	s0 =	sld [smem:$0x3FA0]  }
0x30: {  	s3 =	sld [smem:$0x3FA3]  }
0x31: {  	[smem:$0x3FAC] =	sst s10  }
0x32: {  	s10 =	sld [smem:$0x3FAA];
	_ =	sdelay $0x3  }
0x33: {  	p0 =	seq.s32 s10, $0x1;
	s10 =	sld [smem:$0x3FAC];
	_ =	sdelay $0x3  }
0x34: {  	[smem:$0x3FAC] =	sst s10  }
0x35: {  	s10 =	sld [smem:$0x3FAB];
	_ =	sdelay $0x3  }
0x36: {  	p1 =	seq.s32 s10, $0x1;
	s10 =	sld [smem:$0x3FAC];
	_ =	sdelay $0x3  }
0x37: {  	[smem:$0x3FAC] =	sst s10  }
0x38: {  	s10 =	sld [smem:$0x3FAD]  }
0x39: {  	_ = 	snop;
	(pc) =	sbr.ind lr, $3  }
0x3a: {  	_ = 	snop  }
0x3b: {  	_ = 	snop  }
0x3c: {  	p2 =	seq.s32 s10, $0x1;
	s10 =	sld [smem:$0x3FAC]  }
0x3d: {  	_ =	shalt  }
0x3e: {  	_ =	shalt  }
0x3f: {  	_ =	shalt  }
0x40: {  	_ =	shalt  }
0x41: {  	_ =	shalt  }
0x42: {  	_ =	shalt  }
0x43: {  	_ =	shalt  }
0x44: {  	_ =	shalt  }
0x45: {  	_ =	shalt  }
0x46: {  	_ =	shalt  }
0x47: {  	_ =	shalt  }
0x48: {  	_ =	shalt  }
0x49: {  	_ =	shalt  }
0x4a: {  	_ =	shalt  }
0x4b: {  	_ =	shalt  }
0x4c: {  	_ =	shalt  }
0x4d: {  	_ =	shalt  }
0x4e: {  	_ =	shalt  }
0x4f: {  	_ =	shalt  }
0x50: {  	_ =	shalt  }
0x51: {  	_ =	shalt  }
0x52: {  	_ =	shalt  }
0x53: {  	_ =	shalt  }
0x54: {  	_ =	shalt  }
0x55: {  	_ =	shalt  }
0x56: {  	_ =	shalt  }
0x57: {  	_ =	shalt  }
0x58: {  	_ =	shalt  }
0x59: {  	_ =	shalt  }
0x5a: {  	_ =	shalt  }
0x5b: {  	_ =	shalt  }
0x5c: {  	_ =	shalt  }
0x5d: {  	_ =	shalt  }
0x5e: {  	_ =	shalt  }
0x5f: {  	_ =	shalt  }
0x60: {  	_ =	shalt  }
0x61: {  	_ =	shalt  }
0x62: {  	_ =	shalt  }
0x63: {  	_ =	shalt  }
0x64: {  	_ =	shalt  }
0x65: {  	_ =	shalt  }
0x66: {  	_ =	shalt  }
0x67: {  	_ =	shalt  }
0x68: {  	_ =	shalt  }
0x69: {  	_ =	shalt  }
0x6a: {  	_ =	shalt  }
0x6b: {  	_ =	shalt  }
0x6c: {  	_ =	shalt  }
0x6d: {  	_ =	shalt  }
0x6e: {  	_ =	shalt  }
0x6f: {  	_ =	shalt  }
0x70: {  	_ =	shalt  }
0x71: {  	_ =	shalt  }
0x72: {  	_ =	shalt  }
0x73: {  	_ =	shalt  }
0x74: {  	_ =	shalt  }
0x75: {  	_ =	shalt  }
0x76: {  	_ =	shalt  }
0x77: {  	_ =	shalt  }
0x78: {  	_ =	shalt  }
0x79: {  	_ =	shalt  }
0x7a: {  	_ =	shalt  }
0x7b: {  	_ =	shalt  }
0x7c: {  	_ =	shalt  }
0x7d: {  	_ =	shalt  }
0x7e: {  	_ =	shalt  }
0x7f: {  	_ =	shalt  }
0x80: {  	_ =	shalt  }
0x81: {  	_ =	shalt  }
0x82: {  	_ =	shalt  }
0x83: {  	_ =	shalt  }
0x84: {  	_ =	shalt  }
0x85: {  	_ =	shalt  }
0x86: {  	_ =	shalt  }
0x87: {  	_ =	shalt  }
.Lfunc_end0:
.L_simem_size_0:
called_computation.2_lowered:
.L_overlay_start_0:
0x88: {  	s2 =	sld [smem:$0x3FD9]  }
0x89: {  	s3 =	sld [smem:$0x3FFE];
	_ =	sdelay $0x1  }
0x8a: {  	s1 =	srdreg.scid  }
0x8b: {  	s0 =	sand.u32 $0x1, s1  }
0x8c: {  	s16 =	sshll.u32 s0, $0xA;
	s2 =	sadd.s32 s3, s2  }
0x8d: {  	s2 =	sadd.s32 s2, s16  }
0x8e: {  	[smem:$0x3FB8] =	sst s2  }
0x8f: {  	_ = 	snop  }
0x90: {  	(tm) =	ssettm $0x1  }
0x91: {  	s17 =	sld [smem:$0x3FFB];
	_ =	sdelay $0x3  }
0x92: {  	_ =	strace s17  }
0x93: {  	s2 =	sld [smem:$0x3FFC];
	_ =	sdelay $0x3  }
0x94: {  	_ =	strace s2  }
0x95: {  	s2 =	sld [smem:$0x3FFD];
	_ =	sdelay $0x3  }
0x96: {  	_ =	strace s2  }
0x97: {  	_ =	strace $0x8FFFFFFF  }
0x98: {  	s18 =	sld [smem:$0x3FDB];
	_ =	sdelay $0x1  }
0x99: {  	s19 =	simm.s32 $_scs_section_size  }
0x9a: {  	s4 =	simm.s32 $_size__tile_overlayer_lowered;
	s5 =	simm.s32 $_tile_overlayer_lowered  }
0x9b: {  	s22 =	simm.s32 $0x1BFF;
	s21 =	sshll.u32 s5, $0x1;
	s2 =	sadd.s32 s19, s18  }
0x9c: {  	s6 =	simm.s32 $0x0;
	s20 =	sshll.u32 s4, $0x1;
	s4 =	sadd.s32 s21, s2  }
0x9d: {  	[timem:s6], [sflag:s22] =	dma.local [hbm:s4], s20  }
0x9e: {  	_ =	swait.ge [sflag:s22], s20  }
0x9f: {  	s3 =	ssub.s32 $0x0, s20;
	[sflag:s22] =	ssyncset.done $0x0  }
0xa0: {  	[sflag:s22] =	ssyncadd.s32 s3;
	_ =	sdelay $0x1  }
0xa1: {  	s23 =	simm.s32 $0x1B8B  }
0xa2: {  	_ =	swait.ge [sflag:s23], $0x1  }
0xa3: {  	[sflag:s23] =	ssyncset.done $0x0  }
0xa4: {  	s25 =	simm.s32 $0x1B8E;
	s24 =	sld [smem:$0x3FFE];
	[sflag:s23] =	ssyncadd.s32 $0xFFFFFFFF  }
0xa5: {  	s26 =	simm.s32 $execute0_lowered;
	[smem:$0x3FD2] =	sst s25  }
0xa6: {  	s4 =	sshll.u32 s26, $0x1;
	_ =	strace $0x8000004C;
	[dreg:$0x1] =	wrdreg $0xFFFFFFFF  }
0xa7: {  	s28 =	simm.s32 $_size_execute0_lowered;
	s2 =	sadd.s32 s2, s4;
	[dreg:$0x0] =	wrdreg $0x0  }
0xa8: {  	s4 =	sshll.u32 s28, $0x1;
	[dreg:$0x2] =	wrdreg s2  }
0xa9: {  	[dreg:$0x3] =	wrdreg s4  }
0xaa: {  	[dreg:$0x4] =	wrdreg $0xC0  }
0xab: {  	_ =	task [dreg:s6], $0x5FFFF  }
0xac: {  	[dreg:$0x1] =	wrdreg $0xFFFFFFFF  }
0xad: {  	[dreg:$0x0] =	wrdreg $0x60  }
0xae: {  	[dreg:$0x2] =	wrdreg s24  }
0xaf: {  	[dreg:$0x3] =	wrdreg $0xA0000  }
0xb0: {  	[dreg:$0x4] =	wrdreg $0x9  }
0xb1: {  	_ =	task.clear_ibuf [dreg:s6], $0x5FFFF;
	_ =	strace $0x9000004C  }
0xb2: {  	s29 =	simm.s32 $0x9;
	_ =	strace $0x8000004E  }
0xb3: {  	_ =	swait.ge [sflag:s29], $0x1  }
0xb4: {  	[sflag:s29] =	ssyncadd.s32 $0xFFFFFFFF  }
0xb5: {  	_ =	strace $0x9000004E  }
0xb6: {  	_ =	sfence  }
0xb7: {  	s30 =	sld [smem:$0x0];
	_ =	sdelay $0x2  }
0xb8: {  	s31 =	sshll.u32 s1, $0xD;
	s1 =	sshrl.u32 s1, $0x2  }
0xb9: {  	s3 =	sand.u32 $0x4000, s31;
	s1 =	sadd.s32 s1, s30  }
0xba: {  	s0 =	sor.u32 s3, s0;
	s1 =	sshll.u32 s1, $0x11  }
0xbb: {  	s0 =	sor.u32 s1, s0  }
0xbc: {  	s0 =	sadd.s32 $0x8F2B, s0  }
0xbd: {  	[sflag:s0] =	ssyncadd.remote.s32 $0x1  }
0xbe: {  	_ =	sfence.sel $0xFFFF  }
0xbf: {  	[dreg:$0x0] =	wrdreg $0xFFFFFFFF;
	(pc) =	sbr.abs _section_cstart, $3  }
0xc0: {  	[dreg:$0x1] =	wrdreg $0xFFFFFFFF  }
0xc1: {  	_ =	task.clear_ibuf [dreg:s6], $0x2FFFF;
	_ =	strace $0x9FFFFFFF  }
0xc2: {  	(tm) =	ssettm $0x7FFFFFFF  }
0xc3: {  	_ =	shalt  }
tec
execute0_lowered:
.L_overlay_start_1:
0x0: {  	(tag) =	ssettag $0x1  }
0x1: {  	s5 =	rddreg [dreg:$0x0]  }
0x2: {  	s1 =	rddreg [dreg:$0x1];
	s2 =	srdreg.scid  }
0x3: {  	s0 =	rddreg [dreg:$0x2];
	s3 =	simm.s32 $0x0;
	s14 =	simm.s32 $0x2000  }
0x4: {  	s15 =	simm.s32 $0x1;
	s16 =	simm.s32 $0x6000;
	s6 =	sand.u32 $0x1, s2  }
0x5: {  	s17 =	simm.s32 $0x2;
	s2 =	stileid.u32;
	s4 =	smul.u32 $0x27100, s6  }
0x6: {  	s18 =	simm.s32 $0xF80;
	s19 =	simm.s32 $0x1F00;
	s7 =	smul.u32 $0xA00, s2  }
0x7: {  	s20 =	simm.s32 $0x1F80;
	[smem:$0x7FF] =	sst s3;
	s8 =	smul.u32 $0x28000, s6  }
0x8: {  	_ =	strace $0x8000004D;
	s10 =	smul.u32 $0x50000, s2;
	s29 =	ssub.s32 $0x2, s6  }
0x9: {  	s31 =	sshll.u32 s2, $0x6;
	s22 =	smul.u32 $0x2800, s2;
	s6 =	sshrl.u32 s29, $0x1  }
0xa: {  	s9 =	sadd.s32 s4, s5;
	s7 =	sadd.s32 s7, s5;
	s4 =	sadd.s32 $0xE400, s5  }
0xb: {  	s11 =	sadd.s32 s8, s5;
	s30 =	sshrl.u32 s10, $0x2;
	s12 =	ssub.s32 s29, s6  }
0xc: {  	s5 =	sor.u32 $0x1C03, s31;
	s13 =	sadd.s32 s30, s1;
	s6 =	sadd.s32 $0x60C00, s7  }
0xd: {  	s7 =	sadd.s32 $0x4400, s7;
	s8 =	sadd.s32 $0x108E00, s9;
	s21 =	sadd.s32 $0x6AC00, s11  }
0xe: {  	s9 =	smax.u32 s12, $0x1;
	s11 =	simm.s32 $0x3;
	s12 =	simm.s32 $0x1000  }
0xf: {  	s10 =	sshrl.u32 s13, $0x3;
	s13 =	simm.s32 $0x80;
	s21 =	sadd.s32 s22, s21  }
.LBB2_1:
0x10: {  	[spmem:s10], [sflag:s5] =	dma.local [hbm:s4], $0x2800  }
0x11: {  	_ =	swait.ge [sflag:s11], $0x2800  }
0x12: {  	[sflag:s11] =	ssyncset.done $0x0  }
0x13: {  	[sflag:s11] =	ssyncadd.s32 $0xFFFFD800  }
0x14: {  	s22 =	simm.s32 $0x0;
	[bflag:$0x0] =	sbarrier.arrive $0xFFFF  }
.LBB2_2:
0x15: {  	s23 =	sshll.u32 s22, $0x9  }
0x16: {  	s25 =	simm.s32 $0x0;
	s24 =	sadd.s32 s23, s6  }
0x17: {  	[tilespmem:s25], [sflag:$0x3] =	stream.linear.gather [hbm4b:s24+s25], $0x1000, $0x38;
	[tilespmem:$0x1E000] =	vst v63  }
0x18: {  	_ =	swait.ge [sflag:s11], $0x1000  }
0x19: {  	[sflag:s11] =	ssyncset.done $0x0  }
0x1a: {  	s23 =	sadd.s32 s23, s7;
	[sflag:s11] =	ssyncadd.s32 $0xFFFFF000  }
0x1b: {  	[tilespmem:s12], [sflag:$0x3] =	stream.linear.gather [hbm4b:s23+s25], $0x1000, $0x38;
	[tilespmem:$0x1E000] =	vst v63  }
0x1c: {  	_ =	swait.ge [sflag:s11], $0x1000  }
0x1d: {  	[sflag:s11] =	ssyncset.done $0x0  }
0x1e: {  	[sflag:s11] =	ssyncadd.s32 $0xFFFFF000  }
0x1f: {  	[tilespmem:s14], [sflag:$0x1] =	stream.indirect.gather [hbm4b:s8+s13], $0x80, s25, s13, $0xb8;
	[tilespmem:$0x1E000] =	vst v63  }
0x20: {  	_ =	swait.ge [sflag:s15], $0x4000  }
0x21: {  	[sflag:s15] =	ssyncset.done $0x0  }
0x22: {  	s28 =	simm.s32 $0x80;
	[sflag:s15] =	ssyncadd.s32 $0xFFFFC000  }
0x23: {  	[tilespmem:s16], [sflag:$0x2] =	stream.indirect.gather [hbm4b:s8+s13], $0x80, s28, s13, $0xb8;
	[tilespmem:$0x1E000] =	vst v63  }
0x24: {  	s29 =	simm.s32 $0x1000  }
0x25: {  	[spmem:s1] =	stream.indirect.scatter.add.f32 [tilespmem:s14], [sflag:$0x3], $0x80, s29, s13, $0xb8;
	[tilespmem:$0x1E000] =	vst v63  }
0x26: {  	_ =	swait.ge [sflag:s11], $0x4000  }
0x27: {  	[sflag:s11] =	ssyncset.done $0x0  }
0x28: {  	[sflag:s11] =	ssyncadd.s32 $0xFFFFC000  }
0x29: {  	_ =	swait.ge [sflag:s17], $0x4000  }
0x2a: {  	[sflag:s17] =	ssyncset.done $0x0  }
0x2b: {  	s30 =	simm.s32 $0x100;
	[sflag:s17] =	ssyncadd.s32 $0xFFFFC000  }
0x2c: {  	[tilespmem:s14], [sflag:$0x1] =	stream.indirect.gather [hbm4b:s8+s13], $0x80, s30, s13, $0xb8;
	[tilespmem:$0x1E000] =	vst v63  }
0x2d: {  	s31 =	simm.s32 $0x1080  }
0x2e: {  	[spmem:s1] =	stream.indirect.scatter.add.f32 [tilespmem:s16], [sflag:$0x3], $0x80, s31, s13, $0xb8;
	[tilespmem:$0x1E000] =	vst v63  }
0x2f: {  	_ =	swait.ge [sflag:s11], $0x4000  }
0x30: {  	s23 =	simm.s32 $0x400;
	[sflag:s11] =	ssyncset.done $0x0  }
.LBB2_3:
0x31: {  	p0 =	sne.s32 s23, $0x3800  }
0x32: {  	[sflag:s11] =	ssyncadd.s32 $0xFFFFC000;
	s24 =	smov.u32 s23;
	s23 =	sadd.s32 $0x400, s23  }
0x33: {  	_ = 	snop  }
0x34: {  	_ =	swait.ge [sflag:s15], $0x4000  }
0x35: {  	s24 =	sshra.s32 s24, $0x2;
	[sflag:s15] =	ssyncset.done $0x0  }
0x36: {  	s25 =	sadd.s32 $0x80, s24;
	[sflag:s15] =	ssyncadd.s32 $0xFFFFC000  }
0x37: {  	[tilespmem:s16], [sflag:$0x2] =	stream.indirect.gather [hbm4b:s8+s13], $0x80, s25, s13, $0xb8;
	[tilespmem:$0x1E000] =	vst v63  }
0x38: {  	s25 =	sadd.s32 $0x1000, s24  }
0x39: {  	[spmem:s1] =	stream.indirect.scatter.add.f32 [tilespmem:s14], [sflag:$0x3], $0x80, s25, s13, $0xb8;
	[tilespmem:$0x1E000] =	vst v63  }
0x3a: {  	_ =	swait.ge [sflag:s11], $0x4000  }
0x3b: {  	[sflag:s11] =	ssyncset.done $0x0  }
0x3c: {  	[sflag:s11] =	ssyncadd.s32 $0xFFFFC000  }
0x3d: {  	_ =	swait.ge [sflag:s17], $0x4000  }
0x3e: {  	[sflag:s17] =	ssyncset.done $0x0  }
0x3f: {  	s25 =	sadd.s32 $0x100, s24;
	[sflag:s17] =	ssyncadd.s32 $0xFFFFC000  }
0x40: {  	[tilespmem:s14], [sflag:$0x1] =	stream.indirect.gather [hbm4b:s8+s13], $0x80, s25, s13, $0xb8;
	[tilespmem:$0x1E000] =	vst v63  }
.Ltmp0:
0x41: {  	_ = 	snop;
	(pc) =	sbr.rel @p0 .LBB2_3-.Ltmp0, $4  }
0x42: {  	s24 =	sadd.s32 $0x1080, s24  }
0x43: {  	[spmem:s1] =	stream.indirect.scatter.add.f32 [tilespmem:s16], [sflag:$0x3], $0x80, s24, s13, $0xb8;
	[tilespmem:$0x1E000] =	vst v63  }
0x44: {  	_ =	swait.ge [sflag:s11], $0x4000  }
0x45: {  	[sflag:s11] =	ssyncset.done $0x0  }
0x46: {  	[sflag:s11] =	ssyncadd.s32 $0xFFFFC000  }
0x47: {  	_ =	swait.ge [sflag:s15], $0x4000  }
0x48: {  	[sflag:s15] =	ssyncset.done $0x0  }
0x49: {  	[sflag:s15] =	ssyncadd.s32 $0xFFFFC000  }
0x4a: {  	[tilespmem:s16], [sflag:$0x2] =	stream.indirect.gather [hbm4b:s8+s13], $0x80, s18, s13, $0xb8;
	[tilespmem:$0x1E000] =	vst v63  }
0x4b: {  	_ = 	snop  }
0x4c: {  	[spmem:s1] =	stream.indirect.scatter.add.f32 [tilespmem:s14], [sflag:$0x3], $0x80, s19, s13, $0xb8;
	[tilespmem:$0x1E000] =	vst v63  }
0x4d: {  	_ =	swait.ge [sflag:s11], $0x4000  }
0x4e: {  	[sflag:s11] =	ssyncset.done $0x0  }
0x4f: {  	[sflag:s11] =	ssyncadd.s32 $0xFFFFC000  }
0x50: {  	s22 =	sadd.s32 $0x1, s22;
	_ =	swait.ge [sflag:s17], $0x4000  }
0x51: {  	p0 =	sne.s32 s22, $0x5;
	[sflag:s17] =	ssyncset.done $0x0  }
.Ltmp1:
0x52: {  	[sflag:s17] =	ssyncadd.s32 $0xFFFFC000;
	(pc) =	sbr.rel @p0 .LBB2_2-.Ltmp1, $4  }
0x53: {  	[spmem:s1] =	stream.indirect.scatter.add.f32 [tilespmem:s16], [sflag:$0x3], $0x80, s20, s13, $0xb8;
	[tilespmem:$0x1E000] =	vst v63  }
0x54: {  	_ =	swait.ge [sflag:s11], $0x4000  }
0x55: {  	[sflag:s11] =	ssyncset.done $0x0  }
0x56: {  	[sflag:s11] =	ssyncadd.s32 $0xFFFFC000  }
0x57: {  	s3 =	sadd.s32 $0x1, s3  }
0x58: {  	p0 =	sne.s32 s3, s9  }
.Ltmp2:
0x59: {  	[bflag:$0x0] =	sbarrier.arrive $0xFFFF;
	(pc) =	sbr.rel @p0 .LBB2_1-.Ltmp2, $4  }
0x5a: {  	[hbm:s21], [sflag:s5] =	dma.local [spmem:s10], $0x2800  }
0x5b: {  	_ =	swait.ge [sflag:s11], $0x2800  }
0x5c: {  	[sflag:s11] =	ssyncset.done $0x0  }
0x5d: {  	[sflag:s11] =	ssyncadd.s32 $0xFFFFD800  }
0x5e: {  	_ =	sfence.sel $0x180000  }
0x5f: {  	[bflag:$0x0] =	sbarrier.arrive $0xFFFF  }
0x60: {  	p0 =	sne.s32 s2, $0x0;
	_ =	strace $0x9000004D  }
0x61: {  	s0 =	sadd.s32 @!p0 $0x100000, s0;
	[bflag:$0x2] =	sbarrier.arrive $0xFFFF  }
0x62: {  	[sflag:s0] =	ssyncadd.tile.s32 @!p0 $0x1;
	_ =	shalt  }
.Lfunc_end2:
_tile_overlayer_lowered:
.L_overlay_start_2:
0x63: {  	(tag) =	ssettag $0x2  }
0x64: {  	s0 =	rddreg [dreg:$0x0];
	s2 =	stileid.u32  }
0x65: {  	s1 =	rddreg [dreg:$0x1];
	p0 =	sne.s32 s2, $0x0  }
0x66: {  	s3 =	rddreg [dreg:$0x2];
	[bflag:$0x3] =	sbarrier.arrive $0xFFFF;
	s2 =	simm.s32 @!p0 $0x1C03  }
0x67: {  	[timem:s3], [sflag:s2] =	dma.local @!p0 [hbm:s0], s1  }
0x68: {  	s0 =	simm.s32 @!p0 $0x3  }
0x69: {  	_ =	swait.ge @!p0 [sflag:s0], s1  }
0x6a: {  	s1 =	ssub.s32 @!p0 $0x0, s1;
	[sflag:s0] =	ssyncset.done @!p0 $0x0  }
0x6b: {  	[sflag:s0] =	ssyncadd.s32 @!p0 s1  }
0x6c: {  	[bflag:$0x3] =	sbarrier.arrive $0xFFFF  }
0x6d: {  	_ =	shalt  }

// kernel: kernel.21.cloned.1.call-start
scs
__scs_entry_jumppad:
0x0: {  	(pc) =	sbr.rel $0x88, $3  }
0x1: {  	(tag) =	ssettag $0x0;
	lr =	simm.s32 $0x1  }
0x2: {  	[smem:$0x3F91] =	sst lr;
	_ =	strace $0xD0000000  }
0x3: {  	_ = 	snop  }
0x4: {  	_ = 	snop  }
0x5: {  	_ = 	snop  }
0x6: {  	_ = 	snop  }
0x7: {  	_ = 	snop  }
__scs_overlays_trampoline_lowered:
0x8: {  	[smem:$0x3FA0] =	sst s0  }
0x9: {  	[smem:$0x3FA1] =	sst s1  }
0xa: {  	[smem:$0x3FA2] =	sst s2  }
0xb: {  	[smem:$0x3FA3] =	sst s3  }
0xc: {  	[smem:$0x3FA4] =	sst s4  }
0xd: {  	[smem:$0x3FA5] =	sst s5  }
0xe: {  	[smem:$0x3FA6] =	sst s6  }
0xf: {  	[smem:$0x3FA7] =	sst s7  }
0x10: {  	[smem:$0x3FA8] =	sst s8  }
0x11: {  	[smem:$0x3FA9] =	sst s9;
	s0 =	simm.s32 @!p0 $0x0  }
0x12: {  	s1 =	sld [smem:$0x3F8F];
	s0 =	simm.s32 @p0 $0x1  }
0x13: {  	[smem:$0x3FAA] =	sst s0;
	s0 =	simm.s32 @!p1 $0x0  }
0x14: {  	s2 =	sld [smem:$0x3F8E];
	s0 =	simm.s32 @p1 $0x1  }
0x15: {  	[smem:$0x3FAB] =	sst s0;
	s0 =	simm.s32 @!p2 $0x0  }
0x16: {  	s3 =	sld [smem:$0x3FDB];
	s0 =	simm.s32 @p2 $0x1  }
0x17: {  	s4 =	simm.s32 $0x1BF5;
	[smem:$0x3FAD] =	sst s0  }
0x18: {  	s0 =	sld [smem:$0x3F90];
	_ =	swait.ge [sflag:s4], $0x0  }
0x19: {  	s7 =	sld [smem:$0x3F91]  }
0x1a: {  	s8 =	sadd.s32 $0xFFFFE003, lr  }
0x1b: {  	s9 =	sadd.s32 $0xFFFFFEF7, lr;
	s5 =	simm.s32 $0xFFFFFFFF;
	p2 =	slt.u32 s8, $0xFFFFF086  }
0x1c: {  	p1 =	slt.u32 s9, $0xF7A;
	s5 =	simm.s32 @!p2 $0x0  }
0x1d: {  	s5 =	simm.s32 @p1 $0x1;
	p0 =	seq.s32 s7, s2  }
0x1e: {  	s7 =	smul.u32 @!p0 $0xF7A, s2;
	p2 =	seq.s32 @!p0 s5, $0x0  }
0x1f: {  	s9 =	smul.u32 $0xF7A, s1;
	s8 =	simm.s32 @!p0 $0x1BF5;
	p2 =	por !p2, p0  }
0x20: {  	[sflag:s8] =	ssyncset.s32 @!p0 $0xFFFFF086;
	s6 =	sadd.s32 @!p0 s3, s7;
	s7 =	simm.s32 @!p0 $0x108  }
0x21: {  	s3 =	sadd.s32 s3, s9;
	s6 =	sadd.s32 @!p0 $0x88, s6;
	s7 =	simm.s32 @p2 $0x1082  }
0x22: {  	[simem:s7], [sflag:s8] =	dma.local @!p0 [hbm:s6], $0xF7A  }
0x23: {  	s9 =	sor.u32 $0xD0000000, s2;
	s6 =	simm.s32 $0x108;
	_ =	swait.ge @!p0 [sflag:s8], $0x0  }
0x24: {  	s3 =	sadd.s32 $0x88, s3;
	s6 =	simm.s32 @!p1 $0x1082;
	[sflag:s4] =	ssyncset.s32 $0xFFFFF086  }
0x25: {  	[simem:s6], [sflag:s4] =	dma.local [hbm:s3], $0xF7A  }
0x26: {  	[smem:$0x3F91] =	sst s1;
	(tag) =	ssettag s2;
	_ =	strace s9  }
0x27: {  	s1 =	sld [smem:$0x3FA1]  }
0x28: {  	s2 =	sld [smem:$0x3FA2]  }
0x29: {  	s4 =	sld [smem:$0x3FA4]  }
0x2a: {  	p0 =	seq.s32 s5, $0x0;
	s5 =	sld [smem:$0x3FA5]  }
0x2b: {  	s6 =	sld [smem:$0x3FA6]  }
0x2c: {  	s7 =	sld [smem:$0x3FA7]  }
0x2d: {  	s3 =	simm.s32 $0x108;
	s8 =	sld [smem:$0x3FA8]  }
0x2e: {  	s3 =	simm.s32 @!p0 $0x1082;
	s9 =	sld [smem:$0x3FA9]  }
0x2f: {  	lr =	sadd.s32 s0, s3;
	s0 =	sld [smem:$0x3FA0]  }
0x30: {  	s3 =	sld [smem:$0x3FA3]  }
0x31: {  	[smem:$0x3FAC] =	sst s10  }
0x32: {  	s10 =	sld [smem:$0x3FAA];
	_ =	sdelay $0x3  }
0x33: {  	p0 =	seq.s32 s10, $0x1;
	s10 =	sld [smem:$0x3FAC];
	_ =	sdelay $0x3  }
0x34: {  	[smem:$0x3FAC] =	sst s10  }
0x35: {  	s10 =	sld [smem:$0x3FAB];
	_ =	sdelay $0x3  }
0x36: {  	p1 =	seq.s32 s10, $0x1;
	s10 =	sld [smem:$0x3FAC];
	_ =	sdelay $0x3  }
0x37: {  	[smem:$0x3FAC] =	sst s10  }
0x38: {  	s10 =	sld [smem:$0x3FAD]  }
0x39: {  	_ = 	snop;
	(pc) =	sbr.ind lr, $3  }
0x3a: {  	_ = 	snop  }
0x3b: {  	_ = 	snop  }
0x3c: {  	p2 =	seq.s32 s10, $0x1;
	s10 =	sld [smem:$0x3FAC]  }
0x3d: {  	_ =	shalt  }
0x3e: {  	_ =	shalt  }
0x3f: {  	_ =	shalt  }
0x40: {  	_ =	shalt  }
0x41: {  	_ =	shalt  }
0x42: {  	_ =	shalt  }
0x43: {  	_ =	shalt  }
0x44: {  	_ =	shalt  }
0x45: {  	_ =	shalt  }
0x46: {  	_ =	shalt  }
0x47: {  	_ =	shalt  }
0x48: {  	_ =	shalt  }
0x49: {  	_ =	shalt  }
0x4a: {  	_ =	shalt  }
0x4b: {  	_ =	shalt  }
0x4c: {  	_ =	shalt  }
0x4d: {  	_ =	shalt  }
0x4e: {  	_ =	shalt  }
0x4f: {  	_ =	shalt  }
0x50: {  	_ =	shalt  }
0x51: {  	_ =	shalt  }
0x52: {  	_ =	shalt  }
0x53: {  	_ =	shalt  }
0x54: {  	_ =	shalt  }
0x55: {  	_ =	shalt  }
0x56: {  	_ =	shalt  }
0x57: {  	_ =	shalt  }
0x58: {  	_ =	shalt  }
0x59: {  	_ =	shalt  }
0x5a: {  	_ =	shalt  }
0x5b: {  	_ =	shalt  }
0x5c: {  	_ =	shalt  }
0x5d: {  	_ =	shalt  }
0x5e: {  	_ =	shalt  }
0x5f: {  	_ =	shalt  }
0x60: {  	_ =	shalt  }
0x61: {  	_ =	shalt  }
0x62: {  	_ =	shalt  }
0x63: {  	_ =	shalt  }
0x64: {  	_ =	shalt  }
0x65: {  	_ =	shalt  }
0x66: {  	_ =	shalt  }
0x67: {  	_ =	shalt  }
0x68: {  	_ =	shalt  }
0x69: {  	_ =	shalt  }
0x6a: {  	_ =	shalt  }
0x6b: {  	_ =	shalt  }
0x6c: {  	_ =	shalt  }
0x6d: {  	_ =	shalt  }
0x6e: {  	_ =	shalt  }
0x6f: {  	_ =	shalt  }
0x70: {  	_ =	shalt  }
0x71: {  	_ =	shalt  }
0x72: {  	_ =	shalt  }
0x73: {  	_ =	shalt  }
0x74: {  	_ =	shalt  }
0x75: {  	_ =	shalt  }
0x76: {  	_ =	shalt  }
0x77: {  	_ =	shalt  }
0x78: {  	_ =	shalt  }
0x79: {  	_ =	shalt  }
0x7a: {  	_ =	shalt  }
0x7b: {  	_ =	shalt  }
0x7c: {  	_ =	shalt  }
0x7d: {  	_ =	shalt  }
0x7e: {  	_ =	shalt  }
0x7f: {  	_ =	shalt  }
0x80: {  	_ =	shalt  }
0x81: {  	_ =	shalt  }
0x82: {  	_ =	shalt  }
0x83: {  	_ =	shalt  }
0x84: {  	_ =	shalt  }
0x85: {  	_ =	shalt  }
0x86: {  	_ =	shalt  }
0x87: {  	_ =	shalt  }
.Lfunc_end0:
.L_simem_size_0:
called_computation.3_lowered:
.L_overlay_start_0:
0x88: {  	s2 =	sld [smem:$0x3FD9]  }
0x89: {  	s3 =	sld [smem:$0x3FFE];
	_ =	sdelay $0x1  }
0x8a: {  	s1 =	srdreg.scid  }
0x8b: {  	s0 =	sand.u32 $0x1, s1  }
0x8c: {  	s16 =	sshll.u32 s0, $0xA;
	s2 =	sadd.s32 s3, s2  }
0x8d: {  	s2 =	sadd.s32 s2, s16  }
0x8e: {  	[smem:$0x3FB8] =	sst s2  }
0x8f: {  	_ = 	snop  }
0x90: {  	(tm) =	ssettm $0x1  }
0x91: {  	s17 =	sld [smem:$0x3FFB];
	_ =	sdelay $0x3  }
0x92: {  	_ =	strace s17  }
0x93: {  	s2 =	sld [smem:$0x3FFC];
	_ =	sdelay $0x3  }
0x94: {  	_ =	strace s2  }
0x95: {  	s2 =	sld [smem:$0x3FFD];
	_ =	sdelay $0x3  }
0x96: {  	_ =	strace s2  }
0x97: {  	_ =	strace $0x8FFFFFFF  }
0x98: {  	s18 =	sld [smem:$0x3FDB];
	_ =	sdelay $0x1  }
0x99: {  	s19 =	simm.s32 $_scs_section_size  }
0x9a: {  	s4 =	simm.s32 $_size__tile_overlayer_lowered;
	s5 =	simm.s32 $_tile_overlayer_lowered  }
0x9b: {  	s22 =	simm.s32 $0x1BFF;
	s21 =	sshll.u32 s5, $0x1;
	s2 =	sadd.s32 s19, s18  }
0x9c: {  	s6 =	simm.s32 $0x0;
	s20 =	sshll.u32 s4, $0x1;
	s4 =	sadd.s32 s21, s2  }
0x9d: {  	[timem:s6], [sflag:s22] =	dma.local [hbm:s4], s20  }
0x9e: {  	_ =	swait.ge [sflag:s22], s20  }
0x9f: {  	s3 =	ssub.s32 $0x0, s20;
	[sflag:s22] =	ssyncset.done $0x0  }
0xa0: {  	[sflag:s22] =	ssyncadd.s32 s3;
	_ =	sdelay $0x1  }
0xa1: {  	s23 =	simm.s32 $0x1B8B  }
0xa2: {  	_ =	swait.ge [sflag:s23], $0x1  }
0xa3: {  	[sflag:s23] =	ssyncset.done $0x0  }
0xa4: {  	s25 =	simm.s32 $0x1B8E;
	s24 =	sld [smem:$0x3FFE];
	[sflag:s23] =	ssyncadd.s32 $0xFFFFFFFF  }
0xa5: {  	s26 =	simm.s32 $execute0_lowered;
	[smem:$0x3FD2] =	sst s25  }
0xa6: {  	s4 =	sshll.u32 s26, $0x1;
	_ =	strace $0x8000004F;
	[dreg:$0x1] =	wrdreg $0xFFFFFFFF  }
0xa7: {  	s28 =	simm.s32 $_size_execute0_lowered;
	s2 =	sadd.s32 s2, s4;
	[dreg:$0x0] =	wrdreg $0x0  }
0xa8: {  	s4 =	sshll.u32 s28, $0x1;
	[dreg:$0x2] =	wrdreg s2  }
0xa9: {  	[dreg:$0x3] =	wrdreg s4  }
0xaa: {  	[dreg:$0x4] =	wrdreg $0xC0  }
0xab: {  	_ =	task [dreg:s6], $0x5FFFF  }
0xac: {  	[dreg:$0x1] =	wrdreg $0xFFFFFFFF  }
0xad: {  	[dreg:$0x0] =	wrdreg $0x60  }
0xae: {  	[dreg:$0x2] =	wrdreg s24  }
0xaf: {  	[dreg:$0x3] =	wrdreg $0xA0000  }
0xb0: {  	[dreg:$0x4] =	wrdreg $0x9  }
0xb1: {  	_ =	task.clear_ibuf [dreg:s6], $0x5FFFF;
	_ =	strace $0x9000004F  }
0xb2: {  	s29 =	simm.s32 $0x9;
	_ =	strace $0x80000051  }
0xb3: {  	_ =	swait.ge [sflag:s29], $0x1  }
0xb4: {  	[sflag:s29] =	ssyncadd.s32 $0xFFFFFFFF  }
0xb5: {  	_ =	strace $0x90000051  }
0xb6: {  	_ =	sfence  }
0xb7: {  	s30 =	sld [smem:$0x0];
	_ =	sdelay $0x2  }
0xb8: {  	s31 =	sshll.u32 s1, $0xD;
	s1 =	sshrl.u32 s1, $0x2  }
0xb9: {  	s3 =	sand.u32 $0x4000, s31;
	s1 =	sadd.s32 s1, s30  }
0xba: {  	s0 =	sor.u32 s3, s0;
	s1 =	sshll.u32 s1, $0x11  }
0xbb: {  	s0 =	sor.u32 s1, s0  }
0xbc: {  	s0 =	sadd.s32 $0x8F2B, s0  }
0xbd: {  	[sflag:s0] =	ssyncadd.remote.s32 $0x1  }
0xbe: {  	_ =	sfence.sel $0xFFFF  }
0xbf: {  	[dreg:$0x0] =	wrdreg $0xFFFFFFFF;
	(pc) =	sbr.abs _section_cstart, $3  }
0xc0: {  	[dreg:$0x1] =	wrdreg $0xFFFFFFFF  }
0xc1: {  	_ =	task.clear_ibuf [dreg:s6], $0x2FFFF;
	_ =	strace $0x9FFFFFFF  }
0xc2: {  	(tm) =	ssettm $0x7FFFFFFF  }
0xc3: {  	_ =	shalt  }
tec
execute0_lowered:
.L_overlay_start_1:
0x0: {  	(tag) =	ssettag $0x1  }
0x1: {  	s5 =	rddreg [dreg:$0x0]  }
0x2: {  	s1 =	rddreg [dreg:$0x1];
	s2 =	srdreg.scid  }
0x3: {  	s0 =	rddreg [dreg:$0x2];
	s3 =	simm.s32 $0x0;
	s14 =	simm.s32 $0x2000  }
0x4: {  	s15 =	simm.s32 $0x1;
	s16 =	simm.s32 $0x6000;
	s6 =	sand.u32 $0x1, s2  }
0x5: {  	s17 =	simm.s32 $0x2;
	s2 =	stileid.u32;
	s4 =	smul.u32 $0x27100, s6  }
0x6: {  	s18 =	simm.s32 $0xF80;
	s19 =	simm.s32 $0x1F00;
	s7 =	smul.u32 $0xA00, s2  }
0x7: {  	s20 =	simm.s32 $0x1F80;
	[smem:$0x7FF] =	sst s3;
	s8 =	smul.u32 $0x28000, s6  }
0x8: {  	_ =	strace $0x80000050;
	s10 =	smul.u32 $0x50000, s2;
	s29 =	ssub.s32 $0x2, s6  }
0x9: {  	s31 =	sshll.u32 s2, $0x6;
	s22 =	smul.u32 $0x2800, s2;
	s6 =	sshrl.u32 s29, $0x1  }
0xa: {  	s9 =	sadd.s32 s4, s5;
	s7 =	sadd.s32 s7, s5;
	s4 =	sadd.s32 $0xE400, s5  }
0xb: {  	s11 =	sadd.s32 s8, s5;
	s30 =	sshrl.u32 s10, $0x2;
	s12 =	ssub.s32 s29, s6  }
0xc: {  	s5 =	sor.u32 $0x1C03, s31;
	s13 =	sadd.s32 s30, s1;
	s6 =	sadd.s32 $0x60C00, s7  }
0xd: {  	s7 =	sadd.s32 $0x4400, s7;
	s8 =	sadd.s32 $0xBAC00, s9;
	s21 =	sadd.s32 $0x6AC00, s11  }
0xe: {  	s9 =	smax.u32 s12, $0x1;
	s11 =	simm.s32 $0x3;
	s12 =	simm.s32 $0x1000  }
0xf: {  	s10 =	sshrl.u32 s13, $0x3;
	s13 =	simm.s32 $0x80;
	s21 =	sadd.s32 s22, s21  }
.LBB2_1:
0x10: {  	[spmem:s10], [sflag:s5] =	dma.local [hbm:s4], $0x2800  }
0x11: {  	_ =	swait.ge [sflag:s11], $0x2800  }
0x12: {  	[sflag:s11] =	ssyncset.done $0x0  }
0x13: {  	[sflag:s11] =	ssyncadd.s32 $0xFFFFD800  }
0x14: {  	s22 =	simm.s32 $0x0;
	[bflag:$0x0] =	sbarrier.arrive $0xFFFF  }
.LBB2_2:
0x15: {  	s23 =	sshll.u32 s22, $0x9  }
0x16: {  	s25 =	simm.s32 $0x0;
	s24 =	sadd.s32 s23, s6  }
0x17: {  	[tilespmem:s25], [sflag:$0x3] =	stream.linear.gather [hbm4b:s24+s25], $0x1000, $0x38;
	[tilespmem:$0x1E000] =	vst v63  }
0x18: {  	_ =	swait.ge [sflag:s11], $0x1000  }
0x19: {  	[sflag:s11] =	ssyncset.done $0x0  }
0x1a: {  	s23 =	sadd.s32 s23, s7;
	[sflag:s11] =	ssyncadd.s32 $0xFFFFF000  }
0x1b: {  	[tilespmem:s12], [sflag:$0x3] =	stream.linear.gather [hbm4b:s23+s25], $0x1000, $0x38;
	[tilespmem:$0x1E000] =	vst v63  }
0x1c: {  	_ =	swait.ge [sflag:s11], $0x1000  }
0x1d: {  	[sflag:s11] =	ssyncset.done $0x0  }
0x1e: {  	[sflag:s11] =	ssyncadd.s32 $0xFFFFF000  }
0x1f: {  	[tilespmem:s14], [sflag:$0x1] =	stream.indirect.gather [hbm4b:s8+s13], $0x80, s25, s13, $0xb8;
	[tilespmem:$0x1E000] =	vst v63  }
0x20: {  	_ =	swait.ge [sflag:s15], $0x4000  }
0x21: {  	[sflag:s15] =	ssyncset.done $0x0  }
0x22: {  	s28 =	simm.s32 $0x80;
	[sflag:s15] =	ssyncadd.s32 $0xFFFFC000  }
0x23: {  	[tilespmem:s16], [sflag:$0x2] =	stream.indirect.gather [hbm4b:s8+s13], $0x80, s28, s13, $0xb8;
	[tilespmem:$0x1E000] =	vst v63  }
0x24: {  	s29 =	simm.s32 $0x1000  }
0x25: {  	[spmem:s1] =	stream.indirect.scatter.add.f32 [tilespmem:s14], [sflag:$0x3], $0x80, s29, s13, $0xb8;
	[tilespmem:$0x1E000] =	vst v63  }
0x26: {  	_ =	swait.ge [sflag:s11], $0x4000  }
0x27: {  	[sflag:s11] =	ssyncset.done $0x0  }
0x28: {  	[sflag:s11] =	ssyncadd.s32 $0xFFFFC000  }
0x29: {  	_ =	swait.ge [sflag:s17], $0x4000  }
0x2a: {  	[sflag:s17] =	ssyncset.done $0x0  }
0x2b: {  	s30 =	simm.s32 $0x100;
	[sflag:s17] =	ssyncadd.s32 $0xFFFFC000  }
0x2c: {  	[tilespmem:s14], [sflag:$0x1] =	stream.indirect.gather [hbm4b:s8+s13], $0x80, s30, s13, $0xb8;
	[tilespmem:$0x1E000] =	vst v63  }
0x2d: {  	s31 =	simm.s32 $0x1080  }
0x2e: {  	[spmem:s1] =	stream.indirect.scatter.add.f32 [tilespmem:s16], [sflag:$0x3], $0x80, s31, s13, $0xb8;
	[tilespmem:$0x1E000] =	vst v63  }
0x2f: {  	_ =	swait.ge [sflag:s11], $0x4000  }
0x30: {  	s23 =	simm.s32 $0x400;
	[sflag:s11] =	ssyncset.done $0x0  }
.LBB2_3:
0x31: {  	p0 =	sne.s32 s23, $0x3800  }
0x32: {  	[sflag:s11] =	ssyncadd.s32 $0xFFFFC000;
	s24 =	smov.u32 s23;
	s23 =	sadd.s32 $0x400, s23  }
0x33: {  	_ = 	snop  }
0x34: {  	_ =	swait.ge [sflag:s15], $0x4000  }
0x35: {  	s24 =	sshra.s32 s24, $0x2;
	[sflag:s15] =	ssyncset.done $0x0  }
0x36: {  	s25 =	sadd.s32 $0x80, s24;
	[sflag:s15] =	ssyncadd.s32 $0xFFFFC000  }
0x37: {  	[tilespmem:s16], [sflag:$0x2] =	stream.indirect.gather [hbm4b:s8+s13], $0x80, s25, s13, $0xb8;
	[tilespmem:$0x1E000] =	vst v63  }
0x38: {  	s25 =	sadd.s32 $0x1000, s24  }
0x39: {  	[spmem:s1] =	stream.indirect.scatter.add.f32 [tilespmem:s14], [sflag:$0x3], $0x80, s25, s13, $0xb8;
	[tilespmem:$0x1E000] =	vst v63  }
0x3a: {  	_ =	swait.ge [sflag:s11], $0x4000  }
0x3b: {  	[sflag:s11] =	ssyncset.done $0x0  }
0x3c: {  	[sflag:s11] =	ssyncadd.s32 $0xFFFFC000  }
0x3d: {  	_ =	swait.ge [sflag:s17], $0x4000  }
0x3e: {  	[sflag:s17] =	ssyncset.done $0x0  }
0x3f: {  	s25 =	sadd.s32 $0x100, s24;
	[sflag:s17] =	ssyncadd.s32 $0xFFFFC000  }
0x40: {  	[tilespmem:s14], [sflag:$0x1] =	stream.indirect.gather [hbm4b:s8+s13], $0x80, s25, s13, $0xb8;
	[tilespmem:$0x1E000] =	vst v63  }
.Ltmp0:
0x41: {  	_ = 	snop;
	(pc) =	sbr.rel @p0 .LBB2_3-.Ltmp0, $4  }
0x42: {  	s24 =	sadd.s32 $0x1080, s24  }
0x43: {  	[spmem:s1] =	stream.indirect.scatter.add.f32 [tilespmem:s16], [sflag:$0x3], $0x80, s24, s13, $0xb8;
	[tilespmem:$0x1E000] =	vst v63  }
0x44: {  	_ =	swait.ge [sflag:s11], $0x4000  }
0x45: {  	[sflag:s11] =	ssyncset.done $0x0  }
0x46: {  	[sflag:s11] =	ssyncadd.s32 $0xFFFFC000  }
0x47: {  	_ =	swait.ge [sflag:s15], $0x4000  }
0x48: {  	[sflag:s15] =	ssyncset.done $0x0  }
0x49: {  	[sflag:s15] =	ssyncadd.s32 $0xFFFFC000  }
0x4a: {  	[tilespmem:s16], [sflag:$0x2] =	stream.indirect.gather [hbm4b:s8+s13], $0x80, s18, s13, $0xb8;
	[tilespmem:$0x1E000] =	vst v63  }
0x4b: {  	_ = 	snop  }
0x4c: {  	[spmem:s1] =	stream.indirect.scatter.add.f32 [tilespmem:s14], [sflag:$0x3], $0x80, s19, s13, $0xb8;
	[tilespmem:$0x1E000] =	vst v63  }
0x4d: {  	_ =	swait.ge [sflag:s11], $0x4000  }
0x4e: {  	[sflag:s11] =	ssyncset.done $0x0  }
0x4f: {  	[sflag:s11] =	ssyncadd.s32 $0xFFFFC000  }
0x50: {  	s22 =	sadd.s32 $0x1, s22;
	_ =	swait.ge [sflag:s17], $0x4000  }
0x51: {  	p0 =	sne.s32 s22, $0x5;
	[sflag:s17] =	ssyncset.done $0x0  }
.Ltmp1:
0x52: {  	[sflag:s17] =	ssyncadd.s32 $0xFFFFC000;
	(pc) =	sbr.rel @p0 .LBB2_2-.Ltmp1, $4  }
0x53: {  	[spmem:s1] =	stream.indirect.scatter.add.f32 [tilespmem:s16], [sflag:$0x3], $0x80, s20, s13, $0xb8;
	[tilespmem:$0x1E000] =	vst v63  }
0x54: {  	_ =	swait.ge [sflag:s11], $0x4000  }
0x55: {  	[sflag:s11] =	ssyncset.done $0x0  }
0x56: {  	[sflag:s11] =	ssyncadd.s32 $0xFFFFC000  }
0x57: {  	s3 =	sadd.s32 $0x1, s3  }
0x58: {  	p0 =	sne.s32 s3, s9  }
.Ltmp2:
0x59: {  	[bflag:$0x0] =	sbarrier.arrive $0xFFFF;
	(pc) =	sbr.rel @p0 .LBB2_1-.Ltmp2, $4  }
0x5a: {  	[hbm:s21], [sflag:s5] =	dma.local [spmem:s10], $0x2800  }
0x5b: {  	_ =	swait.ge [sflag:s11], $0x2800  }
0x5c: {  	[sflag:s11] =	ssyncset.done $0x0  }
0x5d: {  	[sflag:s11] =	ssyncadd.s32 $0xFFFFD800  }
0x5e: {  	_ =	sfence.sel $0x180000  }
0x5f: {  	[bflag:$0x0] =	sbarrier.arrive $0xFFFF  }
0x60: {  	p0 =	sne.s32 s2, $0x0;
	_ =	strace $0x90000050  }
0x61: {  	s0 =	sadd.s32 @!p0 $0x100000, s0;
	[bflag:$0x2] =	sbarrier.arrive $0xFFFF  }
0x62: {  	[sflag:s0] =	ssyncadd.tile.s32 @!p0 $0x1;
	_ =	shalt  }
.Lfunc_end2:
_tile_overlayer_lowered:
.L_overlay_start_2:
0x63: {  	(tag) =	ssettag $0x2  }
0x64: {  	s0 =	rddreg [dreg:$0x0];
	s2 =	stileid.u32  }
0x65: {  	s1 =	rddreg [dreg:$0x1];
	p0 =	sne.s32 s2, $0x0  }
0x66: {  	s3 =	rddreg [dreg:$0x2];
	[bflag:$0x3] =	sbarrier.arrive $0xFFFF;
	s2 =	simm.s32 @!p0 $0x1C03  }
0x67: {  	[timem:s3], [sflag:s2] =	dma.local @!p0 [hbm:s0], s1  }
0x68: {  	s0 =	simm.s32 @!p0 $0x3  }
0x69: {  	_ =	swait.ge @!p0 [sflag:s0], s1  }
0x6a: {  	s1 =	ssub.s32 @!p0 $0x0, s1;
	[sflag:s0] =	ssyncset.done @!p0 $0x0  }
0x6b: {  	[sflag:s0] =	ssyncadd.s32 @!p0 s1  }
0x6c: {  	[bflag:$0x3] =	sbarrier.arrive $0xFFFF  }
0x6d: {  	_ =	shalt  }

// kernel: kernel.24.cloned.1.call-start
scs
__scs_entry_jumppad:
0x0: {  	(pc) =	sbr.rel $0x88, $3  }
0x1: {  	(tag) =	ssettag $0x0;
	lr =	simm.s32 $0x1  }
0x2: {  	[smem:$0x3F91] =	sst lr;
	_ =	strace $0xD0000000  }
0x3: {  	_ = 	snop  }
0x4: {  	_ = 	snop  }
0x5: {  	_ = 	snop  }
0x6: {  	_ = 	snop  }
0x7: {  	_ = 	snop  }
__scs_overlays_trampoline_lowered:
0x8: {  	[smem:$0x3FA0] =	sst s0  }
0x9: {  	[smem:$0x3FA1] =	sst s1  }
0xa: {  	[smem:$0x3FA2] =	sst s2  }
0xb: {  	[smem:$0x3FA3] =	sst s3  }
0xc: {  	[smem:$0x3FA4] =	sst s4  }
0xd: {  	[smem:$0x3FA5] =	sst s5  }
0xe: {  	[smem:$0x3FA6] =	sst s6  }
0xf: {  	[smem:$0x3FA7] =	sst s7  }
0x10: {  	[smem:$0x3FA8] =	sst s8  }
0x11: {  	[smem:$0x3FA9] =	sst s9;
	s0 =	simm.s32 @!p0 $0x0  }
0x12: {  	s1 =	sld [smem:$0x3F8F];
	s0 =	simm.s32 @p0 $0x1  }
0x13: {  	[smem:$0x3FAA] =	sst s0;
	s0 =	simm.s32 @!p1 $0x0  }
0x14: {  	s2 =	sld [smem:$0x3F8E];
	s0 =	simm.s32 @p1 $0x1  }
0x15: {  	[smem:$0x3FAB] =	sst s0;
	s0 =	simm.s32 @!p2 $0x0  }
0x16: {  	s3 =	sld [smem:$0x3FDB];
	s0 =	simm.s32 @p2 $0x1  }
0x17: {  	s4 =	simm.s32 $0x1BF5;
	[smem:$0x3FAD] =	sst s0  }
0x18: {  	s0 =	sld [smem:$0x3F90];
	_ =	swait.ge [sflag:s4], $0x0  }
0x19: {  	s7 =	sld [smem:$0x3F91]  }
0x1a: {  	s8 =	sadd.s32 $0xFFFFE003, lr  }
0x1b: {  	s9 =	sadd.s32 $0xFFFFFEF7, lr;
	s5 =	simm.s32 $0xFFFFFFFF;
	p2 =	slt.u32 s8, $0xFFFFF086  }
0x1c: {  	p1 =	slt.u32 s9, $0xF7A;
	s5 =	simm.s32 @!p2 $0x0  }
0x1d: {  	s5 =	simm.s32 @p1 $0x1;
	p0 =	seq.s32 s7, s2  }
0x1e: {  	s7 =	smul.u32 @!p0 $0xF7A, s2;
	p2 =	seq.s32 @!p0 s5, $0x0  }
0x1f: {  	s9 =	smul.u32 $0xF7A, s1;
	s8 =	simm.s32 @!p0 $0x1BF5;
	p2 =	por !p2, p0  }
0x20: {  	[sflag:s8] =	ssyncset.s32 @!p0 $0xFFFFF086;
	s6 =	sadd.s32 @!p0 s3, s7;
	s7 =	simm.s32 @!p0 $0x108  }
0x21: {  	s3 =	sadd.s32 s3, s9;
	s6 =	sadd.s32 @!p0 $0x88, s6;
	s7 =	simm.s32 @p2 $0x1082  }
0x22: {  	[simem:s7], [sflag:s8] =	dma.local @!p0 [hbm:s6], $0xF7A  }
0x23: {  	s9 =	sor.u32 $0xD0000000, s2;
	s6 =	simm.s32 $0x108;
	_ =	swait.ge @!p0 [sflag:s8], $0x0  }
0x24: {  	s3 =	sadd.s32 $0x88, s3;
	s6 =	simm.s32 @!p1 $0x1082;
	[sflag:s4] =	ssyncset.s32 $0xFFFFF086  }
0x25: {  	[simem:s6], [sflag:s4] =	dma.local [hbm:s3], $0xF7A  }
0x26: {  	[smem:$0x3F91] =	sst s1;
	(tag) =	ssettag s2;
	_ =	strace s9  }
0x27: {  	s1 =	sld [smem:$0x3FA1]  }
0x28: {  	s2 =	sld [smem:$0x3FA2]  }
0x29: {  	s4 =	sld [smem:$0x3FA4]  }
0x2a: {  	p0 =	seq.s32 s5, $0x0;
	s5 =	sld [smem:$0x3FA5]  }
0x2b: {  	s6 =	sld [smem:$0x3FA6]  }
0x2c: {  	s7 =	sld [smem:$0x3FA7]  }
0x2d: {  	s3 =	simm.s32 $0x108;
	s8 =	sld [smem:$0x3FA8]  }
0x2e: {  	s3 =	simm.s32 @!p0 $0x1082;
	s9 =	sld [smem:$0x3FA9]  }
0x2f: {  	lr =	sadd.s32 s0, s3;
	s0 =	sld [smem:$0x3FA0]  }
0x30: {  	s3 =	sld [smem:$0x3FA3]  }
0x31: {  	[smem:$0x3FAC] =	sst s10  }
0x32: {  	s10 =	sld [smem:$0x3FAA];
	_ =	sdelay $0x3  }
0x33: {  	p0 =	seq.s32 s10, $0x1;
	s10 =	sld [smem:$0x3FAC];
	_ =	sdelay $0x3  }
0x34: {  	[smem:$0x3FAC] =	sst s10  }
0x35: {  	s10 =	sld [smem:$0x3FAB];
	_ =	sdelay $0x3  }
0x36: {  	p1 =	seq.s32 s10, $0x1;
	s10 =	sld [smem:$0x3FAC];
	_ =	sdelay $0x3  }
0x37: {  	[smem:$0x3FAC] =	sst s10  }
0x38: {  	s10 =	sld [smem:$0x3FAD]  }
0x39: {  	_ = 	snop;
	(pc) =	sbr.ind lr, $3  }
0x3a: {  	_ = 	snop  }
0x3b: {  	_ = 	snop  }
0x3c: {  	p2 =	seq.s32 s10, $0x1;
	s10 =	sld [smem:$0x3FAC]  }
0x3d: {  	_ =	shalt  }
0x3e: {  	_ =	shalt  }
0x3f: {  	_ =	shalt  }
0x40: {  	_ =	shalt  }
0x41: {  	_ =	shalt  }
0x42: {  	_ =	shalt  }
0x43: {  	_ =	shalt  }
0x44: {  	_ =	shalt  }
0x45: {  	_ =	shalt  }
0x46: {  	_ =	shalt  }
0x47: {  	_ =	shalt  }
0x48: {  	_ =	shalt  }
0x49: {  	_ =	shalt  }
0x4a: {  	_ =	shalt  }
0x4b: {  	_ =	shalt  }
0x4c: {  	_ =	shalt  }
0x4d: {  	_ =	shalt  }
0x4e: {  	_ =	shalt  }
0x4f: {  	_ =	shalt  }
0x50: {  	_ =	shalt  }
0x51: {  	_ =	shalt  }
0x52: {  	_ =	shalt  }
0x53: {  	_ =	shalt  }
0x54: {  	_ =	shalt  }
0x55: {  	_ =	shalt  }
0x56: {  	_ =	shalt  }
0x57: {  	_ =	shalt  }
0x58: {  	_ =	shalt  }
0x59: {  	_ =	shalt  }
0x5a: {  	_ =	shalt  }
0x5b: {  	_ =	shalt  }
0x5c: {  	_ =	shalt  }
0x5d: {  	_ =	shalt  }
0x5e: {  	_ =	shalt  }
0x5f: {  	_ =	shalt  }
0x60: {  	_ =	shalt  }
0x61: {  	_ =	shalt  }
0x62: {  	_ =	shalt  }
0x63: {  	_ =	shalt  }
0x64: {  	_ =	shalt  }
0x65: {  	_ =	shalt  }
0x66: {  	_ =	shalt  }
0x67: {  	_ =	shalt  }
0x68: {  	_ =	shalt  }
0x69: {  	_ =	shalt  }
0x6a: {  	_ =	shalt  }
0x6b: {  	_ =	shalt  }
0x6c: {  	_ =	shalt  }
0x6d: {  	_ =	shalt  }
0x6e: {  	_ =	shalt  }
0x6f: {  	_ =	shalt  }
0x70: {  	_ =	shalt  }
0x71: {  	_ =	shalt  }
0x72: {  	_ =	shalt  }
0x73: {  	_ =	shalt  }
0x74: {  	_ =	shalt  }
0x75: {  	_ =	shalt  }
0x76: {  	_ =	shalt  }
0x77: {  	_ =	shalt  }
0x78: {  	_ =	shalt  }
0x79: {  	_ =	shalt  }
0x7a: {  	_ =	shalt  }
0x7b: {  	_ =	shalt  }
0x7c: {  	_ =	shalt  }
0x7d: {  	_ =	shalt  }
0x7e: {  	_ =	shalt  }
0x7f: {  	_ =	shalt  }
0x80: {  	_ =	shalt  }
0x81: {  	_ =	shalt  }
0x82: {  	_ =	shalt  }
0x83: {  	_ =	shalt  }
0x84: {  	_ =	shalt  }
0x85: {  	_ =	shalt  }
0x86: {  	_ =	shalt  }
0x87: {  	_ =	shalt  }
.Lfunc_end0:
.L_simem_size_0:
called_computation.4_lowered:
.L_overlay_start_0:
0x88: {  	s2 =	sld [smem:$0x3FD9]  }
0x89: {  	s3 =	sld [smem:$0x3FFE];
	_ =	sdelay $0x1  }
0x8a: {  	s1 =	srdreg.scid  }
0x8b: {  	s0 =	sand.u32 $0x1, s1  }
0x8c: {  	s17 =	sshll.u32 s0, $0xA;
	s2 =	sadd.s32 s3, s2  }
0x8d: {  	s2 =	sadd.s32 s2, s17  }
0x8e: {  	[smem:$0x3FB8] =	sst s2  }
0x8f: {  	_ = 	snop  }
0x90: {  	s2 =	sld [smem:$0x3FD0];
	(tm) =	ssettm $0x1  }
0x91: {  	s18 =	sld [smem:$0x3FFB];
	_ =	sdelay $0x3  }
0x92: {  	_ =	strace s18  }
0x93: {  	s3 =	sld [smem:$0x3FFC];
	_ =	sdelay $0x3  }
0x94: {  	_ =	strace s3  }
0x95: {  	s3 =	sld [smem:$0x3FFD];
	_ =	sdelay $0x3  }
0x96: {  	_ =	strace s3  }
0x97: {  	_ =	strace $0x8FFFFFFF  }
0x98: {  	s19 =	sld [smem:$0x3FDB];
	_ =	sdelay $0x1  }
0x99: {  	s4 =	simm.s32 $_scs_section_size  }
0x9a: {  	s5 =	simm.s32 $_size__tile_overlayer_lowered;
	s6 =	simm.s32 $_tile_overlayer_lowered  }
0x9b: {  	s22 =	simm.s32 $0x1BFF;
	s21 =	sshll.u32 s6, $0x1;
	s3 =	sadd.s32 s4, s19  }
0x9c: {  	s7 =	simm.s32 $0x0;
	s20 =	sshll.u32 s5, $0x1;
	s5 =	sadd.s32 s21, s3  }
0x9d: {  	[timem:s7], [sflag:s22] =	dma.local [hbm:s5], s20  }
0x9e: {  	_ =	swait.ge [sflag:s22], s20  }
0x9f: {  	s4 =	ssub.s32 $0x0, s20;
	[sflag:s22] =	ssyncset.done $0x0  }
0xa0: {  	[sflag:s22] =	ssyncadd.s32 s4;
	_ =	sdelay $0x1  }
0xa1: {  	s23 =	simm.s32 $0x1B8B  }
0xa2: {  	_ =	swait.ge [sflag:s23], $0x1  }
0xa3: {  	[sflag:s23] =	ssyncset.done $0x0  }
0xa4: {  	s25 =	simm.s32 $0x1B8E;
	s24 =	sld [smem:$0x3FFE];
	[sflag:s23] =	ssyncadd.s32 $0xFFFFFFFF  }
0xa5: {  	s26 =	simm.s32 $execute0_lowered;
	[smem:$0x3FD2] =	sst s25  }
0xa6: {  	s5 =	sshll.u32 s26, $0x1;
	_ =	strace $0x80000052;
	[dreg:$0x1] =	wrdreg $0xFFFFFFFF  }
0xa7: {  	s28 =	simm.s32 $_size_execute0_lowered;
	s3 =	sadd.s32 s3, s5;
	[dreg:$0x0] =	wrdreg $0x0  }
0xa8: {  	s5 =	sshll.u32 s28, $0x1;
	[dreg:$0x2] =	wrdreg s3  }
0xa9: {  	[dreg:$0x3] =	wrdreg s5  }
0xaa: {  	[dreg:$0x4] =	wrdreg $0xC0  }
0xab: {  	_ =	task [dreg:s7], $0x5FFFF  }
0xac: {  	[dreg:$0x1] =	wrdreg $0xFFFFFFFF  }
0xad: {  	[dreg:$0x0] =	wrdreg $0x60  }
0xae: {  	[dreg:$0x2] =	wrdreg s2  }
0xaf: {  	[dreg:$0x3] =	wrdreg s24  }
0xb0: {  	[dreg:$0x4] =	wrdreg $0xA8000  }
0xb1: {  	[dreg:$0x5] =	wrdreg $0x9  }
0xb2: {  	_ =	task.clear_ibuf [dreg:s7], $0x6FFFF;
	_ =	strace $0x90000052  }
0xb3: {  	s29 =	simm.s32 $0x9;
	_ =	strace $0x80000054  }
0xb4: {  	_ =	swait.ge [sflag:s29], $0x1  }
0xb5: {  	[sflag:s29] =	ssyncadd.s32 $0xFFFFFFFF  }
0xb6: {  	_ =	strace $0x90000054  }
0xb7: {  	_ =	sfence  }
0xb8: {  	s30 =	sld [smem:$0x0];
	_ =	sdelay $0x2  }
0xb9: {  	s31 =	sshll.u32 s1, $0xD;
	s1 =	sshrl.u32 s1, $0x2  }
0xba: {  	s3 =	sand.u32 $0x4000, s31;
	s1 =	sadd.s32 s1, s30  }
0xbb: {  	s0 =	sor.u32 s3, s0;
	s1 =	sshll.u32 s1, $0x11  }
0xbc: {  	s0 =	sor.u32 s1, s0  }
0xbd: {  	s0 =	sadd.s32 $0x8F2B, s0  }
0xbe: {  	[sflag:s0] =	ssyncadd.remote.s32 $0x1  }
0xbf: {  	_ =	sfence.sel $0xFFFF  }
0xc0: {  	[dreg:$0x0] =	wrdreg $0xFFFFFFFF;
	(pc) =	sbr.abs _section_cstart, $3  }
0xc1: {  	[dreg:$0x1] =	wrdreg $0xFFFFFFFF  }
0xc2: {  	_ =	task.clear_ibuf [dreg:s7], $0x2FFFF;
	_ =	strace $0x9FFFFFFF  }
0xc3: {  	(tm) =	ssettm $0x7FFFFFFF  }
tec
execute0_lowered:
.L_overlay_start_1:
0x0: {  	(tag) =	ssettag $0x1  }
0x1: {  	s1 =	rddreg [dreg:$0x0]  }
0x2: {  	s6 =	rddreg [dreg:$0x1]  }
0x3: {  	s2 =	rddreg [dreg:$0x2];
	s4 =	srdreg.scid  }
0x4: {  	s0 =	rddreg [dreg:$0x3];
	s3 =	simm.s32 $0x0;
	s14 =	simm.s32 $0x2800  }
0x5: {  	s15 =	simm.s32 $0x1;
	s16 =	simm.s32 $0x6800;
	s7 =	sand.u32 $0x1, s4  }
0x6: {  	s17 =	simm.s32 $0x2;
	s18 =	simm.s32 $0x1380;
	s5 =	smul.u32 $0x5000, s7  }
0x7: {  	s19 =	simm.s32 $0x2700;
	s4 =	stileid.u32;
	s8 =	smul.u32 $0x28000, s7  }
0x8: {  	s20 =	simm.s32 $0x2780;
	[smem:$0x7FF] =	sst s3;
	s9 =	smul.u32 $0x50000, s4  }
0x9: {  	_ =	strace $0x80000053;
	s7 =	ssub.s32 $0x2, s7;
	s12 =	smul.u32 $0x500, s4  }
0xa: {  	s31 =	sshll.u32 s4, $0x6;
	s24 =	smul.u32 $0x2800, s4;
	s30 =	sshrl.u32 s7, $0x1  }
0xb: {  	s10 =	sadd.s32 s5, s6;
	s5 =	sadd.s32 $0xE400, s6;
	s8 =	sadd.s32 s8, s6  }
0xc: {  	s9 =	sshrl.u32 s9, $0x2;
	s7 =	ssub.s32 s7, s30;
	s6 =	sor.u32 $0x1C03, s31  }
0xd: {  	s9 =	sadd.s32 s9, s2;
	s11 =	sadd.s32 $0x60C00, s10;
	s13 =	sadd.s32 $0x4400, s10  }
0xe: {  	s23 =	sadd.s32 $0x10C00, s8;
	s7 =	smax.u32 s7, $0x1;
	s8 =	sshrl.u32 s9, $0x3  }
0xf: {  	s9 =	simm.s32 $0x3;
	s10 =	sadd.s32 s12, s11;
	s11 =	sadd.s32 s12, s13  }
0x10: {  	s12 =	simm.s32 $0x1400;
	s13 =	simm.s32 $0x80;
	s23 =	sadd.s32 s24, s23  }
0x11: {  	s24 =	simm.s32 $0x0;
	s21 =	sadd.s32 $0x280, s10;
	s22 =	sadd.s32 $0x280, s11  }
.LBB2_1:
0x12: {  	[spmem:s8], [sflag:s6] =	dma.local [hbm:s5], $0x2800  }
0x13: {  	_ =	swait.ge [sflag:s9], $0x2800  }
0x14: {  	[sflag:s9] =	ssyncset.done $0x0  }
0x15: {  	[sflag:s9] =	ssyncadd.s32 $0xFFFFD800  }
0x16: {  	[bflag:$0x0] =	sbarrier.arrive $0xFFFF  }
0x17: {  	[tilespmem:s3], [sflag:$0x3] =	stream.linear.gather [hbm4b:s10+s3], $0x1400, $0x38;
	[tilespmem:$0x1E800] =	vst v63  }
0x18: {  	_ =	swait.ge [sflag:s9], $0x1400  }
0x19: {  	[sflag:s9] =	ssyncset.done $0x0  }
0x1a: {  	[sflag:s9] =	ssyncadd.s32 $0xFFFFEC00  }
0x1b: {  	[tilespmem:s12], [sflag:$0x3] =	stream.linear.gather [hbm4b:s11+s3], $0x1400, $0x38;
	[tilespmem:$0x1E800] =	vst v63  }
0x1c: {  	_ =	swait.ge [sflag:s9], $0x1400  }
0x1d: {  	[sflag:s9] =	ssyncset.done $0x0  }
0x1e: {  	[sflag:s9] =	ssyncadd.s32 $0xFFFFEC00  }
0x1f: {  	[tilespmem:s14], [sflag:$0x1] =	stream.indirect.gather [hbm4b:s1+s13], $0x80, s3, s13, $0xb8;
	[tilespmem:$0x1E800] =	vst v63  }
0x20: {  	_ =	swait.ge [sflag:s15], $0x4000  }
0x21: {  	[sflag:s15] =	ssyncset.done $0x0  }
0x22: {  	s25 =	simm.s32 $0x80;
	[sflag:s15] =	ssyncadd.s32 $0xFFFFC000  }
0x23: {  	[tilespmem:s16], [sflag:$0x2] =	stream.indirect.gather [hbm4b:s1+s13], $0x80, s25, s13, $0xb8;
	[tilespmem:$0x1E800] =	vst v63  }
0x24: {  	s29 =	simm.s32 $0x1400  }
0x25: {  	[spmem:s2] =	stream.indirect.scatter.add.f32 [tilespmem:s14], [sflag:$0x3], $0x80, s29, s13, $0xb8;
	[tilespmem:$0x1E800] =	vst v63  }
0x26: {  	_ =	swait.ge [sflag:s9], $0x4000  }
0x27: {  	[sflag:s9] =	ssyncset.done $0x0  }
0x28: {  	[sflag:s9] =	ssyncadd.s32 $0xFFFFC000  }
0x29: {  	_ =	swait.ge [sflag:s17], $0x4000  }
0x2a: {  	[sflag:s17] =	ssyncset.done $0x0  }
0x2b: {  	s30 =	simm.s32 $0x100;
	[sflag:s17] =	ssyncadd.s32 $0xFFFFC000  }
0x2c: {  	[tilespmem:s14], [sflag:$0x1] =	stream.indirect.gather [hbm4b:s1+s13], $0x80, s30, s13, $0xb8;
	[tilespmem:$0x1E800] =	vst v63  }
0x2d: {  	s31 =	simm.s32 $0x1480  }
0x2e: {  	[spmem:s2] =	stream.indirect.scatter.add.f32 [tilespmem:s16], [sflag:$0x3], $0x80, s31, s13, $0xb8;
	[tilespmem:$0x1E800] =	vst v63  }
0x2f: {  	_ =	swait.ge [sflag:s9], $0x4000  }
0x30: {  	s25 =	simm.s32 $0x400;
	[sflag:s9] =	ssyncset.done $0x0  }
.LBB2_2:
0x31: {  	p0 =	sne.s32 s25, $0x4800  }
0x32: {  	[sflag:s9] =	ssyncadd.s32 $0xFFFFC000;
	s26 =	smov.u32 s25;
	s25 =	sadd.s32 $0x400, s25  }
0x33: {  	_ = 	snop  }
0x34: {  	_ =	swait.ge [sflag:s15], $0x4000  }
0x35: {  	s26 =	sshra.s32 s26, $0x2;
	[sflag:s15] =	ssyncset.done $0x0  }
0x36: {  	s28 =	sadd.s32 $0x80, s26;
	[sflag:s15] =	ssyncadd.s32 $0xFFFFC000  }
0x37: {  	[tilespmem:s16], [sflag:$0x2] =	stream.indirect.gather [hbm4b:s1+s13], $0x80, s28, s13, $0xb8;
	[tilespmem:$0x1E800] =	vst v63  }
0x38: {  	s28 =	sadd.s32 $0x1400, s26  }
0x39: {  	[spmem:s2] =	stream.indirect.scatter.add.f32 [tilespmem:s14], [sflag:$0x3], $0x80, s28, s13, $0xb8;
	[tilespmem:$0x1E800] =	vst v63  }
0x3a: {  	_ =	swait.ge [sflag:s9], $0x4000  }
0x3b: {  	[sflag:s9] =	ssyncset.done $0x0  }
0x3c: {  	[sflag:s9] =	ssyncadd.s32 $0xFFFFC000  }
0x3d: {  	_ =	swait.ge [sflag:s17], $0x4000  }
0x3e: {  	[sflag:s17] =	ssyncset.done $0x0  }
0x3f: {  	s28 =	sadd.s32 $0x100, s26;
	[sflag:s17] =	ssyncadd.s32 $0xFFFFC000  }
0x40: {  	[tilespmem:s14], [sflag:$0x1] =	stream.indirect.gather [hbm4b:s1+s13], $0x80, s28, s13, $0xb8;
	[tilespmem:$0x1E800] =	vst v63  }
.Ltmp0:
0x41: {  	_ = 	snop;
	(pc) =	sbr.rel @p0 .LBB2_2-.Ltmp0, $4  }
0x42: {  	s26 =	sadd.s32 $0x1480, s26  }
0x43: {  	[spmem:s2] =	stream.indirect.scatter.add.f32 [tilespmem:s16], [sflag:$0x3], $0x80, s26, s13, $0xb8;
	[tilespmem:$0x1E800] =	vst v63  }
0x44: {  	_ =	swait.ge [sflag:s9], $0x4000  }
0x45: {  	[sflag:s9] =	ssyncset.done $0x0  }
0x46: {  	[sflag:s9] =	ssyncadd.s32 $0xFFFFC000  }
0x47: {  	_ =	swait.ge [sflag:s15], $0x4000  }
0x48: {  	[sflag:s15] =	ssyncset.done $0x0  }
0x49: {  	[sflag:s15] =	ssyncadd.s32 $0xFFFFC000  }
0x4a: {  	[tilespmem:s16], [sflag:$0x2] =	stream.indirect.gather [hbm4b:s1+s13], $0x80, s18, s13, $0xb8;
	[tilespmem:$0x1E800] =	vst v63  }
0x4b: {  	_ = 	snop  }
0x4c: {  	[spmem:s2] =	stream.indirect.scatter.add.f32 [tilespmem:s14], [sflag:$0x3], $0x80, s19, s13, $0xb8;
	[tilespmem:$0x1E800] =	vst v63  }
0x4d: {  	_ =	swait.ge [sflag:s9], $0x4000  }
0x4e: {  	[sflag:s9] =	ssyncset.done $0x0  }
0x4f: {  	[sflag:s9] =	ssyncadd.s32 $0xFFFFC000  }
0x50: {  	_ =	swait.ge [sflag:s17], $0x4000  }
0x51: {  	[sflag:s17] =	ssyncset.done $0x0  }
0x52: {  	[sflag:s17] =	ssyncadd.s32 $0xFFFFC000  }
0x53: {  	[spmem:s2] =	stream.indirect.scatter.add.f32 [tilespmem:s16], [sflag:$0x3], $0x80, s20, s13, $0xb8;
	[tilespmem:$0x1E800] =	vst v63  }
0x54: {  	_ =	swait.ge [sflag:s9], $0x4000  }
0x55: {  	[sflag:s9] =	ssyncset.done $0x0  }
0x56: {  	s25 =	simm.s32 $0x0;
	[sflag:s9] =	ssyncadd.s32 $0xFFFFC000  }
0x57: {  	[tilespmem:s25], [sflag:$0x3] =	stream.linear.gather [hbm4b:s21+s25], $0x1400, $0x38;
	[tilespmem:$0x1E800] =	vst v63  }
0x58: {  	_ =	swait.ge [sflag:s9], $0x1400  }
0x59: {  	[sflag:s9] =	ssyncset.done $0x0  }
0x5a: {  	[sflag:s9] =	ssyncadd.s32 $0xFFFFEC00  }
0x5b: {  	[tilespmem:s12], [sflag:$0x3] =	stream.linear.gather [hbm4b:s22+s25], $0x1400, $0x38;
	[tilespmem:$0x1E800] =	vst v63  }
0x5c: {  	_ =	swait.ge [sflag:s9], $0x1400  }
0x5d: {  	[sflag:s9] =	ssyncset.done $0x0  }
0x5e: {  	[sflag:s9] =	ssyncadd.s32 $0xFFFFEC00  }
0x5f: {  	[tilespmem:s14], [sflag:$0x1] =	stream.indirect.gather [hbm4b:s1+s13], $0x80, s25, s13, $0xb8;
	[tilespmem:$0x1E800] =	vst v63  }
0x60: {  	_ =	swait.ge [sflag:s15], $0x4000  }
0x61: {  	[sflag:s15] =	ssyncset.done $0x0  }
0x62: {  	s28 =	simm.s32 $0x80;
	[sflag:s15] =	ssyncadd.s32 $0xFFFFC000  }
0x63: {  	[tilespmem:s16], [sflag:$0x2] =	stream.indirect.gather [hbm4b:s1+s13], $0x80, s28, s13, $0xb8;
	[tilespmem:$0x1E800] =	vst v63  }
0x64: {  	s29 =	simm.s32 $0x1400  }
0x65: {  	[spmem:s2] =	stream.indirect.scatter.add.f32 [tilespmem:s14], [sflag:$0x3], $0x80, s29, s13, $0xb8;
	[tilespmem:$0x1E800] =	vst v63  }
0x66: {  	_ =	swait.ge [sflag:s9], $0x4000  }
0x67: {  	[sflag:s9] =	ssyncset.done $0x0  }
0x68: {  	[sflag:s9] =	ssyncadd.s32 $0xFFFFC000  }
0x69: {  	_ =	swait.ge [sflag:s17], $0x4000  }
0x6a: {  	[sflag:s17] =	ssyncset.done $0x0  }
0x6b: {  	s30 =	simm.s32 $0x100;
	[sflag:s17] =	ssyncadd.s32 $0xFFFFC000  }
0x6c: {  	[tilespmem:s14], [sflag:$0x1] =	stream.indirect.gather [hbm4b:s1+s13], $0x80, s30, s13, $0xb8;
	[tilespmem:$0x1E800] =	vst v63  }
0x6d: {  	s31 =	simm.s32 $0x1480  }
0x6e: {  	[spmem:s2] =	stream.indirect.scatter.add.f32 [tilespmem:s16], [sflag:$0x3], $0x80, s31, s13, $0xb8;
	[tilespmem:$0x1E800] =	vst v63  }
0x6f: {  	_ =	swait.ge [sflag:s9], $0x4000  }
0x70: {  	s25 =	simm.s32 $0x400;
	[sflag:s9] =	ssyncset.done $0x0  }
.LBB2_4:
0x71: {  	p0 =	sne.s32 s25, $0x4800  }
0x72: {  	[sflag:s9] =	ssyncadd.s32 $0xFFFFC000;
	s26 =	smov.u32 s25;
	s25 =	sadd.s32 $0x400, s25  }
0x73: {  	_ = 	snop  }
0x74: {  	_ =	swait.ge [sflag:s15], $0x4000  }
0x75: {  	s26 =	sshra.s32 s26, $0x2;
	[sflag:s15] =	ssyncset.done $0x0  }
0x76: {  	s28 =	sadd.s32 $0x80, s26;
	[sflag:s15] =	ssyncadd.s32 $0xFFFFC000  }
0x77: {  	[tilespmem:s16], [sflag:$0x2] =	stream.indirect.gather [hbm4b:s1+s13], $0x80, s28, s13, $0xb8;
	[tilespmem:$0x1E800] =	vst v63  }
0x78: {  	s28 =	sadd.s32 $0x1400, s26  }
0x79: {  	[spmem:s2] =	stream.indirect.scatter.add.f32 [tilespmem:s14], [sflag:$0x3], $0x80, s28, s13, $0xb8;
	[tilespmem:$0x1E800] =	vst v63  }
0x7a: {  	_ =	swait.ge [sflag:s9], $0x4000  }
0x7b: {  	[sflag:s9] =	ssyncset.done $0x0  }
0x7c: {  	[sflag:s9] =	ssyncadd.s32 $0xFFFFC000  }
0x7d: {  	_ =	swait.ge [sflag:s17], $0x4000  }
0x7e: {  	[sflag:s17] =	ssyncset.done $0x0  }
0x7f: {  	s28 =	sadd.s32 $0x100, s26;
	[sflag:s17] =	ssyncadd.s32 $0xFFFFC000  }
0x80: {  	[tilespmem:s14], [sflag:$0x1] =	stream.indirect.gather [hbm4b:s1+s13], $0x80, s28, s13, $0xb8;
	[tilespmem:$0x1E800] =	vst v63  }
.Ltmp1:
0x81: {  	_ = 	snop;
	(pc) =	sbr.rel @p0 .LBB2_4-.Ltmp1, $4  }
0x82: {  	s26 =	sadd.s32 $0x1480, s26  }
0x83: {  	[spmem:s2] =	stream.indirect.scatter.add.f32 [tilespmem:s16], [sflag:$0x3], $0x80, s26, s13, $0xb8;
	[tilespmem:$0x1E800] =	vst v63  }
0x84: {  	_ =	swait.ge [sflag:s9], $0x4000  }
0x85: {  	[sflag:s9] =	ssyncset.done $0x0  }
0x86: {  	[sflag:s9] =	ssyncadd.s32 $0xFFFFC000  }
0x87: {  	_ =	swait.ge [sflag:s15], $0x4000  }
0x88: {  	[sflag:s15] =	ssyncset.done $0x0  }
0x89: {  	[sflag:s15] =	ssyncadd.s32 $0xFFFFC000  }
0x8a: {  	[tilespmem:s16], [sflag:$0x2] =	stream.indirect.gather [hbm4b:s1+s13], $0x80, s18, s13, $0xb8;
	[tilespmem:$0x1E800] =	vst v63  }
0x8b: {  	_ = 	snop  }
0x8c: {  	[spmem:s2] =	stream.indirect.scatter.add.f32 [tilespmem:s14], [sflag:$0x3], $0x80, s19, s13, $0xb8;
	[tilespmem:$0x1E800] =	vst v63  }
0x8d: {  	_ =	swait.ge [sflag:s9], $0x4000  }
0x8e: {  	[sflag:s9] =	ssyncset.done $0x0  }
0x8f: {  	[sflag:s9] =	ssyncadd.s32 $0xFFFFC000  }
0x90: {  	_ =	swait.ge [sflag:s17], $0x4000  }
0x91: {  	[sflag:s17] =	ssyncset.done $0x0  }
0x92: {  	[sflag:s17] =	ssyncadd.s32 $0xFFFFC000  }
0x93: {  	[spmem:s2] =	stream.indirect.scatter.add.f32 [tilespmem:s16], [sflag:$0x3], $0x80, s20, s13, $0xb8;
	[tilespmem:$0x1E800] =	vst v63  }
0x94: {  	_ =	swait.ge [sflag:s9], $0x4000  }
0x95: {  	s24 =	sadd.s32 $0x1, s24;
	[sflag:s9] =	ssyncset.done $0x0  }
0x96: {  	p0 =	sne.s32 s24, s7;
	[sflag:s9] =	ssyncadd.s32 $0xFFFFC000  }
.Ltmp2:
0x97: {  	[bflag:$0x0] =	sbarrier.arrive $0xFFFF;
	(pc) =	sbr.rel @p0 .LBB2_1-.Ltmp2, $4  }
0x98: {  	[hbm:s23], [sflag:s6] =	dma.local [spmem:s8], $0x2800  }
0x99: {  	_ =	swait.ge [sflag:s9], $0x2800  }
0x9a: {  	[sflag:s9] =	ssyncset.done $0x0  }
0x9b: {  	[sflag:s9] =	ssyncadd.s32 $0xFFFFD800  }
0x9c: {  	_ =	sfence.sel $0x180000  }
0x9d: {  	[bflag:$0x0] =	sbarrier.arrive $0xFFFF  }
0x9e: {  	p0 =	sne.s32 s4, $0x0;
	_ =	strace $0x90000053  }
0x9f: {  	s0 =	sadd.s32 @!p0 $0x100000, s0;
	[bflag:$0x2] =	sbarrier.arrive $0xFFFF  }
0xa0: {  	[sflag:s0] =	ssyncadd.tile.s32 @!p0 $0x1;
	_ =	shalt  }
.Lfunc_end2:
_tile_overlayer_lowered:
.L_overlay_start_2:
0xa1: {  	(tag) =	ssettag $0x2  }
0xa2: {  	s0 =	rddreg [dreg:$0x0];
	s2 =	stileid.u32  }
0xa3: {  	s1 =	rddreg [dreg:$0x1];
	p0 =	sne.s32 s2, $0x0  }
0xa4: {  	s3 =	rddreg [dreg:$0x2];
	[bflag:$0x3] =	sbarrier.arrive $0xFFFF;
	s2 =	simm.s32 @!p0 $0x1C03  }
0xa5: {  	[timem:s3], [sflag:s2] =	dma.local @!p0 [hbm:s0], s1  }
0xa6: {  	s0 =	simm.s32 @!p0 $0x3  }
0xa7: {  	_ =	swait.ge @!p0 [sflag:s0], s1  }
0xa8: {  	s1 =	ssub.s32 @!p0 $0x0, s1;
	[sflag:s0] =	ssyncset.done @!p0 $0x0  }
0xa9: {  	[sflag:s0] =	ssyncadd.s32 @!p0 s1  }
0xaa: {  	[bflag:$0x3] =	sbarrier.arrive $0xFFFF  }
0xab: {  	_ =	shalt  }

</sc_bundles>
